<compile_context>
chip_gen: v7x
topology: tpu7x:2x2x1
jax: 0.10.2.dev20260603
libtpu: 0.0.44.dev20260713+nightly
codegen_flags: <defaults>
</compile_context>

<pallas_src>
import functools

import jax
import jax.numpy as jnp
import numpy as np
from jax import lax
from jax.experimental import pallas as pl
from jax.experimental.pallas import tpu as pltpu
from jax.experimental.pallas import tpu_sc as plsc

N = 10000
E = 160000
D = 128
DEA = 16
NH = 10000
KNN = 4

NC, NS = 2, 16
NW = NC * NS
CH = 128
EPW_RAW = E // NW
NCHUNK = 40
EPW = NCHUNK * CH
RPT = 632
NACC = NS * RPT

NHP = 10240
NP = 10240
QB = 128
GCH = 10

_SC_MESH = plsc.VectorSubcoreMesh(core_axis_name="c", subcore_axis_name="s")


def _spmm_body(x_h, src_h, dst_h, z_h, h_out, src_v, dst_v, rows_a, rows_b,
               sem_a, sem_b, acc_sh):
    c = lax.axis_index("c")
    s = lax.axis_index("s")
    w = s * NC + c
    r0 = s * RPT
    pltpu.sync_copy(z_h, acc_sh.at[pl.ds(r0, RPT)])
    plsc.subcore_barrier()
    pltpu.sync_copy(src_h.at[w], src_v)
    pltpu.sync_copy(dst_h.at[w], dst_v)

    bufs = (rows_a, rows_b)
    sems = (sem_a, sem_b)

    def gstart(j, buf, sem):
        pltpu.async_copy(x_h.at[src_v.at[j]], buf, sem)

    def gdrain(buf, sem):
        pltpu.make_async_copy(x_h.at[pl.ds(0, CH)], buf, sem).wait()

    gstart(0, rows_a, sem_a)
    gstart(1, rows_b, sem_b)

    def step(i, carry):
        for b in range(2):
            j = 2 * i + b
            gdrain(bufs[b], sems[b])

            @pl.when(j + 2 < NCHUNK)
            def _():
                gstart(j + 2, bufs[b], sems[b])

            pltpu.sync_copy(bufs[b], acc_sh.at[dst_v.at[j]], add=True)
        return carry

    lax.fori_loop(0, NCHUNK // 2, step, 0)
    plsc.subcore_barrier()
    pltpu.sync_copy(acc_sh.at[pl.ds(r0, RPT)], h_out.at[c, pl.ds(r0, RPT)])


_SPMM = pl.kernel(
    _spmm_body,
    out_type=jax.ShapeDtypeStruct((NC, NACC, D), jnp.float32),
    mesh=_SC_MESH,
    scratch_types=[
        pltpu.VMEM((NCHUNK, CH), jnp.int32),
        pltpu.VMEM((NCHUNK, CH), jnp.int32),
        pltpu.VMEM((CH, D), jnp.float32),
        pltpu.VMEM((CH, D), jnp.float32),
        pltpu.SemaphoreType.DMA,
        pltpu.SemaphoreType.DMA,
        pltpu.VMEM_SHARED((NACC, D), jnp.float32),
    ],
)




def _gather_body(y_h, idx_h, out_h, idx_v, rows_a, rows_b, sem_a, sem_b):
    c = lax.axis_index("c")
    s = lax.axis_index("s")
    w = s * NC + c
    pltpu.sync_copy(idx_h.at[w], idx_v)
    bufs = (rows_a, rows_b)
    sems = (sem_a, sem_b)

    pltpu.async_copy(y_h.at[idx_v.at[0]], rows_a, sem_a)
    pltpu.async_copy(y_h.at[idx_v.at[1]], rows_b, sem_b)

    def step(i, carry):
        for b in range(2):
            j = 2 * i + b
            pltpu.make_async_copy(y_h.at[pl.ds(0, CH)], bufs[b],
                                  sems[b]).wait()

            @pl.when(j + 2 < GCH)
            def _():
                pltpu.async_copy(y_h.at[idx_v.at[j + 2]], bufs[b], sems[b])

            pltpu.sync_copy(bufs[b], out_h.at[pl.ds((w * GCH + j) * CH, CH)])
        return carry

    lax.fori_loop(0, GCH // 2, step, 0)


_GATHER = pl.kernel(
    _gather_body,
    out_type=jax.ShapeDtypeStruct((NW * GCH * CH, D), jnp.float32),
    mesh=_SC_MESH,
    scratch_types=[
        pltpu.VMEM((GCH, CH), jnp.int32),
        pltpu.VMEM((CH, D), jnp.float32),
        pltpu.VMEM((CH, D), jnp.float32),
        pltpu.SemaphoreType.DMA,
        pltpu.SemaphoreType.DMA,
    ],
)


def _make_conv_tc(relu, skip):
    RB = 400

    def body(*refs):
        if skip:
            hp_ref, ea_ref, wx_ref, we_ref, x_ref, o_ref = refs
        else:
            hp_ref, ea_ref, wx_ref, we_ref, o_ref = refs
        h = hp_ref[0] + hp_ref[1]
        ag = ea_ref[0] + ea_ref[1]
        num = jnp.dot(h, wx_ref[...], preferred_element_type=jnp.float32)
        num = num + jnp.dot(ag, we_ref[...], preferred_element_type=jnp.float32)
        deg = ag[:, 4:5]
        out = num / jnp.maximum(deg, 1.0)
        if relu:
            out = jnp.maximum(out, 0.0)
        if skip:
            out = out + x_ref[...]
        o_ref[...] = out

    in_specs = [
        pl.BlockSpec((NC, RB, D), lambda i: (0, i, 0)),
        pl.BlockSpec((NC, RB, D), lambda i: (0, i, 0)),
        pl.BlockSpec((D, D), lambda i: (0, 0)),
        pl.BlockSpec((D, D), lambda i: (0, 0)),
    ]
    if skip:
        in_specs.append(pl.BlockSpec((RB, D), lambda i: (i, 0)))
    return pl.pallas_call(
        body,
        grid=(N // RB,),
        in_specs=in_specs,
        out_specs=pl.BlockSpec((RB, D), lambda i: (i, 0)),
        out_shape=jax.ShapeDtypeStruct((N, D), jnp.float32),
    )


_CONV_RELU = _make_conv_tc(True, False)
_CONV_SKIP = _make_conv_tc(False, True)


NG = NP // D
_BIG = float(np.float32(3e38))


def _knn_body(ph_ref, px_ref, w_ref, i_ref):
    ph = ph_ref[...]
    px = px_ref[...]
    d2 = None
    for ci in range(3):
        diff = ph[:, ci:ci + 1] - px[ci:ci + 1, :]
        sq = diff * diff
        d2 = sq if d2 is None else d2 + sq
    iota = lax.broadcasted_iota(jnp.int32, (QB, NP), 1)
    ms, ids = [], []
    for _ in range(KNN):
        m = jnp.min(d2, axis=1, keepdims=True)
        sel = jnp.where(d2 == m, iota, NP)
        ij = jnp.min(sel, axis=1, keepdims=True)
        ms.append(m)
        ids.append(ij)
        d2 = jnp.where(iota == ij, _BIG, d2)
    ws = [1.0 / (m + 1e-8) for m in ms]
    wtot = ws[0] + ws[1] + ws[2] + ws[3]
    wn = [wk / wtot for wk in ws]
    w_ref[...] = jnp.concatenate(
        wn + [jnp.zeros((QB, D - KNN), jnp.float32)], axis=1)
    i_ref[...] = jnp.concatenate(
        ids + [jnp.zeros((QB, D - KNN), jnp.int32)], axis=1)


_KNN = pl.pallas_call(
    _knn_body,
    grid=(NHP // QB,),
    in_specs=[
        pl.BlockSpec((QB, 8), lambda i: (i, 0)),
        pl.BlockSpec((8, NP), lambda i: (0, 0)),
    ],
    out_specs=[
        pl.BlockSpec((QB, D), lambda i: (i, 0)),
        pl.BlockSpec((QB, D), lambda i: (i, 0)),
    ],
    out_shape=[
        jax.ShapeDtypeStruct((NHP, D), jnp.float32),
        jax.ShapeDtypeStruct((NHP, D), jnp.int32),
    ],
)


def _wsum_body(yg_ref, w_ref, o_ref):
    w = w_ref[...]
    acc = None
    for j in range(KNN):
        term = w[:, j:j + 1] * yg_ref[:, j * D:(j + 1) * D]
        acc = term if acc is None else acc + term
    o_ref[...] = acc


_WSUM = pl.pallas_call(
    _wsum_body,
    grid=(NH // 400,),
    in_specs=[
        pl.BlockSpec((400, KNN * D), lambda i: (i, 0)),
        pl.BlockSpec((400, KNN), lambda i: (i, 0)),
    ],
    out_specs=pl.BlockSpec((400, D), lambda i: (i, 0)),
    out_shape=jax.ShapeDtypeStruct((NH, D), jnp.float32),
)


def _eff_weights(W, b, alpha, din):
    al = jax.nn.softmax(alpha)
    W_eff = jnp.einsum('k,kio->io', al, W)
    dout = W.shape[2]
    we_ext = jnp.concatenate(
        [W_eff[din:din + 4], b[None, :],
         jnp.zeros((D - 5, dout), jnp.float32)], axis=0)
    return W_eff[:din], we_ext


def kernel(x, edge_index, edge_attr, pos, edge_index_high, edge_attr_high,
           pos_high, W1, b1, alpha1, W2, b2, alpha2, W3, b3, alpha3):
    x = x.astype(jnp.float32)
    src = edge_index[0].astype(jnp.int32)
    dst = edge_index[1].astype(jnp.int32)

    padi = jnp.full((NW, EPW - EPW_RAW), N, jnp.int32)
    src3 = jnp.concatenate([src.reshape(NW, EPW_RAW), padi],
                           axis=1).reshape(NW, NCHUNK, CH)
    dst3 = jnp.concatenate([dst.reshape(NW, EPW_RAW), padi],
                           axis=1).reshape(NW, NCHUNK, CH)
    ea2 = edge_attr.astype(jnp.float32).reshape(NW, EPW_RAW, 4)
    payload = jnp.concatenate(
        [ea2, jnp.ones((NW, EPW_RAW, 1), jnp.float32),
         jnp.zeros((NW, EPW_RAW, D - 5), jnp.float32)], axis=2)
    eap = jnp.concatenate(
        [payload, jnp.zeros((NW, EPW - EPW_RAW, D), jnp.float32)],
        axis=1).reshape(NW * EPW, D)
    eid3 = jnp.arange(NW * EPW, dtype=jnp.int32).reshape(NW, NCHUNK, CH)

    z128 = jnp.zeros((RPT, D), jnp.float32)
    rowpad = jnp.zeros((NACC - N, D), jnp.float32)

    w1x, w1e = _eff_weights(W1, b1, alpha1, D)
    w2x, w2e = _eff_weights(W2, b2, alpha2, D)
    w3x, w3e = _eff_weights(W3, b3, alpha3, D)

    ph8 = jnp.concatenate(
        [pos_high.astype(jnp.float32),
         jnp.zeros((NH, 5), jnp.float32)], axis=1)
    ph8 = jnp.concatenate([ph8, jnp.zeros((NHP - NH, 8), jnp.float32)], axis=0)
    pxt = jnp.concatenate(
        [pos.astype(jnp.float32).T,
         jnp.full((3, NP - N), 1e9, jnp.float32)], axis=1)
    px8 = jnp.concatenate([pxt, jnp.zeros((5, NP), jnp.float32)], axis=0)
    w_pad, i_pad = _KNN(ph8, px8)
    w4 = w_pad[:NH, :KNN]
    idx4 = jnp.clip(i_pad[:NH, :KNN], 0, N - 1)
    idxf = jnp.concatenate(
        [idx4.reshape(-1),
         jnp.zeros((NW * GCH * CH - NH * KNN,), jnp.int32)], axis=0)

    eapart = _SPMM(eap, eid3, dst3, z128)
    ea_sl = eapart[:, :N]

    xp = jnp.concatenate([x, rowpad], axis=0)
    h1p = _SPMM(xp, src3, dst3, z128)
    e1 = _CONV_RELU(h1p[:, :N], ea_sl, w1x, w1e)

    h2p = _SPMM(jnp.concatenate([e1, rowpad], axis=0), src3, dst3, z128)
    e2 = _CONV_RELU(h2p[:, :N], ea_sl, w2x, w2e)

    h3p = _SPMM(jnp.concatenate([e2, rowpad], axis=0), src3, dst3, z128)
    y = _CONV_SKIP(h3p[:, :N], ea_sl, w3x, w3e, x)

    yg = _GATHER(y, idxf.reshape(NW, GCH, CH))
    yg4 = yg[:NH * KNN].reshape(NH, KNN * D)
    return _WSUM(yg4, w4)

# --- scband reference (transcript-rebuilt; emitter-appended) ---
"""Pipeline reference for scband-heat-transfer-network-73031623901252 (READ-ONLY COPY).

The authoritative reference and input builder live on the scoring server;
editing this copy changes nothing except your own understanding.
"""

import jax, jax.numpy as jnp
import numpy as np

N = 10000
E = 160000
D_IN = 128
D_H = 128
D_OUT = 128
D_EDGE = 4
K = 4
NH = 10000
KNN_CHUNK = 1000


def _conv(x, pos, edge_index, edge_attr, W, b, alpha_param, act):
    # Multi-kernel conv with GLOBAL alpha: softmax over kernels, so the
    # alpha-weighted sum of per-kernel linear maps collapses to one effective map.
    alpha = jax.nn.softmax(alpha_param)
    W_eff = jnp.einsum('k,kio->io', alpha, W)
    src = edge_index[0]
    dst = edge_index[1]
    msg = jnp.concatenate([jnp.take(x, src, axis=0), edge_attr], axis=-1) @ W_eff + b
    agg = jax.ops.segment_sum(msg, dst, num_segments=x.shape[0])
    deg = jax.ops.segment_sum(jnp.ones((msg.shape[0],), msg.dtype), dst, num_segments=x.shape[0])
    out = agg / jnp.clip(deg, 1.0)[:, None]
    if act:
        out = jax.nn.relu(out)
    return out


def _knn_interpolate(feat, pos, pos_high, k):
    # PyG-style knn_interpolate: inverse-squared-distance weighted average of the
    # k nearest low-res points for every high-res point. Chunked over queries.
    outs = []
    for i in range(0, pos_high.shape[0], KNN_CHUNK):
        ph = pos_high[i:i + KNN_CHUNK]
        d2_ng = jnp.sum((jax.lax.stop_gradient(ph)[:, None, :] - jax.lax.stop_gradient(pos)[None, :, :]) ** 2, axis=-1)
        _, idx = jax.lax.top_k(-d2_ng, k)
        pj = jnp.take(pos, idx, axis=0)
        d2 = jnp.sum((ph[:, None, :] - pj) ** 2, axis=-1)
        w = 1.0 / (d2 + 1e-8)
        w = w / jnp.sum(w, axis=-1, keepdims=True)
        outs.append(jnp.sum(jnp.take(feat, idx, axis=0) * w[..., None], axis=1))
    return jnp.concatenate(outs, axis=0)


def setup_inputs(seed: int = 0):
    key = jax.random.key(seed)
    ks = jax.random.split(key, 16)
    s1 = 1.0 / np.sqrt(D_IN + D_EDGE)
    s2 = 1.0 / np.sqrt(D_H + D_EDGE)
    return {
        "x": jax.random.normal(ks[0], (N, D_IN), dtype=jnp.float32),
        "edge_index": jax.random.randint(ks[1], (2, E), 0, N),
        "edge_attr": jax.random.normal(ks[2], (E, D_EDGE), dtype=jnp.float32),
        "pos": jax.random.uniform(ks[3], (N, 3), dtype=jnp.float32),
        "edge_index_high": jax.random.randint(ks[4], (2, E), 0, NH),
        "edge_attr_high": jax.random.normal(ks[5], (E, D_EDGE), dtype=jnp.float32),
        "pos_high": jax.random.uniform(ks[6], (NH, 3), dtype=jnp.float32),
        "W1": jax.random.normal(ks[7], (K, D_IN + D_EDGE, D_H), dtype=jnp.float32) * s1,
        "b1": jnp.zeros((D_H,), dtype=jnp.float32),
        "alpha1": jax.random.normal(ks[8], (K,), dtype=jnp.float32),
        "W2": jax.random.normal(ks[9], (K, D_H + D_EDGE, D_H), dtype=jnp.float32) * s2,
        "b2": jnp.zeros((D_H,), dtype=jnp.float32),
        "alpha2": jax.random.normal(ks[10], (K,), dtype=jnp.float32),
        "W3": jax.random.normal(ks[11], (K, D_H + D_EDGE, D_OUT), dtype=jnp.float32) * s2,
        "b3": jnp.zeros((D_OUT,), dtype=jnp.float32),
        "alpha3": jax.random.normal(ks[12], (K,), dtype=jnp.float32),
    }


def reference(x, edge_index, edge_attr, pos, edge_index_high, edge_attr_high, pos_high,
              W1, b1, alpha1, W2, b2, alpha2, W3, b3, alpha3):
    e = _conv(x, pos, edge_index, edge_attr, W1, b1, alpha1, True)
    e = _conv(e, pos, edge_index, edge_attr, W2, b2, alpha2, True)
    e = _conv(e, pos, edge_index, edge_attr, W3, b3, alpha3, False)
    e_high = _knn_interpolate(e, pos, pos_high, K)
    x_high = _knn_interpolate(x, pos, pos_high, K)
    return x_high + e_high

if __name__ == "__main__":
    import jax
    _d = setup_inputs()
    print(jax.jit(kernel)(*tuple(_d.values())))

</pallas_src>

<mosaic_0001>
#map = affine_map<(d0, d1) -> (0, 0)>
#map1 = affine_map<(d0, d1) -> (0, 0, 0)>
module attributes {stable_mosaic.version = 14 : i64} {
  func.func @_spmm_body(%arg0: i32, %arg1: i32, %arg2: memref<10112x128xf32, #tpu.memory_space<hbm>>, %arg3: memref<32x40x128xi32, #tpu.memory_space<hbm>>, %arg4: memref<32x40x128xi32, #tpu.memory_space<hbm>>, %arg5: memref<632x128xf32, #tpu.memory_space<hbm>>, %arg6: memref<2x10112x128xf32, #tpu.memory_space<hbm>>, %arg7: memref<40x128xi32, #tpu.memory_space<vmem>>, %arg8: memref<40x128xi32, #tpu.memory_space<vmem>>, %arg9: memref<128x128xf32, #tpu.memory_space<vmem>>, %arg10: memref<128x128xf32, #tpu.memory_space<vmem>>, %arg11: memref<!tpu.dma_semaphore, #tpu.memory_space<semaphore_mem>>, %arg12: memref<!tpu.dma_semaphore, #tpu.memory_space<semaphore_mem>>, %arg13: memref<10112x128xf32, #tpu.memory_space<vmem_shared>>) attributes {dimension_semantics = [#tpu.dimension_semantics<core_parallel>, #tpu.dimension_semantics<subcore_parallel>], iteration_bounds = array<i64: 2, 16>, scalar_prefetch = 0 : i64, scratch_operands = 7 : i64, tpu.core_type = #tpu.core_type<sc_vector_subcore>, window_params = [{transform_indices = #map}, {transform_indices = #map1}, {transform_indices = #map1}, {transform_indices = #map}, {transform_indices = #map1}]} {
    %mul3A = arith.constant 2 : i32
    %mul3A_0 = arith.muli %arg1, %mul3A : i32
    %add3A = arith.addi %mul3A_0, %arg0 : i32
    %mul3A_1 = arith.constant 632 : i32
    %mul3A_2 = arith.muli %arg1, %mul3A_1 : i32
    "tpu.region"() ({
      %run_scoped3A = tpu.sem_alloc : memref<!tpu.dma_semaphore, #tpu.memory_space<semaphore_mem>>
      %dma_start3A_22 = arith.constant 0 : i32
      %dma_start3A_23 = tpu.memref_slice %arg13[%mul3A_2, %dma_start3A_22] : memref<10112x128xf32, #tpu.memory_space<vmem_shared>> -> memref<632x128xf32, #tpu.memory_space<vmem_shared>>
      tpu.enqueue_dma source(%arg5 : memref<632x128xf32, #tpu.memory_space<hbm>>) target(%dma_start3A_23 : memref<632x128xf32, #tpu.memory_space<vmem_shared>>) target_semaphore(%run_scoped3A : memref<!tpu.dma_semaphore, #tpu.memory_space<semaphore_mem>>)
      %dma_wait3A = arith.constant 0 : i32
      %dma_wait3A_24 = tpu.memref_slice %arg13[%mul3A_2, %dma_wait3A] : memref<10112x128xf32, #tpu.memory_space<vmem_shared>> -> memref<632x128xf32, #tpu.memory_space<vmem_shared>>
      tpu.wait_dma2 semaphore(%run_scoped3A : memref<!tpu.dma_semaphore, #tpu.memory_space<semaphore_mem>>) src(%arg5 : memref<632x128xf32, #tpu.memory_space<hbm>>) dst(%dma_wait3A_24 : memref<632x128xf32, #tpu.memory_space<vmem_shared>>)
      tpu.yield
    }) : () -> ()
    %barrier3A = arith.constant 0 : index
    tpu.barrier barrier_id(%barrier3A)
    "tpu.region"() ({
      %run_scoped3A = tpu.sem_alloc : memref<!tpu.dma_semaphore, #tpu.memory_space<semaphore_mem>>
      %dma_start3A_22 = arith.constant 0 : i32
      %dma_start3A_23 = arith.constant 0 : i32
      %dma_start3A_24 = tpu.memref_slice %arg3[%add3A, %dma_start3A_22, %dma_start3A_23] : memref<32x40x128xi32, #tpu.memory_space<hbm>> -> memref<1x40x128xi32, #tpu.memory_space<hbm>>
      %dma_start3A_25 = tpu.memref_squeeze %dma_start3A_24 : memref<1x40x128xi32, #tpu.memory_space<hbm>> -> memref<40x128xi32, #tpu.memory_space<hbm>>
      %dma_start3A_26 = arith.constant 0 : i32
      %dma_start3A_27 = arith.constant 0 : i32
      %dma_start3A_28 = tpu.memref_slice %arg3[%add3A, %dma_start3A_26, %dma_start3A_27] : memref<32x40x128xi32, #tpu.memory_space<hbm>> -> memref<1x40x128xi32, #tpu.memory_space<hbm>>
      %dma_start3A_29 = tpu.memref_squeeze %dma_start3A_28 : memref<1x40x128xi32, #tpu.memory_space<hbm>> -> memref<40x128xi32, #tpu.memory_space<hbm>>
      tpu.enqueue_dma source(%dma_start3A_29 : memref<40x128xi32, #tpu.memory_space<hbm>>) target(%arg7 : memref<40x128xi32, #tpu.memory_space<vmem>>) target_semaphore(%run_scoped3A : memref<!tpu.dma_semaphore, #tpu.memory_space<semaphore_mem>>)
      %dma_wait3A = arith.constant 0 : i32
      %dma_wait3A_30 = arith.constant 0 : i32
      %dma_wait3A_31 = tpu.memref_slice %arg3[%add3A, %dma_wait3A, %dma_wait3A_30] : memref<32x40x128xi32, #tpu.memory_space<hbm>> -> memref<1x40x128xi32, #tpu.memory_space<hbm>>
      %dma_wait3A_32 = tpu.memref_squeeze %dma_wait3A_31 : memref<1x40x128xi32, #tpu.memory_space<hbm>> -> memref<40x128xi32, #tpu.memory_space<hbm>>
      %dma_wait3A_33 = arith.constant 0 : i32
      %dma_wait3A_34 = arith.constant 0 : i32
      %dma_wait3A_35 = tpu.memref_slice %arg3[%add3A, %dma_wait3A_33, %dma_wait3A_34] : memref<32x40x128xi32, #tpu.memory_space<hbm>> -> memref<1x40x128xi32, #tpu.memory_space<hbm>>
      %dma_wait3A_36 = tpu.memref_squeeze %dma_wait3A_35 : memref<1x40x128xi32, #tpu.memory_space<hbm>> -> memref<40x128xi32, #tpu.memory_space<hbm>>
      tpu.wait_dma2 semaphore(%run_scoped3A : memref<!tpu.dma_semaphore, #tpu.memory_space<semaphore_mem>>) src(%dma_wait3A_36 : memref<40x128xi32, #tpu.memory_space<hbm>>) dst(%arg7 : memref<40x128xi32, #tpu.memory_space<vmem>>)
      tpu.yield
    }) : () -> ()
    "tpu.region"() ({
      %run_scoped3A = tpu.sem_alloc : memref<!tpu.dma_semaphore, #tpu.memory_space<semaphore_mem>>
      %dma_start3A_22 = arith.constant 0 : i32
      %dma_start3A_23 = arith.constant 0 : i32
      %dma_start3A_24 = tpu.memref_slice %arg4[%add3A, %dma_start3A_22, %dma_start3A_23] : memref<32x40x128xi32, #tpu.memory_space<hbm>> -> memref<1x40x128xi32, #tpu.memory_space<hbm>>
      %dma_start3A_25 = tpu.memref_squeeze %dma_start3A_24 : memref<1x40x128xi32, #tpu.memory_space<hbm>> -> memref<40x128xi32, #tpu.memory_space<hbm>>
      %dma_start3A_26 = arith.constant 0 : i32
      %dma_start3A_27 = arith.constant 0 : i32
      %dma_start3A_28 = tpu.memref_slice %arg4[%add3A, %dma_start3A_26, %dma_start3A_27] : memref<32x40x128xi32, #tpu.memory_space<hbm>> -> memref<1x40x128xi32, #tpu.memory_space<hbm>>
      %dma_start3A_29 = tpu.memref_squeeze %dma_start3A_28 : memref<1x40x128xi32, #tpu.memory_space<hbm>> -> memref<40x128xi32, #tpu.memory_space<hbm>>
      tpu.enqueue_dma source(%dma_start3A_29 : memref<40x128xi32, #tpu.memory_space<hbm>>) target(%arg8 : memref<40x128xi32, #tpu.memory_space<vmem>>) target_semaphore(%run_scoped3A : memref<!tpu.dma_semaphore, #tpu.memory_space<semaphore_mem>>)
      %dma_wait3A = arith.constant 0 : i32
      %dma_wait3A_30 = arith.constant 0 : i32
      %dma_wait3A_31 = tpu.memref_slice %arg4[%add3A, %dma_wait3A, %dma_wait3A_30] : memref<32x40x128xi32, #tpu.memory_space<hbm>> -> memref<1x40x128xi32, #tpu.memory_space<hbm>>
      %dma_wait3A_32 = tpu.memref_squeeze %dma_wait3A_31 : memref<1x40x128xi32, #tpu.memory_space<hbm>> -> memref<40x128xi32, #tpu.memory_space<hbm>>
      %dma_wait3A_33 = arith.constant 0 : i32
      %dma_wait3A_34 = arith.constant 0 : i32
      %dma_wait3A_35 = tpu.memref_slice %arg4[%add3A, %dma_wait3A_33, %dma_wait3A_34] : memref<32x40x128xi32, #tpu.memory_space<hbm>> -> memref<1x40x128xi32, #tpu.memory_space<hbm>>
      %dma_wait3A_36 = tpu.memref_squeeze %dma_wait3A_35 : memref<1x40x128xi32, #tpu.memory_space<hbm>> -> memref<40x128xi32, #tpu.memory_space<hbm>>
      tpu.wait_dma2 semaphore(%run_scoped3A : memref<!tpu.dma_semaphore, #tpu.memory_space<semaphore_mem>>) src(%dma_wait3A_36 : memref<40x128xi32, #tpu.memory_space<hbm>>) dst(%arg8 : memref<40x128xi32, #tpu.memory_space<vmem>>)
      tpu.yield
    }) : () -> ()
    %dma_start3A = arith.constant 0 : i32
    %dma_start3A_3 = arith.constant 0 : i32
    %dma_start3A_4 = tpu.memref_slice %arg7[%dma_start3A, %dma_start3A_3] : memref<40x128xi32, #tpu.memory_space<vmem>> -> memref<1x128xi32, #tpu.memory_space<vmem>>
    %dma_start3A_5 = tpu.memref_squeeze %dma_start3A_4 : memref<1x128xi32, #tpu.memory_space<vmem>> -> memref<128xi32, #tpu.memory_space<vmem>>
    %dma_start3A_6 = arith.constant 0 : i32
    %dma_start3A_7 = arith.constant 0 : i32
    %dma_start3A_8 = tpu.memref_slice %arg2[%dma_start3A_6, %dma_start3A_7] : memref<10112x128xf32, #tpu.memory_space<hbm>> -> memref<10112x128xf32, #tpu.memory_space<hbm>>
    tpu.enqueue_indirect_dma source(%dma_start3A_8 : memref<10112x128xf32, #tpu.memory_space<hbm>>) target(%arg9 : memref<128x128xf32, #tpu.memory_space<vmem>>) offsets(%dma_start3A_5 : memref<128xi32, #tpu.memory_space<vmem>>) semaphore(%arg11 : memref<!tpu.dma_semaphore, #tpu.memory_space<semaphore_mem>>)
    %dma_start3A_9 = arith.constant 1 : i32
    %dma_start3A_10 = arith.constant 0 : i32
    %dma_start3A_11 = tpu.memref_slice %arg7[%dma_start3A_9, %dma_start3A_10] : memref<40x128xi32, #tpu.memory_space<vmem>> -> memref<1x128xi32, #tpu.memory_space<vmem>>
    %dma_start3A_12 = tpu.memref_squeeze %dma_start3A_11 : memref<1x128xi32, #tpu.memory_space<vmem>> -> memref<128xi32, #tpu.memory_space<vmem>>
    %dma_start3A_13 = arith.constant 0 : i32
    %dma_start3A_14 = arith.constant 0 : i32
    %dma_start3A_15 = tpu.memref_slice %arg2[%dma_start3A_13, %dma_start3A_14] : memref<10112x128xf32, #tpu.memory_space<hbm>> -> memref<10112x128xf32, #tpu.memory_space<hbm>>
    tpu.enqueue_indirect_dma source(%dma_start3A_15 : memref<10112x128xf32, #tpu.memory_space<hbm>>) target(%arg10 : memref<128x128xf32, #tpu.memory_space<vmem>>) offsets(%dma_start3A_12 : memref<128xi32, #tpu.memory_space<vmem>>) semaphore(%arg12 : memref<!tpu.dma_semaphore, #tpu.memory_space<semaphore_mem>>)
    %scan3A = arith.constant 0 : i32
    %scan3A_16 = arith.constant 0 : i32
    %scan3A_17 = arith.constant 20 : i32
    %scan3A_18 = arith.addi %scan3A_16, %scan3A_17 : i32
    %scan3A_19 = arith.constant 1 : i32
    scf.for %scan3A_22 = %scan3A_16 to %scan3A_18 step %scan3A_19  : i32 {
      %mul3A_23 = arith.constant 2 : i32
      %mul3A_24 = arith.muli %mul3A_23, %scan3A_22 : i32
      %add3A_25 = arith.constant 0 : i32
      %add3A_26 = arith.addi %mul3A_24, %add3A_25 : i32
      %dma_wait3A = arith.constant 0 : i32
      %dma_wait3A_27 = arith.constant 0 : i32
      %dma_wait3A_28 = tpu.memref_slice %arg2[%dma_wait3A, %dma_wait3A_27] : memref<10112x128xf32, #tpu.memory_space<hbm>> -> memref<128x128xf32, #tpu.memory_space<hbm>>
      %dma_wait3A_29 = arith.constant 0 : i32
      %dma_wait3A_30 = arith.constant 0 : i32
      %dma_wait3A_31 = tpu.memref_slice %arg2[%dma_wait3A_29, %dma_wait3A_30] : memref<10112x128xf32, #tpu.memory_space<hbm>> -> memref<128x128xf32, #tpu.memory_space<hbm>>
      tpu.wait_dma2 semaphore(%arg11 : memref<!tpu.dma_semaphore, #tpu.memory_space<semaphore_mem>>) src(%dma_wait3A_31 : memref<128x128xf32, #tpu.memory_space<hbm>>) dst(%arg9 : memref<128x128xf32, #tpu.memory_space<vmem>>)
      %add3A_32 = arith.constant 2 : i32
      %add3A_33 = arith.addi %add3A_26, %add3A_32 : i32
      %lt3A = arith.constant 40 : i32
      %lt3A_34 = arith.cmpi slt, %add3A_33, %lt3A : i32
      %convert_element_type3A = arith.extui %lt3A_34 : i1 to i32
      %cond3A = arith.constant 0 : i32
      %cond3A_35 = arith.cmpi ne, %convert_element_type3A, %cond3A : i32
      scf.if %cond3A_35 {
        %add3A_53 = arith.constant 2 : i32
        %add3A_54 = arith.addi %add3A_26, %add3A_53 : i32
        %dma_start3A_55 = arith.constant 0 : i32
        %dma_start3A_56 = tpu.memref_slice %arg7[%add3A_54, %dma_start3A_55] : memref<40x128xi32, #tpu.memory_space<vmem>> -> memref<1x128xi32, #tpu.memory_space<vmem>>
        %dma_start3A_57 = tpu.memref_squeeze %dma_start3A_56 : memref<1x128xi32, #tpu.memory_space<vmem>> -> memref<128xi32, #tpu.memory_space<vmem>>
        %dma_start3A_58 = arith.constant 0 : i32
        %dma_start3A_59 = arith.constant 0 : i32
        %dma_start3A_60 = tpu.memref_slice %arg2[%dma_start3A_58, %dma_start3A_59] : memref<10112x128xf32, #tpu.memory_space<hbm>> -> memref<10112x128xf32, #tpu.memory_space<hbm>>
        tpu.enqueue_indirect_dma source(%dma_start3A_60 : memref<10112x128xf32, #tpu.memory_space<hbm>>) target(%arg9 : memref<128x128xf32, #tpu.memory_space<vmem>>) offsets(%dma_start3A_57 : memref<128xi32, #tpu.memory_space<vmem>>) semaphore(%arg11 : memref<!tpu.dma_semaphore, #tpu.memory_space<semaphore_mem>>)
      } else {
      }
      "tpu.region"() ({
        %run_scoped3A = tpu.sem_alloc : memref<!tpu.dma_semaphore, #tpu.memory_space<semaphore_mem>>
        %dma_start3A_53 = arith.constant 0 : i32
        %dma_start3A_54 = tpu.memref_slice %arg8[%add3A_26, %dma_start3A_53] : memref<40x128xi32, #tpu.memory_space<vmem>> -> memref<1x128xi32, #tpu.memory_space<vmem>>
        %dma_start3A_55 = tpu.memref_squeeze %dma_start3A_54 : memref<1x128xi32, #tpu.memory_space<vmem>> -> memref<128xi32, #tpu.memory_space<vmem>>
        %dma_start3A_56 = arith.constant 0 : i32
        %dma_start3A_57 = arith.constant 0 : i32
        %dma_start3A_58 = tpu.memref_slice %arg13[%dma_start3A_56, %dma_start3A_57] : memref<10112x128xf32, #tpu.memory_space<vmem_shared>> -> memref<10112x128xf32, #tpu.memory_space<vmem_shared>>
        tpu.enqueue_indirect_dma source(%arg9 : memref<128x128xf32, #tpu.memory_space<vmem>>) target(%dma_start3A_58 : memref<10112x128xf32, #tpu.memory_space<vmem_shared>>) offsets(%dma_start3A_55 : memref<128xi32, #tpu.memory_space<vmem>>) semaphore(%run_scoped3A : memref<!tpu.dma_semaphore, #tpu.memory_space<semaphore_mem>>) {add = true}
        %dma_wait3A_59 = arith.constant 0 : i32
        %dma_wait3A_60 = tpu.memref_slice %arg8[%add3A_26, %dma_wait3A_59] : memref<40x128xi32, #tpu.memory_space<vmem>> -> memref<1x128xi32, #tpu.memory_space<vmem>>
        %dma_wait3A_61 = tpu.memref_squeeze %dma_wait3A_60 : memref<1x128xi32, #tpu.memory_space<vmem>> -> memref<128xi32, #tpu.memory_space<vmem>>
        %dma_wait3A_62 = arith.constant 0 : i32
        %dma_wait3A_63 = arith.constant 0 : i32
        %dma_wait3A_64 = tpu.memref_slice %arg13[%dma_wait3A_62, %dma_wait3A_63] : memref<10112x128xf32, #tpu.memory_space<vmem_shared>> -> memref<10112x128xf32, #tpu.memory_space<vmem_shared>>
        tpu.wait_indirect_dma semaphore(%run_scoped3A : memref<!tpu.dma_semaphore, #tpu.memory_space<semaphore_mem>>) src(%arg9 : memref<128x128xf32, #tpu.memory_space<vmem>>) dst(%dma_wait3A_64 : memref<10112x128xf32, #tpu.memory_space<vmem_shared>>)
        tpu.yield
      }) : () -> ()
      %mul3A_36 = arith.constant 2 : i32
      %mul3A_37 = arith.muli %mul3A_36, %scan3A_22 : i32
      %add3A_38 = arith.constant 1 : i32
      %add3A_39 = arith.addi %mul3A_37, %add3A_38 : i32
      %dma_wait3A_40 = arith.constant 0 : i32
      %dma_wait3A_41 = arith.constant 0 : i32
      %dma_wait3A_42 = tpu.memref_slice %arg2[%dma_wait3A_40, %dma_wait3A_41] : memref<10112x128xf32, #tpu.memory_space<hbm>> -> memref<128x128xf32, #tpu.memory_space<hbm>>
      %dma_wait3A_43 = arith.constant 0 : i32
      %dma_wait3A_44 = arith.constant 0 : i32
      %dma_wait3A_45 = tpu.memref_slice %arg2[%dma_wait3A_43, %dma_wait3A_44] : memref<10112x128xf32, #tpu.memory_space<hbm>> -> memref<128x128xf32, #tpu.memory_space<hbm>>
      tpu.wait_dma2 semaphore(%arg12 : memref<!tpu.dma_semaphore, #tpu.memory_space<semaphore_mem>>) src(%dma_wait3A_45 : memref<128x128xf32, #tpu.memory_space<hbm>>) dst(%arg10 : memref<128x128xf32, #tpu.memory_space<vmem>>)
      %add3A_46 = arith.constant 2 : i32
      %add3A_47 = arith.addi %add3A_39, %add3A_46 : i32
      %lt3A_48 = arith.constant 40 : i32
      %lt3A_49 = arith.cmpi slt, %add3A_47, %lt3A_48 : i32
      %convert_element_type3A_50 = arith.extui %lt3A_49 : i1 to i32
      %cond3A_51 = arith.constant 0 : i32
      %cond3A_52 = arith.cmpi ne, %convert_element_type3A_50, %cond3A_51 : i32
      scf.if %cond3A_52 {
        %add3A_53 = arith.constant 2 : i32
        %add3A_54 = arith.addi %add3A_39, %add3A_53 : i32
        %dma_start3A_55 = arith.constant 0 : i32
        %dma_start3A_56 = tpu.memref_slice %arg7[%add3A_54, %dma_start3A_55] : memref<40x128xi32, #tpu.memory_space<vmem>> -> memref<1x128xi32, #tpu.memory_space<vmem>>
        %dma_start3A_57 = tpu.memref_squeeze %dma_start3A_56 : memref<1x128xi32, #tpu.memory_space<vmem>> -> memref<128xi32, #tpu.memory_space<vmem>>
        %dma_start3A_58 = arith.constant 0 : i32
        %dma_start3A_59 = arith.constant 0 : i32
        %dma_start3A_60 = tpu.memref_slice %arg2[%dma_start3A_58, %dma_start3A_59] : memref<10112x128xf32, #tpu.memory_space<hbm>> -> memref<10112x128xf32, #tpu.memory_space<hbm>>
        tpu.enqueue_indirect_dma source(%dma_start3A_60 : memref<10112x128xf32, #tpu.memory_space<hbm>>) target(%arg10 : memref<128x128xf32, #tpu.memory_space<vmem>>) offsets(%dma_start3A_57 : memref<128xi32, #tpu.memory_space<vmem>>) semaphore(%arg12 : memref<!tpu.dma_semaphore, #tpu.memory_space<semaphore_mem>>)
      } else {
      }
      "tpu.region"() ({
        %run_scoped3A = tpu.sem_alloc : memref<!tpu.dma_semaphore, #tpu.memory_space<semaphore_mem>>
        %dma_start3A_53 = arith.constant 0 : i32
        %dma_start3A_54 = tpu.memref_slice %arg8[%add3A_39, %dma_start3A_53] : memref<40x128xi32, #tpu.memory_space<vmem>> -> memref<1x128xi32, #tpu.memory_space<vmem>>
        %dma_start3A_55 = tpu.memref_squeeze %dma_start3A_54 : memref<1x128xi32, #tpu.memory_space<vmem>> -> memref<128xi32, #tpu.memory_space<vmem>>
        %dma_start3A_56 = arith.constant 0 : i32
        %dma_start3A_57 = arith.constant 0 : i32
        %dma_start3A_58 = tpu.memref_slice %arg13[%dma_start3A_56, %dma_start3A_57] : memref<10112x128xf32, #tpu.memory_space<vmem_shared>> -> memref<10112x128xf32, #tpu.memory_space<vmem_shared>>
        tpu.enqueue_indirect_dma source(%arg10 : memref<128x128xf32, #tpu.memory_space<vmem>>) target(%dma_start3A_58 : memref<10112x128xf32, #tpu.memory_space<vmem_shared>>) offsets(%dma_start3A_55 : memref<128xi32, #tpu.memory_space<vmem>>) semaphore(%run_scoped3A : memref<!tpu.dma_semaphore, #tpu.memory_space<semaphore_mem>>) {add = true}
        %dma_wait3A_59 = arith.constant 0 : i32
        %dma_wait3A_60 = tpu.memref_slice %arg8[%add3A_39, %dma_wait3A_59] : memref<40x128xi32, #tpu.memory_space<vmem>> -> memref<1x128xi32, #tpu.memory_space<vmem>>
        %dma_wait3A_61 = tpu.memref_squeeze %dma_wait3A_60 : memref<1x128xi32, #tpu.memory_space<vmem>> -> memref<128xi32, #tpu.memory_space<vmem>>
        %dma_wait3A_62 = arith.constant 0 : i32
        %dma_wait3A_63 = arith.constant 0 : i32
        %dma_wait3A_64 = tpu.memref_slice %arg13[%dma_wait3A_62, %dma_wait3A_63] : memref<10112x128xf32, #tpu.memory_space<vmem_shared>> -> memref<10112x128xf32, #tpu.memory_space<vmem_shared>>
        tpu.wait_indirect_dma semaphore(%run_scoped3A : memref<!tpu.dma_semaphore, #tpu.memory_space<semaphore_mem>>) src(%arg10 : memref<128x128xf32, #tpu.memory_space<vmem>>) dst(%dma_wait3A_64 : memref<10112x128xf32, #tpu.memory_space<vmem_shared>>)
        tpu.yield
      }) : () -> ()
    }
    %scan3A_20 = arith.constant 20 : i32
    %barrier3A_21 = arith.constant 0 : index
    tpu.barrier barrier_id(%barrier3A_21)
    "tpu.region"() ({
      %run_scoped3A = tpu.sem_alloc : memref<!tpu.dma_semaphore, #tpu.memory_space<semaphore_mem>>
      %dma_start3A_22 = arith.constant 0 : i32
      %dma_start3A_23 = tpu.memref_slice %arg6[%arg0, %mul3A_2, %dma_start3A_22] : memref<2x10112x128xf32, #tpu.memory_space<hbm>> -> memref<1x632x128xf32, #tpu.memory_space<hbm>>
      %dma_start3A_24 = tpu.memref_squeeze %dma_start3A_23 : memref<1x632x128xf32, #tpu.memory_space<hbm>> -> memref<632x128xf32, #tpu.memory_space<hbm>>
      %dma_start3A_25 = arith.constant 0 : i32
      %dma_start3A_26 = tpu.memref_slice %arg13[%mul3A_2, %dma_start3A_25] : memref<10112x128xf32, #tpu.memory_space<vmem_shared>> -> memref<632x128xf32, #tpu.memory_space<vmem_shared>>
      tpu.enqueue_dma source(%dma_start3A_26 : memref<632x128xf32, #tpu.memory_space<vmem_shared>>) target(%dma_start3A_24 : memref<632x128xf32, #tpu.memory_space<hbm>>) target_semaphore(%run_scoped3A : memref<!tpu.dma_semaphore, #tpu.memory_space<semaphore_mem>>)
      %dma_wait3A = arith.constant 0 : i32
      %dma_wait3A_27 = tpu.memref_slice %arg6[%arg0, %mul3A_2, %dma_wait3A] : memref<2x10112x128xf32, #tpu.memory_space<hbm>> -> memref<1x632x128xf32, #tpu.memory_space<hbm>>
      %dma_wait3A_28 = tpu.memref_squeeze %dma_wait3A_27 : memref<1x632x128xf32, #tpu.memory_space<hbm>> -> memref<632x128xf32, #tpu.memory_space<hbm>>
      %dma_wait3A_29 = arith.constant 0 : i32
      %dma_wait3A_30 = tpu.memref_slice %arg13[%mul3A_2, %dma_wait3A_29] : memref<10112x128xf32, #tpu.memory_space<vmem_shared>> -> memref<632x128xf32, #tpu.memory_space<vmem_shared>>
      tpu.wait_dma2 semaphore(%run_scoped3A : memref<!tpu.dma_semaphore, #tpu.memory_space<semaphore_mem>>) src(%dma_wait3A_30 : memref<632x128xf32, #tpu.memory_space<vmem_shared>>) dst(%dma_wait3A_28 : memref<632x128xf32, #tpu.memory_space<hbm>>)
      tpu.yield
    }) : () -> ()
    return
  }
}

#map = affine_map<(d0, d1) -> (0, 0)>
#map1 = affine_map<(d0, d1) -> (0, 0, 0)>
module attributes {stable_mosaic.version = 14 : i64} {
  func.func @_spmm_body(%arg0: i32, %arg1: i32, %arg2: memref<163840x128xf32, #tpu.memory_space<hbm>>, %arg3: memref<32x40x128xi32, #tpu.memory_space<hbm>>, %arg4: memref<32x40x128xi32, #tpu.memory_space<hbm>>, %arg5: memref<632x128xf32, #tpu.memory_space<hbm>>, %arg6: memref<2x10112x128xf32, #tpu.memory_space<hbm>>, %arg7: memref<40x128xi32, #tpu.memory_space<vmem>>, %arg8: memref<40x128xi32, #tpu.memory_space<vmem>>, %arg9: memref<128x128xf32, #tpu.memory_space<vmem>>, %arg10: memref<128x128xf32, #tpu.memory_space<vmem>>, %arg11: memref<!tpu.dma_semaphore, #tpu.memory_space<semaphore_mem>>, %arg12: memref<!tpu.dma_semaphore, #tpu.memory_space<semaphore_mem>>, %arg13: memref<10112x128xf32, #tpu.memory_space<vmem_shared>>) attributes {dimension_semantics = [#tpu.dimension_semantics<core_parallel>, #tpu.dimension_semantics<subcore_parallel>], iteration_bounds = array<i64: 2, 16>, scalar_prefetch = 0 : i64, scratch_operands = 7 : i64, tpu.core_type = #tpu.core_type<sc_vector_subcore>, window_params = [{transform_indices = #map}, {transform_indices = #map1}, {transform_indices = #map1}, {transform_indices = #map}, {transform_indices = #map1}]} {
    %mul3A = arith.constant 2 : i32
    %mul3A_0 = arith.muli %arg1, %mul3A : i32
    %add3A = arith.addi %mul3A_0, %arg0 : i32
    %mul3A_1 = arith.constant 632 : i32
    %mul3A_2 = arith.muli %arg1, %mul3A_1 : i32
    "tpu.region"() ({
      %run_scoped3A = tpu.sem_alloc : memref<!tpu.dma_semaphore, #tpu.memory_space<semaphore_mem>>
      %dma_start3A_22 = arith.constant 0 : i32
      %dma_start3A_23 = tpu.memref_slice %arg13[%mul3A_2, %dma_start3A_22] : memref<10112x128xf32, #tpu.memory_space<vmem_shared>> -> memref<632x128xf32, #tpu.memory_space<vmem_shared>>
      tpu.enqueue_dma source(%arg5 : memref<632x128xf32, #tpu.memory_space<hbm>>) target(%dma_start3A_23 : memref<632x128xf32, #tpu.memory_space<vmem_shared>>) target_semaphore(%run_scoped3A : memref<!tpu.dma_semaphore, #tpu.memory_space<semaphore_mem>>)
      %dma_wait3A = arith.constant 0 : i32
      %dma_wait3A_24 = tpu.memref_slice %arg13[%mul3A_2, %dma_wait3A] : memref<10112x128xf32, #tpu.memory_space<vmem_shared>> -> memref<632x128xf32, #tpu.memory_space<vmem_shared>>
      tpu.wait_dma2 semaphore(%run_scoped3A : memref<!tpu.dma_semaphore, #tpu.memory_space<semaphore_mem>>) src(%arg5 : memref<632x128xf32, #tpu.memory_space<hbm>>) dst(%dma_wait3A_24 : memref<632x128xf32, #tpu.memory_space<vmem_shared>>)
      tpu.yield
    }) : () -> ()
    %barrier3A = arith.constant 0 : index
    tpu.barrier barrier_id(%barrier3A)
    "tpu.region"() ({
      %run_scoped3A = tpu.sem_alloc : memref<!tpu.dma_semaphore, #tpu.memory_space<semaphore_mem>>
      %dma_start3A_22 = arith.constant 0 : i32
      %dma_start3A_23 = arith.constant 0 : i32
      %dma_start3A_24 = tpu.memref_slice %arg3[%add3A, %dma_start3A_22, %dma_start3A_23] : memref<32x40x128xi32, #tpu.memory_space<hbm>> -> memref<1x40x128xi32, #tpu.memory_space<hbm>>
      %dma_start3A_25 = tpu.memref_squeeze %dma_start3A_24 : memref<1x40x128xi32, #tpu.memory_space<hbm>> -> memref<40x128xi32, #tpu.memory_space<hbm>>
      %dma_start3A_26 = arith.constant 0 : i32
      %dma_start3A_27 = arith.constant 0 : i32
      %dma_start3A_28 = tpu.memref_slice %arg3[%add3A, %dma_start3A_26, %dma_start3A_27] : memref<32x40x128xi32, #tpu.memory_space<hbm>> -> memref<1x40x128xi32, #tpu.memory_space<hbm>>
      %dma_start3A_29 = tpu.memref_squeeze %dma_start3A_28 : memref<1x40x128xi32, #tpu.memory_space<hbm>> -> memref<40x128xi32, #tpu.memory_space<hbm>>
      tpu.enqueue_dma source(%dma_start3A_29 : memref<40x128xi32, #tpu.memory_space<hbm>>) target(%arg7 : memref<40x128xi32, #tpu.memory_space<vmem>>) target_semaphore(%run_scoped3A : memref<!tpu.dma_semaphore, #tpu.memory_space<semaphore_mem>>)
      %dma_wait3A = arith.constant 0 : i32
      %dma_wait3A_30 = arith.constant 0 : i32
      %dma_wait3A_31 = tpu.memref_slice %arg3[%add3A, %dma_wait3A, %dma_wait3A_30] : memref<32x40x128xi32, #tpu.memory_space<hbm>> -> memref<1x40x128xi32, #tpu.memory_space<hbm>>
      %dma_wait3A_32 = tpu.memref_squeeze %dma_wait3A_31 : memref<1x40x128xi32, #tpu.memory_space<hbm>> -> memref<40x128xi32, #tpu.memory_space<hbm>>
      %dma_wait3A_33 = arith.constant 0 : i32
      %dma_wait3A_34 = arith.constant 0 : i32
      %dma_wait3A_35 = tpu.memref_slice %arg3[%add3A, %dma_wait3A_33, %dma_wait3A_34] : memref<32x40x128xi32, #tpu.memory_space<hbm>> -> memref<1x40x128xi32, #tpu.memory_space<hbm>>
      %dma_wait3A_36 = tpu.memref_squeeze %dma_wait3A_35 : memref<1x40x128xi32, #tpu.memory_space<hbm>> -> memref<40x128xi32, #tpu.memory_space<hbm>>
      tpu.wait_dma2 semaphore(%run_scoped3A : memref<!tpu.dma_semaphore, #tpu.memory_space<semaphore_mem>>) src(%dma_wait3A_36 : memref<40x128xi32, #tpu.memory_space<hbm>>) dst(%arg7 : memref<40x128xi32, #tpu.memory_space<vmem>>)
      tpu.yield
    }) : () -> ()
    "tpu.region"() ({
      %run_scoped3A = tpu.sem_alloc : memref<!tpu.dma_semaphore, #tpu.memory_space<semaphore_mem>>
      %dma_start3A_22 = arith.constant 0 : i32
      %dma_start3A_23 = arith.constant 0 : i32
      %dma_start3A_24 = tpu.memref_slice %arg4[%add3A, %dma_start3A_22, %dma_start3A_23] : memref<32x40x128xi32, #tpu.memory_space<hbm>> -> memref<1x40x128xi32, #tpu.memory_space<hbm>>
      %dma_start3A_25 = tpu.memref_squeeze %dma_start3A_24 : memref<1x40x128xi32, #tpu.memory_space<hbm>> -> memref<40x128xi32, #tpu.memory_space<hbm>>
      %dma_start3A_26 = arith.constant 0 : i32
      %dma_start3A_27 = arith.constant 0 : i32
      %dma_start3A_28 = tpu.memref_slice %arg4[%add3A, %dma_start3A_26, %dma_start3A_27] : memref<32x40x128xi32, #tpu.memory_space<hbm>> -> memref<1x40x128xi32, #tpu.memory_space<hbm>>
      %dma_start3A_29 = tpu.memref_squeeze %dma_start3A_28 : memref<1x40x128xi32, #tpu.memory_space<hbm>> -> memref<40x128xi32, #tpu.memory_space<hbm>>
      tpu.enqueue_dma source(%dma_start3A_29 : memref<40x128xi32, #tpu.memory_space<hbm>>) target(%arg8 : memref<40x128xi32, #tpu.memory_space<vmem>>) target_semaphore(%run_scoped3A : memref<!tpu.dma_semaphore, #tpu.memory_space<semaphore_mem>>)
      %dma_wait3A = arith.constant 0 : i32
      %dma_wait3A_30 = arith.constant 0 : i32
      %dma_wait3A_31 = tpu.memref_slice %arg4[%add3A, %dma_wait3A, %dma_wait3A_30] : memref<32x40x128xi32, #tpu.memory_space<hbm>> -> memref<1x40x128xi32, #tpu.memory_space<hbm>>
      %dma_wait3A_32 = tpu.memref_squeeze %dma_wait3A_31 : memref<1x40x128xi32, #tpu.memory_space<hbm>> -> memref<40x128xi32, #tpu.memory_space<hbm>>
      %dma_wait3A_33 = arith.constant 0 : i32
      %dma_wait3A_34 = arith.constant 0 : i32
      %dma_wait3A_35 = tpu.memref_slice %arg4[%add3A, %dma_wait3A_33, %dma_wait3A_34] : memref<32x40x128xi32, #tpu.memory_space<hbm>> -> memref<1x40x128xi32, #tpu.memory_space<hbm>>
      %dma_wait3A_36 = tpu.memref_squeeze %dma_wait3A_35 : memref<1x40x128xi32, #tpu.memory_space<hbm>> -> memref<40x128xi32, #tpu.memory_space<hbm>>
      tpu.wait_dma2 semaphore(%run_scoped3A : memref<!tpu.dma_semaphore, #tpu.memory_space<semaphore_mem>>) src(%dma_wait3A_36 : memref<40x128xi32, #tpu.memory_space<hbm>>) dst(%arg8 : memref<40x128xi32, #tpu.memory_space<vmem>>)
      tpu.yield
    }) : () -> ()
    %dma_start3A = arith.constant 0 : i32
    %dma_start3A_3 = arith.constant 0 : i32
    %dma_start3A_4 = tpu.memref_slice %arg7[%dma_start3A, %dma_start3A_3] : memref<40x128xi32, #tpu.memory_space<vmem>> -> memref<1x128xi32, #tpu.memory_space<vmem>>
    %dma_start3A_5 = tpu.memref_squeeze %dma_start3A_4 : memref<1x128xi32, #tpu.memory_space<vmem>> -> memref<128xi32, #tpu.memory_space<vmem>>
    %dma_start3A_6 = arith.constant 0 : i32
    %dma_start3A_7 = arith.constant 0 : i32
    %dma_start3A_8 = tpu.memref_slice %arg2[%dma_start3A_6, %dma_start3A_7] : memref<163840x128xf32, #tpu.memory_space<hbm>> -> memref<163840x128xf32, #tpu.memory_space<hbm>>
    tpu.enqueue_indirect_dma source(%dma_start3A_8 : memref<163840x128xf32, #tpu.memory_space<hbm>>) target(%arg9 : memref<128x128xf32, #tpu.memory_space<vmem>>) offsets(%dma_start3A_5 : memref<128xi32, #tpu.memory_space<vmem>>) semaphore(%arg11 : memref<!tpu.dma_semaphore, #tpu.memory_space<semaphore_mem>>)
    %dma_start3A_9 = arith.constant 1 : i32
    %dma_start3A_10 = arith.constant 0 : i32
    %dma_start3A_11 = tpu.memref_slice %arg7[%dma_start3A_9, %dma_start3A_10] : memref<40x128xi32, #tpu.memory_space<vmem>> -> memref<1x128xi32, #tpu.memory_space<vmem>>
    %dma_start3A_12 = tpu.memref_squeeze %dma_start3A_11 : memref<1x128xi32, #tpu.memory_space<vmem>> -> memref<128xi32, #tpu.memory_space<vmem>>
    %dma_start3A_13 = arith.constant 0 : i32
    %dma_start3A_14 = arith.constant 0 : i32
    %dma_start3A_15 = tpu.memref_slice %arg2[%dma_start3A_13, %dma_start3A_14] : memref<163840x128xf32, #tpu.memory_space<hbm>> -> memref<163840x128xf32, #tpu.memory_space<hbm>>
    tpu.enqueue_indirect_dma source(%dma_start3A_15 : memref<163840x128xf32, #tpu.memory_space<hbm>>) target(%arg10 : memref<128x128xf32, #tpu.memory_space<vmem>>) offsets(%dma_start3A_12 : memref<128xi32, #tpu.memory_space<vmem>>) semaphore(%arg12 : memref<!tpu.dma_semaphore, #tpu.memory_space<semaphore_mem>>)
    %scan3A = arith.constant 0 : i32
    %scan3A_16 = arith.constant 0 : i32
    %scan3A_17 = arith.constant 20 : i32
    %scan3A_18 = arith.addi %scan3A_16, %scan3A_17 : i32
    %scan3A_19 = arith.constant 1 : i32
    scf.for %scan3A_22 = %scan3A_16 to %scan3A_18 step %scan3A_19  : i32 {
      %mul3A_23 = arith.constant 2 : i32
      %mul3A_24 = arith.muli %mul3A_23, %scan3A_22 : i32
      %add3A_25 = arith.constant 0 : i32
      %add3A_26 = arith.addi %mul3A_24, %add3A_25 : i32
      %dma_wait3A = arith.constant 0 : i32
      %dma_wait3A_27 = arith.constant 0 : i32
      %dma_wait3A_28 = tpu.memref_slice %arg2[%dma_wait3A, %dma_wait3A_27] : memref<163840x128xf32, #tpu.memory_space<hbm>> -> memref<128x128xf32, #tpu.memory_space<hbm>>
      %dma_wait3A_29 = arith.constant 0 : i32
      %dma_wait3A_30 = arith.constant 0 : i32
      %dma_wait3A_31 = tpu.memref_slice %arg2[%dma_wait3A_29, %dma_wait3A_30] : memref<163840x128xf32, #tpu.memory_space<hbm>> -> memref<128x128xf32, #tpu.memory_space<hbm>>
      tpu.wait_dma2 semaphore(%arg11 : memref<!tpu.dma_semaphore, #tpu.memory_space<semaphore_mem>>) src(%dma_wait3A_31 : memref<128x128xf32, #tpu.memory_space<hbm>>) dst(%arg9 : memref<128x128xf32, #tpu.memory_space<vmem>>)
      %add3A_32 = arith.constant 2 : i32
      %add3A_33 = arith.addi %add3A_26, %add3A_32 : i32
      %lt3A = arith.constant 40 : i32
      %lt3A_34 = arith.cmpi slt, %add3A_33, %lt3A : i32
      %convert_element_type3A = arith.extui %lt3A_34 : i1 to i32
      %cond3A = arith.constant 0 : i32
      %cond3A_35 = arith.cmpi ne, %convert_element_type3A, %cond3A : i32
      scf.if %cond3A_35 {
        %add3A_53 = arith.constant 2 : i32
        %add3A_54 = arith.addi %add3A_26, %add3A_53 : i32
        %dma_start3A_55 = arith.constant 0 : i32
        %dma_start3A_56 = tpu.memref_slice %arg7[%add3A_54, %dma_start3A_55] : memref<40x128xi32, #tpu.memory_space<vmem>> -> memref<1x128xi32, #tpu.memory_space<vmem>>
        %dma_start3A_57 = tpu.memref_squeeze %dma_start3A_56 : memref<1x128xi32, #tpu.memory_space<vmem>> -> memref<128xi32, #tpu.memory_space<vmem>>
        %dma_start3A_58 = arith.constant 0 : i32
        %dma_start3A_59 = arith.constant 0 : i32
        %dma_start3A_60 = tpu.memref_slice %arg2[%dma_start3A_58, %dma_start3A_59] : memref<163840x128xf32, #tpu.memory_space<hbm>> -> memref<163840x128xf32, #tpu.memory_space<hbm>>
        tpu.enqueue_indirect_dma source(%dma_start3A_60 : memref<163840x128xf32, #tpu.memory_space<hbm>>) target(%arg9 : memref<128x128xf32, #tpu.memory_space<vmem>>) offsets(%dma_start3A_57 : memref<128xi32, #tpu.memory_space<vmem>>) semaphore(%arg11 : memref<!tpu.dma_semaphore, #tpu.memory_space<semaphore_mem>>)
      } else {
      }
      "tpu.region"() ({
        %run_scoped3A = tpu.sem_alloc : memref<!tpu.dma_semaphore, #tpu.memory_space<semaphore_mem>>
        %dma_start3A_53 = arith.constant 0 : i32
        %dma_start3A_54 = tpu.memref_slice %arg8[%add3A_26, %dma_start3A_53] : memref<40x128xi32, #tpu.memory_space<vmem>> -> memref<1x128xi32, #tpu.memory_space<vmem>>
        %dma_start3A_55 = tpu.memref_squeeze %dma_start3A_54 : memref<1x128xi32, #tpu.memory_space<vmem>> -> memref<128xi32, #tpu.memory_space<vmem>>
        %dma_start3A_56 = arith.constant 0 : i32
        %dma_start3A_57 = arith.constant 0 : i32
        %dma_start3A_58 = tpu.memref_slice %arg13[%dma_start3A_56, %dma_start3A_57] : memref<10112x128xf32, #tpu.memory_space<vmem_shared>> -> memref<10112x128xf32, #tpu.memory_space<vmem_shared>>
        tpu.enqueue_indirect_dma source(%arg9 : memref<128x128xf32, #tpu.memory_space<vmem>>) target(%dma_start3A_58 : memref<10112x128xf32, #tpu.memory_space<vmem_shared>>) offsets(%dma_start3A_55 : memref<128xi32, #tpu.memory_space<vmem>>) semaphore(%run_scoped3A : memref<!tpu.dma_semaphore, #tpu.memory_space<semaphore_mem>>) {add = true}
        %dma_wait3A_59 = arith.constant 0 : i32
        %dma_wait3A_60 = tpu.memref_slice %arg8[%add3A_26, %dma_wait3A_59] : memref<40x128xi32, #tpu.memory_space<vmem>> -> memref<1x128xi32, #tpu.memory_space<vmem>>
        %dma_wait3A_61 = tpu.memref_squeeze %dma_wait3A_60 : memref<1x128xi32, #tpu.memory_space<vmem>> -> memref<128xi32, #tpu.memory_space<vmem>>
        %dma_wait3A_62 = arith.constant 0 : i32
        %dma_wait3A_63 = arith.constant 0 : i32
        %dma_wait3A_64 = tpu.memref_slice %arg13[%dma_wait3A_62, %dma_wait3A_63] : memref<10112x128xf32, #tpu.memory_space<vmem_shared>> -> memref<10112x128xf32, #tpu.memory_space<vmem_shared>>
        tpu.wait_indirect_dma semaphore(%run_scoped3A : memref<!tpu.dma_semaphore, #tpu.memory_space<semaphore_mem>>) src(%arg9 : memref<128x128xf32, #tpu.memory_space<vmem>>) dst(%dma_wait3A_64 : memref<10112x128xf32, #tpu.memory_space<vmem_shared>>)
        tpu.yield
      }) : () -> ()
      %mul3A_36 = arith.constant 2 : i32
      %mul3A_37 = arith.muli %mul3A_36, %scan3A_22 : i32
      %add3A_38 = arith.constant 1 : i32
      %add3A_39 = arith.addi %mul3A_37, %add3A_38 : i32
      %dma_wait3A_40 = arith.constant 0 : i32
      %dma_wait3A_41 = arith.constant 0 : i32
      %dma_wait3A_42 = tpu.memref_slice %arg2[%dma_wait3A_40, %dma_wait3A_41] : memref<163840x128xf32, #tpu.memory_space<hbm>> -> memref<128x128xf32, #tpu.memory_space<hbm>>
      %dma_wait3A_43 = arith.constant 0 : i32
      %dma_wait3A_44 = arith.constant 0 : i32
      %dma_wait3A_45 = tpu.memref_slice %arg2[%dma_wait3A_43, %dma_wait3A_44] : memref<163840x128xf32, #tpu.memory_space<hbm>> -> memref<128x128xf32, #tpu.memory_space<hbm>>
      tpu.wait_dma2 semaphore(%arg12 : memref<!tpu.dma_semaphore, #tpu.memory_space<semaphore_mem>>) src(%dma_wait3A_45 : memref<128x128xf32, #tpu.memory_space<hbm>>) dst(%arg10 : memref<128x128xf32, #tpu.memory_space<vmem>>)
      %add3A_46 = arith.constant 2 : i32
      %add3A_47 = arith.addi %add3A_39, %add3A_46 : i32
      %lt3A_48 = arith.constant 40 : i32
      %lt3A_49 = arith.cmpi slt, %add3A_47, %lt3A_48 : i32
      %convert_element_type3A_50 = arith.extui %lt3A_49 : i1 to i32
      %cond3A_51 = arith.constant 0 : i32
      %cond3A_52 = arith.cmpi ne, %convert_element_type3A_50, %cond3A_51 : i32
      scf.if %cond3A_52 {
        %add3A_53 = arith.constant 2 : i32
        %add3A_54 = arith.addi %add3A_39, %add3A_53 : i32
        %dma_start3A_55 = arith.constant 0 : i32
        %dma_start3A_56 = tpu.memref_slice %arg7[%add3A_54, %dma_start3A_55] : memref<40x128xi32, #tpu.memory_space<vmem>> -> memref<1x128xi32, #tpu.memory_space<vmem>>
        %dma_start3A_57 = tpu.memref_squeeze %dma_start3A_56 : memref<1x128xi32, #tpu.memory_space<vmem>> -> memref<128xi32, #tpu.memory_space<vmem>>
        %dma_start3A_58 = arith.constant 0 : i32
        %dma_start3A_59 = arith.constant 0 : i32
        %dma_start3A_60 = tpu.memref_slice %arg2[%dma_start3A_58, %dma_start3A_59] : memref<163840x128xf32, #tpu.memory_space<hbm>> -> memref<163840x128xf32, #tpu.memory_space<hbm>>
        tpu.enqueue_indirect_dma source(%dma_start3A_60 : memref<163840x128xf32, #tpu.memory_space<hbm>>) target(%arg10 : memref<128x128xf32, #tpu.memory_space<vmem>>) offsets(%dma_start3A_57 : memref<128xi32, #tpu.memory_space<vmem>>) semaphore(%arg12 : memref<!tpu.dma_semaphore, #tpu.memory_space<semaphore_mem>>)
      } else {
      }
      "tpu.region"() ({
        %run_scoped3A = tpu.sem_alloc : memref<!tpu.dma_semaphore, #tpu.memory_space<semaphore_mem>>
        %dma_start3A_53 = arith.constant 0 : i32
        %dma_start3A_54 = tpu.memref_slice %arg8[%add3A_39, %dma_start3A_53] : memref<40x128xi32, #tpu.memory_space<vmem>> -> memref<1x128xi32, #tpu.memory_space<vmem>>
        %dma_start3A_55 = tpu.memref_squeeze %dma_start3A_54 : memref<1x128xi32, #tpu.memory_space<vmem>> -> memref<128xi32, #tpu.memory_space<vmem>>
        %dma_start3A_56 = arith.constant 0 : i32
        %dma_start3A_57 = arith.constant 0 : i32
        %dma_start3A_58 = tpu.memref_slice %arg13[%dma_start3A_56, %dma_start3A_57] : memref<10112x128xf32, #tpu.memory_space<vmem_shared>> -> memref<10112x128xf32, #tpu.memory_space<vmem_shared>>
        tpu.enqueue_indirect_dma source(%arg10 : memref<128x128xf32, #tpu.memory_space<vmem>>) target(%dma_start3A_58 : memref<10112x128xf32, #tpu.memory_space<vmem_shared>>) offsets(%dma_start3A_55 : memref<128xi32, #tpu.memory_space<vmem>>) semaphore(%run_scoped3A : memref<!tpu.dma_semaphore, #tpu.memory_space<semaphore_mem>>) {add = true}
        %dma_wait3A_59 = arith.constant 0 : i32
        %dma_wait3A_60 = tpu.memref_slice %arg8[%add3A_39, %dma_wait3A_59] : memref<40x128xi32, #tpu.memory_space<vmem>> -> memref<1x128xi32, #tpu.memory_space<vmem>>
        %dma_wait3A_61 = tpu.memref_squeeze %dma_wait3A_60 : memref<1x128xi32, #tpu.memory_space<vmem>> -> memref<128xi32, #tpu.memory_space<vmem>>
        %dma_wait3A_62 = arith.constant 0 : i32
        %dma_wait3A_63 = arith.constant 0 : i32
        %dma_wait3A_64 = tpu.memref_slice %arg13[%dma_wait3A_62, %dma_wait3A_63] : memref<10112x128xf32, #tpu.memory_space<vmem_shared>> -> memref<10112x128xf32, #tpu.memory_space<vmem_shared>>
        tpu.wait_indirect_dma semaphore(%run_scoped3A : memref<!tpu.dma_semaphore, #tpu.memory_space<semaphore_mem>>) src(%arg10 : memref<128x128xf32, #tpu.memory_space<vmem>>) dst(%dma_wait3A_64 : memref<10112x128xf32, #tpu.memory_space<vmem_shared>>)
        tpu.yield
      }) : () -> ()
    }
    %scan3A_20 = arith.constant 20 : i32
    %barrier3A_21 = arith.constant 0 : index
    tpu.barrier barrier_id(%barrier3A_21)
    "tpu.region"() ({
      %run_scoped3A = tpu.sem_alloc : memref<!tpu.dma_semaphore, #tpu.memory_space<semaphore_mem>>
      %dma_start3A_22 = arith.constant 0 : i32
      %dma_start3A_23 = tpu.memref_slice %arg6[%arg0, %mul3A_2, %dma_start3A_22] : memref<2x10112x128xf32, #tpu.memory_space<hbm>> -> memref<1x632x128xf32, #tpu.memory_space<hbm>>
      %dma_start3A_24 = tpu.memref_squeeze %dma_start3A_23 : memref<1x632x128xf32, #tpu.memory_space<hbm>> -> memref<632x128xf32, #tpu.memory_space<hbm>>
      %dma_start3A_25 = arith.constant 0 : i32
      %dma_start3A_26 = tpu.memref_slice %arg13[%mul3A_2, %dma_start3A_25] : memref<10112x128xf32, #tpu.memory_space<vmem_shared>> -> memref<632x128xf32, #tpu.memory_space<vmem_shared>>
      tpu.enqueue_dma source(%dma_start3A_26 : memref<632x128xf32, #tpu.memory_space<vmem_shared>>) target(%dma_start3A_24 : memref<632x128xf32, #tpu.memory_space<hbm>>) target_semaphore(%run_scoped3A : memref<!tpu.dma_semaphore, #tpu.memory_space<semaphore_mem>>)
      %dma_wait3A = arith.constant 0 : i32
      %dma_wait3A_27 = tpu.memref_slice %arg6[%arg0, %mul3A_2, %dma_wait3A] : memref<2x10112x128xf32, #tpu.memory_space<hbm>> -> memref<1x632x128xf32, #tpu.memory_space<hbm>>
      %dma_wait3A_28 = tpu.memref_squeeze %dma_wait3A_27 : memref<1x632x128xf32, #tpu.memory_space<hbm>> -> memref<632x128xf32, #tpu.memory_space<hbm>>
      %dma_wait3A_29 = arith.constant 0 : i32
      %dma_wait3A_30 = tpu.memref_slice %arg13[%mul3A_2, %dma_wait3A_29] : memref<10112x128xf32, #tpu.memory_space<vmem_shared>> -> memref<632x128xf32, #tpu.memory_space<vmem_shared>>
      tpu.wait_dma2 semaphore(%run_scoped3A : memref<!tpu.dma_semaphore, #tpu.memory_space<semaphore_mem>>) src(%dma_wait3A_30 : memref<632x128xf32, #tpu.memory_space<vmem_shared>>) dst(%dma_wait3A_28 : memref<632x128xf32, #tpu.memory_space<hbm>>)
      tpu.yield
    }) : () -> ()
    return
  }
}

#map = affine_map<(d0, d1) -> (0, 0)>
#map1 = affine_map<(d0, d1) -> (0, 0, 0)>
module attributes {stable_mosaic.version = 14 : i64} {
  func.func @_spmm_body(%arg0: i32, %arg1: i32, %arg2: memref<10112x128xf32, #tpu.memory_space<hbm>>, %arg3: memref<32x40x128xi32, #tpu.memory_space<hbm>>, %arg4: memref<32x40x128xi32, #tpu.memory_space<hbm>>, %arg5: memref<632x128xf32, #tpu.memory_space<hbm>>, %arg6: memref<2x10112x128xf32, #tpu.memory_space<hbm>>, %arg7: memref<40x128xi32, #tpu.memory_space<vmem>>, %arg8: memref<40x128xi32, #tpu.memory_space<vmem>>, %arg9: memref<128x128xf32, #tpu.memory_space<vmem>>, %arg10: memref<128x128xf32, #tpu.memory_space<vmem>>, %arg11: memref<!tpu.dma_semaphore, #tpu.memory_space<semaphore_mem>>, %arg12: memref<!tpu.dma_semaphore, #tpu.memory_space<semaphore_mem>>, %arg13: memref<10112x128xf32, #tpu.memory_space<vmem_shared>>) attributes {dimension_semantics = [#tpu.dimension_semantics<core_parallel>, #tpu.dimension_semantics<subcore_parallel>], iteration_bounds = array<i64: 2, 16>, scalar_prefetch = 0 : i64, scratch_operands = 7 : i64, tpu.core_type = #tpu.core_type<sc_vector_subcore>, window_params = [{transform_indices = #map}, {transform_indices = #map1}, {transform_indices = #map1}, {transform_indices = #map}, {transform_indices = #map1}]} {
    %mul3A = arith.constant 2 : i32
    %mul3A_0 = arith.muli %arg1, %mul3A : i32
    %add3A = arith.addi %mul3A_0, %arg0 : i32
    %mul3A_1 = arith.constant 632 : i32
    %mul3A_2 = arith.muli %arg1, %mul3A_1 : i32
    "tpu.region"() ({
      %run_scoped3A = tpu.sem_alloc : memref<!tpu.dma_semaphore, #tpu.memory_space<semaphore_mem>>
      %dma_start3A_22 = arith.constant 0 : i32
      %dma_start3A_23 = tpu.memref_slice %arg13[%mul3A_2, %dma_start3A_22] : memref<10112x128xf32, #tpu.memory_space<vmem_shared>> -> memref<632x128xf32, #tpu.memory_space<vmem_shared>>
      tpu.enqueue_dma source(%arg5 : memref<632x128xf32, #tpu.memory_space<hbm>>) target(%dma_start3A_23 : memref<632x128xf32, #tpu.memory_space<vmem_shared>>) target_semaphore(%run_scoped3A : memref<!tpu.dma_semaphore, #tpu.memory_space<semaphore_mem>>)
      %dma_wait3A = arith.constant 0 : i32
      %dma_wait3A_24 = tpu.memref_slice %arg13[%mul3A_2, %dma_wait3A] : memref<10112x128xf32, #tpu.memory_space<vmem_shared>> -> memref<632x128xf32, #tpu.memory_space<vmem_shared>>
      tpu.wait_dma2 semaphore(%run_scoped3A : memref<!tpu.dma_semaphore, #tpu.memory_space<semaphore_mem>>) src(%arg5 : memref<632x128xf32, #tpu.memory_space<hbm>>) dst(%dma_wait3A_24 : memref<632x128xf32, #tpu.memory_space<vmem_shared>>)
      tpu.yield
    }) : () -> ()
    %barrier3A = arith.constant 0 : index
    tpu.barrier barrier_id(%barrier3A)
    "tpu.region"() ({
      %run_scoped3A = tpu.sem_alloc : memref<!tpu.dma_semaphore, #tpu.memory_space<semaphore_mem>>
      %dma_start3A_22 = arith.constant 0 : i32
      %dma_start3A_23 = arith.constant 0 : i32
      %dma_start3A_24 = tpu.memref_slice %arg3[%add3A, %dma_start3A_22, %dma_start3A_23] : memref<32x40x128xi32, #tpu.memory_space<hbm>> -> memref<1x40x128xi32, #tpu.memory_space<hbm>>
      %dma_start3A_25 = tpu.memref_squeeze %dma_start3A_24 : memref<1x40x128xi32, #tpu.memory_space<hbm>> -> memref<40x128xi32, #tpu.memory_space<hbm>>
      %dma_start3A_26 = arith.constant 0 : i32
      %dma_start3A_27 = arith.constant 0 : i32
      %dma_start3A_28 = tpu.memref_slice %arg3[%add3A, %dma_start3A_26, %dma_start3A_27] : memref<32x40x128xi32, #tpu.memory_space<hbm>> -> memref<1x40x128xi32, #tpu.memory_space<hbm>>
      %dma_start3A_29 = tpu.memref_squeeze %dma_start3A_28 : memref<1x40x128xi32, #tpu.memory_space<hbm>> -> memref<40x128xi32, #tpu.memory_space<hbm>>
      tpu.enqueue_dma source(%dma_start3A_29 : memref<40x128xi32, #tpu.memory_space<hbm>>) target(%arg7 : memref<40x128xi32, #tpu.memory_space<vmem>>) target_semaphore(%run_scoped3A : memref<!tpu.dma_semaphore, #tpu.memory_space<semaphore_mem>>)
      %dma_wait3A = arith.constant 0 : i32
      %dma_wait3A_30 = arith.constant 0 : i32
      %dma_wait3A_31 = tpu.memref_slice %arg3[%add3A, %dma_wait3A, %dma_wait3A_30] : memref<32x40x128xi32, #tpu.memory_space<hbm>> -> memref<1x40x128xi32, #tpu.memory_space<hbm>>
      %dma_wait3A_32 = tpu.memref_squeeze %dma_wait3A_31 : memref<1x40x128xi32, #tpu.memory_space<hbm>> -> memref<40x128xi32, #tpu.memory_space<hbm>>
      %dma_wait3A_33 = arith.constant 0 : i32
      %dma_wait3A_34 = arith.constant 0 : i32
      %dma_wait3A_35 = tpu.memref_slice %arg3[%add3A, %dma_wait3A_33, %dma_wait3A_34] : memref<32x40x128xi32, #tpu.memory_space<hbm>> -> memref<1x40x128xi32, #tpu.memory_space<hbm>>
      %dma_wait3A_36 = tpu.memref_squeeze %dma_wait3A_35 : memref<1x40x128xi32, #tpu.memory_space<hbm>> -> memref<40x128xi32, #tpu.memory_space<hbm>>
      tpu.wait_dma2 semaphore(%run_scoped3A : memref<!tpu.dma_semaphore, #tpu.memory_space<semaphore_mem>>) src(%dma_wait3A_36 : memref<40x128xi32, #tpu.memory_space<hbm>>) dst(%arg7 : memref<40x128xi32, #tpu.memory_space<vmem>>)
      tpu.yield
    }) : () -> ()
    "tpu.region"() ({
      %run_scoped3A = tpu.sem_alloc : memref<!tpu.dma_semaphore, #tpu.memory_space<semaphore_mem>>
      %dma_start3A_22 = arith.constant 0 : i32
      %dma_start3A_23 = arith.constant 0 : i32
      %dma_start3A_24 = tpu.memref_slice %arg4[%add3A, %dma_start3A_22, %dma_start3A_23] : memref<32x40x128xi32, #tpu.memory_space<hbm>> -> memref<1x40x128xi32, #tpu.memory_space<hbm>>
      %dma_start3A_25 = tpu.memref_squeeze %dma_start3A_24 : memref<1x40x128xi32, #tpu.memory_space<hbm>> -> memref<40x128xi32, #tpu.memory_space<hbm>>
      %dma_start3A_26 = arith.constant 0 : i32
      %dma_start3A_27 = arith.constant 0 : i32
      %dma_start3A_28 = tpu.memref_slice %arg4[%add3A, %dma_start3A_26, %dma_start3A_27] : memref<32x40x128xi32, #tpu.memory_space<hbm>> -> memref<1x40x128xi32, #tpu.memory_space<hbm>>
      %dma_start3A_29 = tpu.memref_squeeze %dma_start3A_28 : memref<1x40x128xi32, #tpu.memory_space<hbm>> -> memref<40x128xi32, #tpu.memory_space<hbm>>
      tpu.enqueue_dma source(%dma_start3A_29 : memref<40x128xi32, #tpu.memory_space<hbm>>) target(%arg8 : memref<40x128xi32, #tpu.memory_space<vmem>>) target_semaphore(%run_scoped3A : memref<!tpu.dma_semaphore, #tpu.memory_space<semaphore_mem>>)
      %dma_wait3A = arith.constant 0 : i32
      %dma_wait3A_30 = arith.constant 0 : i32
      %dma_wait3A_31 = tpu.memref_slice %arg4[%add3A, %dma_wait3A, %dma_wait3A_30] : memref<32x40x128xi32, #tpu.memory_space<hbm>> -> memref<1x40x128xi32, #tpu.memory_space<hbm>>
      %dma_wait3A_32 = tpu.memref_squeeze %dma_wait3A_31 : memref<1x40x128xi32, #tpu.memory_space<hbm>> -> memref<40x128xi32, #tpu.memory_space<hbm>>
      %dma_wait3A_33 = arith.constant 0 : i32
      %dma_wait3A_34 = arith.constant 0 : i32
      %dma_wait3A_35 = tpu.memref_slice %arg4[%add3A, %dma_wait3A_33, %dma_wait3A_34] : memref<32x40x128xi32, #tpu.memory_space<hbm>> -> memref<1x40x128xi32, #tpu.memory_space<hbm>>
      %dma_wait3A_36 = tpu.memref_squeeze %dma_wait3A_35 : memref<1x40x128xi32, #tpu.memory_space<hbm>> -> memref<40x128xi32, #tpu.memory_space<hbm>>
      tpu.wait_dma2 semaphore(%run_scoped3A : memref<!tpu.dma_semaphore, #tpu.memory_space<semaphore_mem>>) src(%dma_wait3A_36 : memref<40x128xi32, #tpu.memory_space<hbm>>) dst(%arg8 : memref<40x128xi32, #tpu.memory_space<vmem>>)
      tpu.yield
    }) : () -> ()
    %dma_start3A = arith.constant 0 : i32
    %dma_start3A_3 = arith.constant 0 : i32
    %dma_start3A_4 = tpu.memref_slice %arg7[%dma_start3A, %dma_start3A_3] : memref<40x128xi32, #tpu.memory_space<vmem>> -> memref<1x128xi32, #tpu.memory_space<vmem>>
    %dma_start3A_5 = tpu.memref_squeeze %dma_start3A_4 : memref<1x128xi32, #tpu.memory_space<vmem>> -> memref<128xi32, #tpu.memory_space<vmem>>
    %dma_start3A_6 = arith.constant 0 : i32
    %dma_start3A_7 = arith.constant 0 : i32
    %dma_start3A_8 = tpu.memref_slice %arg2[%dma_start3A_6, %dma_start3A_7] : memref<10112x128xf32, #tpu.memory_space<hbm>> -> memref<10112x128xf32, #tpu.memory_space<hbm>>
    tpu.enqueue_indirect_dma source(%dma_start3A_8 : memref<10112x128xf32, #tpu.memory_space<hbm>>) target(%arg9 : memref<128x128xf32, #tpu.memory_space<vmem>>) offsets(%dma_start3A_5 : memref<128xi32, #tpu.memory_space<vmem>>) semaphore(%arg11 : memref<!tpu.dma_semaphore, #tpu.memory_space<semaphore_mem>>)
    %dma_start3A_9 = arith.constant 1 : i32
    %dma_start3A_10 = arith.constant 0 : i32
    %dma_start3A_11 = tpu.memref_slice %arg7[%dma_start3A_9, %dma_start3A_10] : memref<40x128xi32, #tpu.memory_space<vmem>> -> memref<1x128xi32, #tpu.memory_space<vmem>>
    %dma_start3A_12 = tpu.memref_squeeze %dma_start3A_11 : memref<1x128xi32, #tpu.memory_space<vmem>> -> memref<128xi32, #tpu.memory_space<vmem>>
    %dma_start3A_13 = arith.constant 0 : i32
    %dma_start3A_14 = arith.constant 0 : i32
    %dma_start3A_15 = tpu.memref_slice %arg2[%dma_start3A_13, %dma_start3A_14] : memref<10112x128xf32, #tpu.memory_space<hbm>> -> memref<10112x128xf32, #tpu.memory_space<hbm>>
    tpu.enqueue_indirect_dma source(%dma_start3A_15 : memref<10112x128xf32, #tpu.memory_space<hbm>>) target(%arg10 : memref<128x128xf32, #tpu.memory_space<vmem>>) offsets(%dma_start3A_12 : memref<128xi32, #tpu.memory_space<vmem>>) semaphore(%arg12 : memref<!tpu.dma_semaphore, #tpu.memory_space<semaphore_mem>>)
    %scan3A = arith.constant 0 : i32
    %scan3A_16 = arith.constant 0 : i32
    %scan3A_17 = arith.constant 20 : i32
    %scan3A_18 = arith.addi %scan3A_16, %scan3A_17 : i32
    %scan3A_19 = arith.constant 1 : i32
    scf.for %scan3A_22 = %scan3A_16 to %scan3A_18 step %scan3A_19  : i32 {
      %mul3A_23 = arith.constant 2 : i32
      %mul3A_24 = arith.muli %mul3A_23, %scan3A_22 : i32
      %add3A_25 = arith.constant 0 : i32
      %add3A_26 = arith.addi %mul3A_24, %add3A_25 : i32
      %dma_wait3A = arith.constant 0 : i32
      %dma_wait3A_27 = arith.constant 0 : i32
      %dma_wait3A_28 = tpu.memref_slice %arg2[%dma_wait3A, %dma_wait3A_27] : memref<10112x128xf32, #tpu.memory_space<hbm>> -> memref<128x128xf32, #tpu.memory_space<hbm>>
      %dma_wait3A_29 = arith.constant 0 : i32
      %dma_wait3A_30 = arith.constant 0 : i32
      %dma_wait3A_31 = tpu.memref_slice %arg2[%dma_wait3A_29, %dma_wait3A_30] : memref<10112x128xf32, #tpu.memory_space<hbm>> -> memref<128x128xf32, #tpu.memory_space<hbm>>
      tpu.wait_dma2 semaphore(%arg11 : memref<!tpu.dma_semaphore, #tpu.memory_space<semaphore_mem>>) src(%dma_wait3A_31 : memref<128x128xf32, #tpu.memory_space<hbm>>) dst(%arg9 : memref<128x128xf32, #tpu.memory_space<vmem>>)
      %add3A_32 = arith.constant 2 : i32
      %add3A_33 = arith.addi %add3A_26, %add3A_32 : i32
      %lt3A = arith.constant 40 : i32
      %lt3A_34 = arith.cmpi slt, %add3A_33, %lt3A : i32
      %convert_element_type3A = arith.extui %lt3A_34 : i1 to i32
      %cond3A = arith.constant 0 : i32
      %cond3A_35 = arith.cmpi ne, %convert_element_type3A, %cond3A : i32
      scf.if %cond3A_35 {
        %add3A_53 = arith.constant 2 : i32
        %add3A_54 = arith.addi %add3A_26, %add3A_53 : i32
        %dma_start3A_55 = arith.constant 0 : i32
        %dma_start3A_56 = tpu.memref_slice %arg7[%add3A_54, %dma_start3A_55] : memref<40x128xi32, #tpu.memory_space<vmem>> -> memref<1x128xi32, #tpu.memory_space<vmem>>
        %dma_start3A_57 = tpu.memref_squeeze %dma_start3A_56 : memref<1x128xi32, #tpu.memory_space<vmem>> -> memref<128xi32, #tpu.memory_space<vmem>>
        %dma_start3A_58 = arith.constant 0 : i32
        %dma_start3A_59 = arith.constant 0 : i32
        %dma_start3A_60 = tpu.memref_slice %arg2[%dma_start3A_58, %dma_start3A_59] : memref<10112x128xf32, #tpu.memory_space<hbm>> -> memref<10112x128xf32, #tpu.memory_space<hbm>>
        tpu.enqueue_indirect_dma source(%dma_start3A_60 : memref<10112x128xf32, #tpu.memory_space<hbm>>) target(%arg9 : memref<128x128xf32, #tpu.memory_space<vmem>>) offsets(%dma_start3A_57 : memref<128xi32, #tpu.memory_space<vmem>>) semaphore(%arg11 : memref<!tpu.dma_semaphore, #tpu.memory_space<semaphore_mem>>)
      } else {
      }
      "tpu.region"() ({
        %run_scoped3A = tpu.sem_alloc : memref<!tpu.dma_semaphore, #tpu.memory_space<semaphore_mem>>
        %dma_start3A_53 = arith.constant 0 : i32
        %dma_start3A_54 = tpu.memref_slice %arg8[%add3A_26, %dma_start3A_53] : memref<40x128xi32, #tpu.memory_space<vmem>> -> memref<1x128xi32, #tpu.memory_space<vmem>>
        %dma_start3A_55 = tpu.memref_squeeze %dma_start3A_54 : memref<1x128xi32, #tpu.memory_space<vmem>> -> memref<128xi32, #tpu.memory_space<vmem>>
        %dma_start3A_56 = arith.constant 0 : i32
        %dma_start3A_57 = arith.constant 0 : i32
        %dma_start3A_58 = tpu.memref_slice %arg13[%dma_start3A_56, %dma_start3A_57] : memref<10112x128xf32, #tpu.memory_space<vmem_shared>> -> memref<10112x128xf32, #tpu.memory_space<vmem_shared>>
        tpu.enqueue_indirect_dma source(%arg9 : memref<128x128xf32, #tpu.memory_space<vmem>>) target(%dma_start3A_58 : memref<10112x128xf32, #tpu.memory_space<vmem_shared>>) offsets(%dma_start3A_55 : memref<128xi32, #tpu.memory_space<vmem>>) semaphore(%run_scoped3A : memref<!tpu.dma_semaphore, #tpu.memory_space<semaphore_mem>>) {add = true}
        %dma_wait3A_59 = arith.constant 0 : i32
        %dma_wait3A_60 = tpu.memref_slice %arg8[%add3A_26, %dma_wait3A_59] : memref<40x128xi32, #tpu.memory_space<vmem>> -> memref<1x128xi32, #tpu.memory_space<vmem>>
        %dma_wait3A_61 = tpu.memref_squeeze %dma_wait3A_60 : memref<1x128xi32, #tpu.memory_space<vmem>> -> memref<128xi32, #tpu.memory_space<vmem>>
        %dma_wait3A_62 = arith.constant 0 : i32
        %dma_wait3A_63 = arith.constant 0 : i32
        %dma_wait3A_64 = tpu.memref_slice %arg13[%dma_wait3A_62, %dma_wait3A_63] : memref<10112x128xf32, #tpu.memory_space<vmem_shared>> -> memref<10112x128xf32, #tpu.memory_space<vmem_shared>>
        tpu.wait_indirect_dma semaphore(%run_scoped3A : memref<!tpu.dma_semaphore, #tpu.memory_space<semaphore_mem>>) src(%arg9 : memref<128x128xf32, #tpu.memory_space<vmem>>) dst(%dma_wait3A_64 : memref<10112x128xf32, #tpu.memory_space<vmem_shared>>)
        tpu.yield
      }) : () -> ()
      %mul3A_36 = arith.constant 2 : i32
      %mul3A_37 = arith.muli %mul3A_36, %scan3A_22 : i32
      %add3A_38 = arith.constant 1 : i32
      %add3A_39 = arith.addi %mul3A_37, %add3A_38 : i32
      %dma_wait3A_40 = arith.constant 0 : i32
      %dma_wait3A_41 = arith.constant 0 : i32
      %dma_wait3A_42 = tpu.memref_slice %arg2[%dma_wait3A_40, %dma_wait3A_41] : memref<10112x128xf32, #tpu.memory_space<hbm>> -> memref<128x128xf32, #tpu.memory_space<hbm>>
      %dma_wait3A_43 = arith.constant 0 : i32
      %dma_wait3A_44 = arith.constant 0 : i32
      %dma_wait3A_45 = tpu.memref_slice %arg2[%dma_wait3A_43, %dma_wait3A_44] : memref<10112x128xf32, #tpu.memory_space<hbm>> -> memref<128x128xf32, #tpu.memory_space<hbm>>
      tpu.wait_dma2 semaphore(%arg12 : memref<!tpu.dma_semaphore, #tpu.memory_space<semaphore_mem>>) src(%dma_wait3A_45 : memref<128x128xf32, #tpu.memory_space<hbm>>) dst(%arg10 : memref<128x128xf32, #tpu.memory_space<vmem>>)
      %add3A_46 = arith.constant 2 : i32
      %add3A_47 = arith.addi %add3A_39, %add3A_46 : i32
      %lt3A_48 = arith.constant 40 : i32
      %lt3A_49 = arith.cmpi slt, %add3A_47, %lt3A_48 : i32
      %convert_element_type3A_50 = arith.extui %lt3A_49 : i1 to i32
      %cond3A_51 = arith.constant 0 : i32
      %cond3A_52 = arith.cmpi ne, %convert_element_type3A_50, %cond3A_51 : i32
      scf.if %cond3A_52 {
        %add3A_53 = arith.constant 2 : i32
        %add3A_54 = arith.addi %add3A_39, %add3A_53 : i32
        %dma_start3A_55 = arith.constant 0 : i32
        %dma_start3A_56 = tpu.memref_slice %arg7[%add3A_54, %dma_start3A_55] : memref<40x128xi32, #tpu.memory_space<vmem>> -> memref<1x128xi32, #tpu.memory_space<vmem>>
        %dma_start3A_57 = tpu.memref_squeeze %dma_start3A_56 : memref<1x128xi32, #tpu.memory_space<vmem>> -> memref<128xi32, #tpu.memory_space<vmem>>
        %dma_start3A_58 = arith.constant 0 : i32
        %dma_start3A_59 = arith.constant 0 : i32
        %dma_start3A_60 = tpu.memref_slice %arg2[%dma_start3A_58, %dma_start3A_59] : memref<10112x128xf32, #tpu.memory_space<hbm>> -> memref<10112x128xf32, #tpu.memory_space<hbm>>
        tpu.enqueue_indirect_dma source(%dma_start3A_60 : memref<10112x128xf32, #tpu.memory_space<hbm>>) target(%arg10 : memref<128x128xf32, #tpu.memory_space<vmem>>) offsets(%dma_start3A_57 : memref<128xi32, #tpu.memory_space<vmem>>) semaphore(%arg12 : memref<!tpu.dma_semaphore, #tpu.memory_space<semaphore_mem>>)
      } else {
      }
      "tpu.region"() ({
        %run_scoped3A = tpu.sem_alloc : memref<!tpu.dma_semaphore, #tpu.memory_space<semaphore_mem>>
        %dma_start3A_53 = arith.constant 0 : i32
        %dma_start3A_54 = tpu.memref_slice %arg8[%add3A_39, %dma_start3A_53] : memref<40x128xi32, #tpu.memory_space<vmem>> -> memref<1x128xi32, #tpu.memory_space<vmem>>
        %dma_start3A_55 = tpu.memref_squeeze %dma_start3A_54 : memref<1x128xi32, #tpu.memory_space<vmem>> -> memref<128xi32, #tpu.memory_space<vmem>>
        %dma_start3A_56 = arith.constant 0 : i32
        %dma_start3A_57 = arith.constant 0 : i32
        %dma_start3A_58 = tpu.memref_slice %arg13[%dma_start3A_56, %dma_start3A_57] : memref<10112x128xf32, #tpu.memory_space<vmem_shared>> -> memref<10112x128xf32, #tpu.memory_space<vmem_shared>>
        tpu.enqueue_indirect_dma source(%arg10 : memref<128x128xf32, #tpu.memory_space<vmem>>) target(%dma_start3A_58 : memref<10112x128xf32, #tpu.memory_space<vmem_shared>>) offsets(%dma_start3A_55 : memref<128xi32, #tpu.memory_space<vmem>>) semaphore(%run_scoped3A : memref<!tpu.dma_semaphore, #tpu.memory_space<semaphore_mem>>) {add = true}
        %dma_wait3A_59 = arith.constant 0 : i32
        %dma_wait3A_60 = tpu.memref_slice %arg8[%add3A_39, %dma_wait3A_59] : memref<40x128xi32, #tpu.memory_space<vmem>> -> memref<1x128xi32, #tpu.memory_space<vmem>>
        %dma_wait3A_61 = tpu.memref_squeeze %dma_wait3A_60 : memref<1x128xi32, #tpu.memory_space<vmem>> -> memref<128xi32, #tpu.memory_space<vmem>>
        %dma_wait3A_62 = arith.constant 0 : i32
        %dma_wait3A_63 = arith.constant 0 : i32
        %dma_wait3A_64 = tpu.memref_slice %arg13[%dma_wait3A_62, %dma_wait3A_63] : memref<10112x128xf32, #tpu.memory_space<vmem_shared>> -> memref<10112x128xf32, #tpu.memory_space<vmem_shared>>
        tpu.wait_indirect_dma semaphore(%run_scoped3A : memref<!tpu.dma_semaphore, #tpu.memory_space<semaphore_mem>>) src(%arg10 : memref<128x128xf32, #tpu.memory_space<vmem>>) dst(%dma_wait3A_64 : memref<10112x128xf32, #tpu.memory_space<vmem_shared>>)
        tpu.yield
      }) : () -> ()
    }
    %scan3A_20 = arith.constant 20 : i32
    %barrier3A_21 = arith.constant 0 : index
    tpu.barrier barrier_id(%barrier3A_21)
    "tpu.region"() ({
      %run_scoped3A = tpu.sem_alloc : memref<!tpu.dma_semaphore, #tpu.memory_space<semaphore_mem>>
      %dma_start3A_22 = arith.constant 0 : i32
      %dma_start3A_23 = tpu.memref_slice %arg6[%arg0, %mul3A_2, %dma_start3A_22] : memref<2x10112x128xf32, #tpu.memory_space<hbm>> -> memref<1x632x128xf32, #tpu.memory_space<hbm>>
      %dma_start3A_24 = tpu.memref_squeeze %dma_start3A_23 : memref<1x632x128xf32, #tpu.memory_space<hbm>> -> memref<632x128xf32, #tpu.memory_space<hbm>>
      %dma_start3A_25 = arith.constant 0 : i32
      %dma_start3A_26 = tpu.memref_slice %arg13[%mul3A_2, %dma_start3A_25] : memref<10112x128xf32, #tpu.memory_space<vmem_shared>> -> memref<632x128xf32, #tpu.memory_space<vmem_shared>>
      tpu.enqueue_dma source(%dma_start3A_26 : memref<632x128xf32, #tpu.memory_space<vmem_shared>>) target(%dma_start3A_24 : memref<632x128xf32, #tpu.memory_space<hbm>>) target_semaphore(%run_scoped3A : memref<!tpu.dma_semaphore, #tpu.memory_space<semaphore_mem>>)
      %dma_wait3A = arith.constant 0 : i32
      %dma_wait3A_27 = tpu.memref_slice %arg6[%arg0, %mul3A_2, %dma_wait3A] : memref<2x10112x128xf32, #tpu.memory_space<hbm>> -> memref<1x632x128xf32, #tpu.memory_space<hbm>>
      %dma_wait3A_28 = tpu.memref_squeeze %dma_wait3A_27 : memref<1x632x128xf32, #tpu.memory_space<hbm>> -> memref<632x128xf32, #tpu.memory_space<hbm>>
      %dma_wait3A_29 = arith.constant 0 : i32
      %dma_wait3A_30 = tpu.memref_slice %arg13[%mul3A_2, %dma_wait3A_29] : memref<10112x128xf32, #tpu.memory_space<vmem_shared>> -> memref<632x128xf32, #tpu.memory_space<vmem_shared>>
      tpu.wait_dma2 semaphore(%run_scoped3A : memref<!tpu.dma_semaphore, #tpu.memory_space<semaphore_mem>>) src(%dma_wait3A_30 : memref<632x128xf32, #tpu.memory_space<vmem_shared>>) dst(%dma_wait3A_28 : memref<632x128xf32, #tpu.memory_space<hbm>>)
      tpu.yield
    }) : () -> ()
    return
  }
}

#map = affine_map<(d0, d1) -> (0, 0)>
#map1 = affine_map<(d0, d1) -> (0, 0, 0)>
module attributes {stable_mosaic.version = 14 : i64} {
  func.func @_spmm_body(%arg0: i32, %arg1: i32, %arg2: memref<10112x128xf32, #tpu.memory_space<hbm>>, %arg3: memref<32x40x128xi32, #tpu.memory_space<hbm>>, %arg4: memref<32x40x128xi32, #tpu.memory_space<hbm>>, %arg5: memref<632x128xf32, #tpu.memory_space<hbm>>, %arg6: memref<2x10112x128xf32, #tpu.memory_space<hbm>>, %arg7: memref<40x128xi32, #tpu.memory_space<vmem>>, %arg8: memref<40x128xi32, #tpu.memory_space<vmem>>, %arg9: memref<128x128xf32, #tpu.memory_space<vmem>>, %arg10: memref<128x128xf32, #tpu.memory_space<vmem>>, %arg11: memref<!tpu.dma_semaphore, #tpu.memory_space<semaphore_mem>>, %arg12: memref<!tpu.dma_semaphore, #tpu.memory_space<semaphore_mem>>, %arg13: memref<10112x128xf32, #tpu.memory_space<vmem_shared>>) attributes {dimension_semantics = [#tpu.dimension_semantics<core_parallel>, #tpu.dimension_semantics<subcore_parallel>], iteration_bounds = array<i64: 2, 16>, scalar_prefetch = 0 : i64, scratch_operands = 7 : i64, tpu.core_type = #tpu.core_type<sc_vector_subcore>, window_params = [{transform_indices = #map}, {transform_indices = #map1}, {transform_indices = #map1}, {transform_indices = #map}, {transform_indices = #map1}]} {
    %mul3A = arith.constant 2 : i32
    %mul3A_0 = arith.muli %arg1, %mul3A : i32
    %add3A = arith.addi %mul3A_0, %arg0 : i32
    %mul3A_1 = arith.constant 632 : i32
    %mul3A_2 = arith.muli %arg1, %mul3A_1 : i32
    "tpu.region"() ({
      %run_scoped3A = tpu.sem_alloc : memref<!tpu.dma_semaphore, #tpu.memory_space<semaphore_mem>>
      %dma_start3A_22 = arith.constant 0 : i32
      %dma_start3A_23 = tpu.memref_slice %arg13[%mul3A_2, %dma_start3A_22] : memref<10112x128xf32, #tpu.memory_space<vmem_shared>> -> memref<632x128xf32, #tpu.memory_space<vmem_shared>>
      tpu.enqueue_dma source(%arg5 : memref<632x128xf32, #tpu.memory_space<hbm>>) target(%dma_start3A_23 : memref<632x128xf32, #tpu.memory_space<vmem_shared>>) target_semaphore(%run_scoped3A : memref<!tpu.dma_semaphore, #tpu.memory_space<semaphore_mem>>)
      %dma_wait3A = arith.constant 0 : i32
      %dma_wait3A_24 = tpu.memref_slice %arg13[%mul3A_2, %dma_wait3A] : memref<10112x128xf32, #tpu.memory_space<vmem_shared>> -> memref<632x128xf32, #tpu.memory_space<vmem_shared>>
      tpu.wait_dma2 semaphore(%run_scoped3A : memref<!tpu.dma_semaphore, #tpu.memory_space<semaphore_mem>>) src(%arg5 : memref<632x128xf32, #tpu.memory_space<hbm>>) dst(%dma_wait3A_24 : memref<632x128xf32, #tpu.memory_space<vmem_shared>>)
      tpu.yield
    }) : () -> ()
    %barrier3A = arith.constant 0 : index
    tpu.barrier barrier_id(%barrier3A)
    "tpu.region"() ({
      %run_scoped3A = tpu.sem_alloc : memref<!tpu.dma_semaphore, #tpu.memory_space<semaphore_mem>>
      %dma_start3A_22 = arith.constant 0 : i32
      %dma_start3A_23 = arith.constant 0 : i32
      %dma_start3A_24 = tpu.memref_slice %arg3[%add3A, %dma_start3A_22, %dma_start3A_23] : memref<32x40x128xi32, #tpu.memory_space<hbm>> -> memref<1x40x128xi32, #tpu.memory_space<hbm>>
      %dma_start3A_25 = tpu.memref_squeeze %dma_start3A_24 : memref<1x40x128xi32, #tpu.memory_space<hbm>> -> memref<40x128xi32, #tpu.memory_space<hbm>>
      %dma_start3A_26 = arith.constant 0 : i32
      %dma_start3A_27 = arith.constant 0 : i32
      %dma_start3A_28 = tpu.memref_slice %arg3[%add3A, %dma_start3A_26, %dma_start3A_27] : memref<32x40x128xi32, #tpu.memory_space<hbm>> -> memref<1x40x128xi32, #tpu.memory_space<hbm>>
      %dma_start3A_29 = tpu.memref_squeeze %dma_start3A_28 : memref<1x40x128xi32, #tpu.memory_space<hbm>> -> memref<40x128xi32, #tpu.memory_space<hbm>>
      tpu.enqueue_dma source(%dma_start3A_29 : memref<40x128xi32, #tpu.memory_space<hbm>>) target(%arg7 : memref<40x128xi32, #tpu.memory_space<vmem>>) target_semaphore(%run_scoped3A : memref<!tpu.dma_semaphore, #tpu.memory_space<semaphore_mem>>)
      %dma_wait3A = arith.constant 0 : i32
      %dma_wait3A_30 = arith.constant 0 : i32
      %dma_wait3A_31 = tpu.memref_slice %arg3[%add3A, %dma_wait3A, %dma_wait3A_30] : memref<32x40x128xi32, #tpu.memory_space<hbm>> -> memref<1x40x128xi32, #tpu.memory_space<hbm>>
      %dma_wait3A_32 = tpu.memref_squeeze %dma_wait3A_31 : memref<1x40x128xi32, #tpu.memory_space<hbm>> -> memref<40x128xi32, #tpu.memory_space<hbm>>
      %dma_wait3A_33 = arith.constant 0 : i32
      %dma_wait3A_34 = arith.constant 0 : i32
      %dma_wait3A_35 = tpu.memref_slice %arg3[%add3A, %dma_wait3A_33, %dma_wait3A_34] : memref<32x40x128xi32, #tpu.memory_space<hbm>> -> memref<1x40x128xi32, #tpu.memory_space<hbm>>
      %dma_wait3A_36 = tpu.memref_squeeze %dma_wait3A_35 : memref<1x40x128xi32, #tpu.memory_space<hbm>> -> memref<40x128xi32, #tpu.memory_space<hbm>>
      tpu.wait_dma2 semaphore(%run_scoped3A : memref<!tpu.dma_semaphore, #tpu.memory_space<semaphore_mem>>) src(%dma_wait3A_36 : memref<40x128xi32, #tpu.memory_space<hbm>>) dst(%arg7 : memref<40x128xi32, #tpu.memory_space<vmem>>)
      tpu.yield
    }) : () -> ()
    "tpu.region"() ({
      %run_scoped3A = tpu.sem_alloc : memref<!tpu.dma_semaphore, #tpu.memory_space<semaphore_mem>>
      %dma_start3A_22 = arith.constant 0 : i32
      %dma_start3A_23 = arith.constant 0 : i32
      %dma_start3A_24 = tpu.memref_slice %arg4[%add3A, %dma_start3A_22, %dma_start3A_23] : memref<32x40x128xi32, #tpu.memory_space<hbm>> -> memref<1x40x128xi32, #tpu.memory_space<hbm>>
      %dma_start3A_25 = tpu.memref_squeeze %dma_start3A_24 : memref<1x40x128xi32, #tpu.memory_space<hbm>> -> memref<40x128xi32, #tpu.memory_space<hbm>>
      %dma_start3A_26 = arith.constant 0 : i32
      %dma_start3A_27 = arith.constant 0 : i32
      %dma_start3A_28 = tpu.memref_slice %arg4[%add3A, %dma_start3A_26, %dma_start3A_27] : memref<32x40x128xi32, #tpu.memory_space<hbm>> -> memref<1x40x128xi32, #tpu.memory_space<hbm>>
      %dma_start3A_29 = tpu.memref_squeeze %dma_start3A_28 : memref<1x40x128xi32, #tpu.memory_space<hbm>> -> memref<40x128xi32, #tpu.memory_space<hbm>>
      tpu.enqueue_dma source(%dma_start3A_29 : memref<40x128xi32, #tpu.memory_space<hbm>>) target(%arg8 : memref<40x128xi32, #tpu.memory_space<vmem>>) target_semaphore(%run_scoped3A : memref<!tpu.dma_semaphore, #tpu.memory_space<semaphore_mem>>)
      %dma_wait3A = arith.constant 0 : i32
      %dma_wait3A_30 = arith.constant 0 : i32
      %dma_wait3A_31 = tpu.memref_slice %arg4[%add3A, %dma_wait3A, %dma_wait3A_30] : memref<32x40x128xi32, #tpu.memory_space<hbm>> -> memref<1x40x128xi32, #tpu.memory_space<hbm>>
      %dma_wait3A_32 = tpu.memref_squeeze %dma_wait3A_31 : memref<1x40x128xi32, #tpu.memory_space<hbm>> -> memref<40x128xi32, #tpu.memory_space<hbm>>
      %dma_wait3A_33 = arith.constant 0 : i32
      %dma_wait3A_34 = arith.constant 0 : i32
      %dma_wait3A_35 = tpu.memref_slice %arg4[%add3A, %dma_wait3A_33, %dma_wait3A_34] : memref<32x40x128xi32, #tpu.memory_space<hbm>> -> memref<1x40x128xi32, #tpu.memory_space<hbm>>
      %dma_wait3A_36 = tpu.memref_squeeze %dma_wait3A_35 : memref<1x40x128xi32, #tpu.memory_space<hbm>> -> memref<40x128xi32, #tpu.memory_space<hbm>>
      tpu.wait_dma2 semaphore(%run_scoped3A : memref<!tpu.dma_semaphore, #tpu.memory_space<semaphore_mem>>) src(%dma_wait3A_36 : memref<40x128xi32, #tpu.memory_space<hbm>>) dst(%arg8 : memref<40x128xi32, #tpu.memory_space<vmem>>)
      tpu.yield
    }) : () -> ()
    %dma_start3A = arith.constant 0 : i32
    %dma_start3A_3 = arith.constant 0 : i32
    %dma_start3A_4 = tpu.memref_slice %arg7[%dma_start3A, %dma_start3A_3] : memref<40x128xi32, #tpu.memory_space<vmem>> -> memref<1x128xi32, #tpu.memory_space<vmem>>
    %dma_start3A_5 = tpu.memref_squeeze %dma_start3A_4 : memref<1x128xi32, #tpu.memory_space<vmem>> -> memref<128xi32, #tpu.memory_space<vmem>>
    %dma_start3A_6 = arith.constant 0 : i32
    %dma_start3A_7 = arith.constant 0 : i32
    %dma_start3A_8 = tpu.memref_slice %arg2[%dma_start3A_6, %dma_start3A_7] : memref<10112x128xf32, #tpu.memory_space<hbm>> -> memref<10112x128xf32, #tpu.memory_space<hbm>>
    tpu.enqueue_indirect_dma source(%dma_start3A_8 : memref<10112x128xf32, #tpu.memory_space<hbm>>) target(%arg9 : memref<128x128xf32, #tpu.memory_space<vmem>>) offsets(%dma_start3A_5 : memref<128xi32, #tpu.memory_space<vmem>>) semaphore(%arg11 : memref<!tpu.dma_semaphore, #tpu.memory_space<semaphore_mem>>)
    %dma_start3A_9 = arith.constant 1 : i32
    %dma_start3A_10 = arith.constant 0 : i32
    %dma_start3A_11 = tpu.memref_slice %arg7[%dma_start3A_9, %dma_start3A_10] : memref<40x128xi32, #tpu.memory_space<vmem>> -> memref<1x128xi32, #tpu.memory_space<vmem>>
    %dma_start3A_12 = tpu.memref_squeeze %dma_start3A_11 : memref<1x128xi32, #tpu.memory_space<vmem>> -> memref<128xi32, #tpu.memory_space<vmem>>
    %dma_start3A_13 = arith.constant 0 : i32
    %dma_start3A_14 = arith.constant 0 : i32
    %dma_start3A_15 = tpu.memref_slice %arg2[%dma_start3A_13, %dma_start3A_14] : memref<10112x128xf32, #tpu.memory_space<hbm>> -> memref<10112x128xf32, #tpu.memory_space<hbm>>
    tpu.enqueue_indirect_dma source(%dma_start3A_15 : memref<10112x128xf32, #tpu.memory_space<hbm>>) target(%arg10 : memref<128x128xf32, #tpu.memory_space<vmem>>) offsets(%dma_start3A_12 : memref<128xi32, #tpu.memory_space<vmem>>) semaphore(%arg12 : memref<!tpu.dma_semaphore, #tpu.memory_space<semaphore_mem>>)
    %scan3A = arith.constant 0 : i32
    %scan3A_16 = arith.constant 0 : i32
    %scan3A_17 = arith.constant 20 : i32
    %scan3A_18 = arith.addi %scan3A_16, %scan3A_17 : i32
    %scan3A_19 = arith.constant 1 : i32
    scf.for %scan3A_22 = %scan3A_16 to %scan3A_18 step %scan3A_19  : i32 {
      %mul3A_23 = arith.constant 2 : i32
      %mul3A_24 = arith.muli %mul3A_23, %scan3A_22 : i32
      %add3A_25 = arith.constant 0 : i32
      %add3A_26 = arith.addi %mul3A_24, %add3A_25 : i32
      %dma_wait3A = arith.constant 0 : i32
      %dma_wait3A_27 = arith.constant 0 : i32
      %dma_wait3A_28 = tpu.memref_slice %arg2[%dma_wait3A, %dma_wait3A_27] : memref<10112x128xf32, #tpu.memory_space<hbm>> -> memref<128x128xf32, #tpu.memory_space<hbm>>
      %dma_wait3A_29 = arith.constant 0 : i32
      %dma_wait3A_30 = arith.constant 0 : i32
      %dma_wait3A_31 = tpu.memref_slice %arg2[%dma_wait3A_29, %dma_wait3A_30] : memref<10112x128xf32, #tpu.memory_space<hbm>> -> memref<128x128xf32, #tpu.memory_space<hbm>>
      tpu.wait_dma2 semaphore(%arg11 : memref<!tpu.dma_semaphore, #tpu.memory_space<semaphore_mem>>) src(%dma_wait3A_31 : memref<128x128xf32, #tpu.memory_space<hbm>>) dst(%arg9 : memref<128x128xf32, #tpu.memory_space<vmem>>)
      %add3A_32 = arith.constant 2 : i32
      %add3A_33 = arith.addi %add3A_26, %add3A_32 : i32
      %lt3A = arith.constant 40 : i32
      %lt3A_34 = arith.cmpi slt, %add3A_33, %lt3A : i32
      %convert_element_type3A = arith.extui %lt3A_34 : i1 to i32
      %cond3A = arith.constant 0 : i32
      %cond3A_35 = arith.cmpi ne, %convert_element_type3A, %cond3A : i32
      scf.if %cond3A_35 {
        %add3A_53 = arith.constant 2 : i32
        %add3A_54 = arith.addi %add3A_26, %add3A_53 : i32
        %dma_start3A_55 = arith.constant 0 : i32
        %dma_start3A_56 = tpu.memref_slice %arg7[%add3A_54, %dma_start3A_55] : memref<40x128xi32, #tpu.memory_space<vmem>> -> memref<1x128xi32, #tpu.memory_space<vmem>>
        %dma_start3A_57 = tpu.memref_squeeze %dma_start3A_56 : memref<1x128xi32, #tpu.memory_space<vmem>> -> memref<128xi32, #tpu.memory_space<vmem>>
        %dma_start3A_58 = arith.constant 0 : i32
        %dma_start3A_59 = arith.constant 0 : i32
        %dma_start3A_60 = tpu.memref_slice %arg2[%dma_start3A_58, %dma_start3A_59] : memref<10112x128xf32, #tpu.memory_space<hbm>> -> memref<10112x128xf32, #tpu.memory_space<hbm>>
        tpu.enqueue_indirect_dma source(%dma_start3A_60 : memref<10112x128xf32, #tpu.memory_space<hbm>>) target(%arg9 : memref<128x128xf32, #tpu.memory_space<vmem>>) offsets(%dma_start3A_57 : memref<128xi32, #tpu.memory_space<vmem>>) semaphore(%arg11 : memref<!tpu.dma_semaphore, #tpu.memory_space<semaphore_mem>>)
      } else {
      }
      "tpu.region"() ({
        %run_scoped3A = tpu.sem_alloc : memref<!tpu.dma_semaphore, #tpu.memory_space<semaphore_mem>>
        %dma_start3A_53 = arith.constant 0 : i32
        %dma_start3A_54 = tpu.memref_slice %arg8[%add3A_26, %dma_start3A_53] : memref<40x128xi32, #tpu.memory_space<vmem>> -> memref<1x128xi32, #tpu.memory_space<vmem>>
        %dma_start3A_55 = tpu.memref_squeeze %dma_start3A_54 : memref<1x128xi32, #tpu.memory_space<vmem>> -> memref<128xi32, #tpu.memory_space<vmem>>
        %dma_start3A_56 = arith.constant 0 : i32
        %dma_start3A_57 = arith.constant 0 : i32
        %dma_start3A_58 = tpu.memref_slice %arg13[%dma_start3A_56, %dma_start3A_57] : memref<10112x128xf32, #tpu.memory_space<vmem_shared>> -> memref<10112x128xf32, #tpu.memory_space<vmem_shared>>
        tpu.enqueue_indirect_dma source(%arg9 : memref<128x128xf32, #tpu.memory_space<vmem>>) target(%dma_start3A_58 : memref<10112x128xf32, #tpu.memory_space<vmem_shared>>) offsets(%dma_start3A_55 : memref<128xi32, #tpu.memory_space<vmem>>) semaphore(%run_scoped3A : memref<!tpu.dma_semaphore, #tpu.memory_space<semaphore_mem>>) {add = true}
        %dma_wait3A_59 = arith.constant 0 : i32
        %dma_wait3A_60 = tpu.memref_slice %arg8[%add3A_26, %dma_wait3A_59] : memref<40x128xi32, #tpu.memory_space<vmem>> -> memref<1x128xi32, #tpu.memory_space<vmem>>
        %dma_wait3A_61 = tpu.memref_squeeze %dma_wait3A_60 : memref<1x128xi32, #tpu.memory_space<vmem>> -> memref<128xi32, #tpu.memory_space<vmem>>
        %dma_wait3A_62 = arith.constant 0 : i32
        %dma_wait3A_63 = arith.constant 0 : i32
        %dma_wait3A_64 = tpu.memref_slice %arg13[%dma_wait3A_62, %dma_wait3A_63] : memref<10112x128xf32, #tpu.memory_space<vmem_shared>> -> memref<10112x128xf32, #tpu.memory_space<vmem_shared>>
        tpu.wait_indirect_dma semaphore(%run_scoped3A : memref<!tpu.dma_semaphore, #tpu.memory_space<semaphore_mem>>) src(%arg9 : memref<128x128xf32, #tpu.memory_space<vmem>>) dst(%dma_wait3A_64 : memref<10112x128xf32, #tpu.memory_space<vmem_shared>>)
        tpu.yield
      }) : () -> ()
      %mul3A_36 = arith.constant 2 : i32
      %mul3A_37 = arith.muli %mul3A_36, %scan3A_22 : i32
      %add3A_38 = arith.constant 1 : i32
      %add3A_39 = arith.addi %mul3A_37, %add3A_38 : i32
      %dma_wait3A_40 = arith.constant 0 : i32
      %dma_wait3A_41 = arith.constant 0 : i32
      %dma_wait3A_42 = tpu.memref_slice %arg2[%dma_wait3A_40, %dma_wait3A_41] : memref<10112x128xf32, #tpu.memory_space<hbm>> -> memref<128x128xf32, #tpu.memory_space<hbm>>
      %dma_wait3A_43 = arith.constant 0 : i32
      %dma_wait3A_44 = arith.constant 0 : i32
      %dma_wait3A_45 = tpu.memref_slice %arg2[%dma_wait3A_43, %dma_wait3A_44] : memref<10112x128xf32, #tpu.memory_space<hbm>> -> memref<128x128xf32, #tpu.memory_space<hbm>>
      tpu.wait_dma2 semaphore(%arg12 : memref<!tpu.dma_semaphore, #tpu.memory_space<semaphore_mem>>) src(%dma_wait3A_45 : memref<128x128xf32, #tpu.memory_space<hbm>>) dst(%arg10 : memref<128x128xf32, #tpu.memory_space<vmem>>)
      %add3A_46 = arith.constant 2 : i32
      %add3A_47 = arith.addi %add3A_39, %add3A_46 : i32
      %lt3A_48 = arith.constant 40 : i32
      %lt3A_49 = arith.cmpi slt, %add3A_47, %lt3A_48 : i32
      %convert_element_type3A_50 = arith.extui %lt3A_49 : i1 to i32
      %cond3A_51 = arith.constant 0 : i32
      %cond3A_52 = arith.cmpi ne, %convert_element_type3A_50, %cond3A_51 : i32
      scf.if %cond3A_52 {
        %add3A_53 = arith.constant 2 : i32
        %add3A_54 = arith.addi %add3A_39, %add3A_53 : i32
        %dma_start3A_55 = arith.constant 0 : i32
        %dma_start3A_56 = tpu.memref_slice %arg7[%add3A_54, %dma_start3A_55] : memref<40x128xi32, #tpu.memory_space<vmem>> -> memref<1x128xi32, #tpu.memory_space<vmem>>
        %dma_start3A_57 = tpu.memref_squeeze %dma_start3A_56 : memref<1x128xi32, #tpu.memory_space<vmem>> -> memref<128xi32, #tpu.memory_space<vmem>>
        %dma_start3A_58 = arith.constant 0 : i32
        %dma_start3A_59 = arith.constant 0 : i32
        %dma_start3A_60 = tpu.memref_slice %arg2[%dma_start3A_58, %dma_start3A_59] : memref<10112x128xf32, #tpu.memory_space<hbm>> -> memref<10112x128xf32, #tpu.memory_space<hbm>>
        tpu.enqueue_indirect_dma source(%dma_start3A_60 : memref<10112x128xf32, #tpu.memory_space<hbm>>) target(%arg10 : memref<128x128xf32, #tpu.memory_space<vmem>>) offsets(%dma_start3A_57 : memref<128xi32, #tpu.memory_space<vmem>>) semaphore(%arg12 : memref<!tpu.dma_semaphore, #tpu.memory_space<semaphore_mem>>)
      } else {
      }
      "tpu.region"() ({
        %run_scoped3A = tpu.sem_alloc : memref<!tpu.dma_semaphore, #tpu.memory_space<semaphore_mem>>
        %dma_start3A_53 = arith.constant 0 : i32
        %dma_start3A_54 = tpu.memref_slice %arg8[%add3A_39, %dma_start3A_53] : memref<40x128xi32, #tpu.memory_space<vmem>> -> memref<1x128xi32, #tpu.memory_space<vmem>>
        %dma_start3A_55 = tpu.memref_squeeze %dma_start3A_54 : memref<1x128xi32, #tpu.memory_space<vmem>> -> memref<128xi32, #tpu.memory_space<vmem>>
        %dma_start3A_56 = arith.constant 0 : i32
        %dma_start3A_57 = arith.constant 0 : i32
        %dma_start3A_58 = tpu.memref_slice %arg13[%dma_start3A_56, %dma_start3A_57] : memref<10112x128xf32, #tpu.memory_space<vmem_shared>> -> memref<10112x128xf32, #tpu.memory_space<vmem_shared>>
        tpu.enqueue_indirect_dma source(%arg10 : memref<128x128xf32, #tpu.memory_space<vmem>>) target(%dma_start3A_58 : memref<10112x128xf32, #tpu.memory_space<vmem_shared>>) offsets(%dma_start3A_55 : memref<128xi32, #tpu.memory_space<vmem>>) semaphore(%run_scoped3A : memref<!tpu.dma_semaphore, #tpu.memory_space<semaphore_mem>>) {add = true}
        %dma_wait3A_59 = arith.constant 0 : i32
        %dma_wait3A_60 = tpu.memref_slice %arg8[%add3A_39, %dma_wait3A_59] : memref<40x128xi32, #tpu.memory_space<vmem>> -> memref<1x128xi32, #tpu.memory_space<vmem>>
        %dma_wait3A_61 = tpu.memref_squeeze %dma_wait3A_60 : memref<1x128xi32, #tpu.memory_space<vmem>> -> memref<128xi32, #tpu.memory_space<vmem>>
        %dma_wait3A_62 = arith.constant 0 : i32
        %dma_wait3A_63 = arith.constant 0 : i32
        %dma_wait3A_64 = tpu.memref_slice %arg13[%dma_wait3A_62, %dma_wait3A_63] : memref<10112x128xf32, #tpu.memory_space<vmem_shared>> -> memref<10112x128xf32, #tpu.memory_space<vmem_shared>>
        tpu.wait_indirect_dma semaphore(%run_scoped3A : memref<!tpu.dma_semaphore, #tpu.memory_space<semaphore_mem>>) src(%arg10 : memref<128x128xf32, #tpu.memory_space<vmem>>) dst(%dma_wait3A_64 : memref<10112x128xf32, #tpu.memory_space<vmem_shared>>)
        tpu.yield
      }) : () -> ()
    }
    %scan3A_20 = arith.constant 20 : i32
    %barrier3A_21 = arith.constant 0 : index
    tpu.barrier barrier_id(%barrier3A_21)
    "tpu.region"() ({
      %run_scoped3A = tpu.sem_alloc : memref<!tpu.dma_semaphore, #tpu.memory_space<semaphore_mem>>
      %dma_start3A_22 = arith.constant 0 : i32
      %dma_start3A_23 = tpu.memref_slice %arg6[%arg0, %mul3A_2, %dma_start3A_22] : memref<2x10112x128xf32, #tpu.memory_space<hbm>> -> memref<1x632x128xf32, #tpu.memory_space<hbm>>
      %dma_start3A_24 = tpu.memref_squeeze %dma_start3A_23 : memref<1x632x128xf32, #tpu.memory_space<hbm>> -> memref<632x128xf32, #tpu.memory_space<hbm>>
      %dma_start3A_25 = arith.constant 0 : i32
      %dma_start3A_26 = tpu.memref_slice %arg13[%mul3A_2, %dma_start3A_25] : memref<10112x128xf32, #tpu.memory_space<vmem_shared>> -> memref<632x128xf32, #tpu.memory_space<vmem_shared>>
      tpu.enqueue_dma source(%dma_start3A_26 : memref<632x128xf32, #tpu.memory_space<vmem_shared>>) target(%dma_start3A_24 : memref<632x128xf32, #tpu.memory_space<hbm>>) target_semaphore(%run_scoped3A : memref<!tpu.dma_semaphore, #tpu.memory_space<semaphore_mem>>)
      %dma_wait3A = arith.constant 0 : i32
      %dma_wait3A_27 = tpu.memref_slice %arg6[%arg0, %mul3A_2, %dma_wait3A] : memref<2x10112x128xf32, #tpu.memory_space<hbm>> -> memref<1x632x128xf32, #tpu.memory_space<hbm>>
      %dma_wait3A_28 = tpu.memref_squeeze %dma_wait3A_27 : memref<1x632x128xf32, #tpu.memory_space<hbm>> -> memref<632x128xf32, #tpu.memory_space<hbm>>
      %dma_wait3A_29 = arith.constant 0 : i32
      %dma_wait3A_30 = tpu.memref_slice %arg13[%mul3A_2, %dma_wait3A_29] : memref<10112x128xf32, #tpu.memory_space<vmem_shared>> -> memref<632x128xf32, #tpu.memory_space<vmem_shared>>
      tpu.wait_dma2 semaphore(%run_scoped3A : memref<!tpu.dma_semaphore, #tpu.memory_space<semaphore_mem>>) src(%dma_wait3A_30 : memref<632x128xf32, #tpu.memory_space<vmem_shared>>) dst(%dma_wait3A_28 : memref<632x128xf32, #tpu.memory_space<hbm>>)
      tpu.yield
    }) : () -> ()
    return
  }
}

#map = affine_map<(d0, d1) -> (0, 0)>
#map1 = affine_map<(d0, d1) -> (0, 0, 0)>
module attributes {stable_mosaic.version = 14 : i64} {
  func.func @_gather_body(%arg0: i32, %arg1: i32, %arg2: memref<10000x128xf32, #tpu.memory_space<hbm>>, %arg3: memref<32x10x128xi32, #tpu.memory_space<hbm>>, %arg4: memref<40960x128xf32, #tpu.memory_space<hbm>>, %arg5: memref<10x128xi32, #tpu.memory_space<vmem>>, %arg6: memref<128x128xf32, #tpu.memory_space<vmem>>, %arg7: memref<128x128xf32, #tpu.memory_space<vmem>>, %arg8: memref<!tpu.dma_semaphore, #tpu.memory_space<semaphore_mem>>, %arg9: memref<!tpu.dma_semaphore, #tpu.memory_space<semaphore_mem>>) attributes {dimension_semantics = [#tpu.dimension_semantics<core_parallel>, #tpu.dimension_semantics<subcore_parallel>], iteration_bounds = array<i64: 2, 16>, scalar_prefetch = 0 : i64, scratch_operands = 5 : i64, tpu.core_type = #tpu.core_type<sc_vector_subcore>, window_params = [{transform_indices = #map}, {transform_indices = #map1}, {transform_indices = #map}]} {
    %mul3A = arith.constant 2 : i32
    %mul3A_0 = arith.muli %arg1, %mul3A : i32
    %add3A = arith.addi %mul3A_0, %arg0 : i32
    "tpu.region"() ({
      %run_scoped3A = tpu.sem_alloc : memref<!tpu.dma_semaphore, #tpu.memory_space<semaphore_mem>>
      %dma_start3A_19 = arith.constant 0 : i32
      %dma_start3A_20 = arith.constant 0 : i32
      %dma_start3A_21 = tpu.memref_slice %arg3[%add3A, %dma_start3A_19, %dma_start3A_20] : memref<32x10x128xi32, #tpu.memory_space<hbm>> -> memref<1x10x128xi32, #tpu.memory_space<hbm>>
      %dma_start3A_22 = tpu.memref_squeeze %dma_start3A_21 : memref<1x10x128xi32, #tpu.memory_space<hbm>> -> memref<10x128xi32, #tpu.memory_space<hbm>>
      %dma_start3A_23 = arith.constant 0 : i32
      %dma_start3A_24 = arith.constant 0 : i32
      %dma_start3A_25 = tpu.memref_slice %arg3[%add3A, %dma_start3A_23, %dma_start3A_24] : memref<32x10x128xi32, #tpu.memory_space<hbm>> -> memref<1x10x128xi32, #tpu.memory_space<hbm>>
      %dma_start3A_26 = tpu.memref_squeeze %dma_start3A_25 : memref<1x10x128xi32, #tpu.memory_space<hbm>> -> memref<10x128xi32, #tpu.memory_space<hbm>>
      tpu.enqueue_dma source(%dma_start3A_26 : memref<10x128xi32, #tpu.memory_space<hbm>>) target(%arg5 : memref<10x128xi32, #tpu.memory_space<vmem>>) target_semaphore(%run_scoped3A : memref<!tpu.dma_semaphore, #tpu.memory_space<semaphore_mem>>)
      %dma_wait3A = arith.constant 0 : i32
      %dma_wait3A_27 = arith.constant 0 : i32
      %dma_wait3A_28 = tpu.memref_slice %arg3[%add3A, %dma_wait3A, %dma_wait3A_27] : memref<32x10x128xi32, #tpu.memory_space<hbm>> -> memref<1x10x128xi32, #tpu.memory_space<hbm>>
      %dma_wait3A_29 = tpu.memref_squeeze %dma_wait3A_28 : memref<1x10x128xi32, #tpu.memory_space<hbm>> -> memref<10x128xi32, #tpu.memory_space<hbm>>
      %dma_wait3A_30 = arith.constant 0 : i32
      %dma_wait3A_31 = arith.constant 0 : i32
      %dma_wait3A_32 = tpu.memref_slice %arg3[%add3A, %dma_wait3A_30, %dma_wait3A_31] : memref<32x10x128xi32, #tpu.memory_space<hbm>> -> memref<1x10x128xi32, #tpu.memory_space<hbm>>
      %dma_wait3A_33 = tpu.memref_squeeze %dma_wait3A_32 : memref<1x10x128xi32, #tpu.memory_space<hbm>> -> memref<10x128xi32, #tpu.memory_space<hbm>>
      tpu.wait_dma2 semaphore(%run_scoped3A : memref<!tpu.dma_semaphore, #tpu.memory_space<semaphore_mem>>) src(%dma_wait3A_33 : memref<10x128xi32, #tpu.memory_space<hbm>>) dst(%arg5 : memref<10x128xi32, #tpu.memory_space<vmem>>)
      tpu.yield
    }) : () -> ()
    %dma_start3A = arith.constant 0 : i32
    %dma_start3A_1 = arith.constant 0 : i32
    %dma_start3A_2 = tpu.memref_slice %arg5[%dma_start3A, %dma_start3A_1] : memref<10x128xi32, #tpu.memory_space<vmem>> -> memref<1x128xi32, #tpu.memory_space<vmem>>
    %dma_start3A_3 = tpu.memref_squeeze %dma_start3A_2 : memref<1x128xi32, #tpu.memory_space<vmem>> -> memref<128xi32, #tpu.memory_space<vmem>>
    %dma_start3A_4 = arith.constant 0 : i32
    %dma_start3A_5 = arith.constant 0 : i32
    %dma_start3A_6 = tpu.memref_slice %arg2[%dma_start3A_4, %dma_start3A_5] : memref<10000x128xf32, #tpu.memory_space<hbm>> -> memref<10000x128xf32, #tpu.memory_space<hbm>>
    tpu.enqueue_indirect_dma source(%dma_start3A_6 : memref<10000x128xf32, #tpu.memory_space<hbm>>) target(%arg6 : memref<128x128xf32, #tpu.memory_space<vmem>>) offsets(%dma_start3A_3 : memref<128xi32, #tpu.memory_space<vmem>>) semaphore(%arg8 : memref<!tpu.dma_semaphore, #tpu.memory_space<semaphore_mem>>)
    %dma_start3A_7 = arith.constant 1 : i32
    %dma_start3A_8 = arith.constant 0 : i32
    %dma_start3A_9 = tpu.memref_slice %arg5[%dma_start3A_7, %dma_start3A_8] : memref<10x128xi32, #tpu.memory_space<vmem>> -> memref<1x128xi32, #tpu.memory_space<vmem>>
    %dma_start3A_10 = tpu.memref_squeeze %dma_start3A_9 : memref<1x128xi32, #tpu.memory_space<vmem>> -> memref<128xi32, #tpu.memory_space<vmem>>
    %dma_start3A_11 = arith.constant 0 : i32
    %dma_start3A_12 = arith.constant 0 : i32
    %dma_start3A_13 = tpu.memref_slice %arg2[%dma_start3A_11, %dma_start3A_12] : memref<10000x128xf32, #tpu.memory_space<hbm>> -> memref<10000x128xf32, #tpu.memory_space<hbm>>
    tpu.enqueue_indirect_dma source(%dma_start3A_13 : memref<10000x128xf32, #tpu.memory_space<hbm>>) target(%arg7 : memref<128x128xf32, #tpu.memory_space<vmem>>) offsets(%dma_start3A_10 : memref<128xi32, #tpu.memory_space<vmem>>) semaphore(%arg9 : memref<!tpu.dma_semaphore, #tpu.memory_space<semaphore_mem>>)
    %scan3A = arith.constant 0 : i32
    %scan3A_14 = arith.constant 0 : i32
    %scan3A_15 = arith.constant 5 : i32
    %scan3A_16 = arith.addi %scan3A_14, %scan3A_15 : i32
    %scan3A_17 = arith.constant 1 : i32
    scf.for %scan3A_19 = %scan3A_14 to %scan3A_16 step %scan3A_17  : i32 {
      %mul3A_20 = arith.constant 2 : i32
      %mul3A_21 = arith.muli %mul3A_20, %scan3A_19 : i32
      %add3A_22 = arith.constant 0 : i32
      %add3A_23 = arith.addi %mul3A_21, %add3A_22 : i32
      %dma_wait3A = arith.constant 0 : i32
      %dma_wait3A_24 = arith.constant 0 : i32
      %dma_wait3A_25 = tpu.memref_slice %arg2[%dma_wait3A, %dma_wait3A_24] : memref<10000x128xf32, #tpu.memory_space<hbm>> -> memref<128x128xf32, #tpu.memory_space<hbm>>
      %dma_wait3A_26 = arith.constant 0 : i32
      %dma_wait3A_27 = arith.constant 0 : i32
      %dma_wait3A_28 = tpu.memref_slice %arg2[%dma_wait3A_26, %dma_wait3A_27] : memref<10000x128xf32, #tpu.memory_space<hbm>> -> memref<128x128xf32, #tpu.memory_space<hbm>>
      tpu.wait_dma2 semaphore(%arg8 : memref<!tpu.dma_semaphore, #tpu.memory_space<semaphore_mem>>) src(%dma_wait3A_28 : memref<128x128xf32, #tpu.memory_space<hbm>>) dst(%arg6 : memref<128x128xf32, #tpu.memory_space<vmem>>)
      %add3A_29 = arith.constant 2 : i32
      %add3A_30 = arith.addi %add3A_23, %add3A_29 : i32
      %lt3A = arith.constant 10 : i32
      %lt3A_31 = arith.cmpi slt, %add3A_30, %lt3A : i32
      %convert_element_type3A = arith.extui %lt3A_31 : i1 to i32
      %cond3A = arith.constant 0 : i32
      %cond3A_32 = arith.cmpi ne, %convert_element_type3A, %cond3A : i32
      scf.if %cond3A_32 {
        %add3A_60 = arith.constant 2 : i32
        %add3A_61 = arith.addi %add3A_23, %add3A_60 : i32
        %dma_start3A_62 = arith.constant 0 : i32
        %dma_start3A_63 = tpu.memref_slice %arg5[%add3A_61, %dma_start3A_62] : memref<10x128xi32, #tpu.memory_space<vmem>> -> memref<1x128xi32, #tpu.memory_space<vmem>>
        %dma_start3A_64 = tpu.memref_squeeze %dma_start3A_63 : memref<1x128xi32, #tpu.memory_space<vmem>> -> memref<128xi32, #tpu.memory_space<vmem>>
        %dma_start3A_65 = arith.constant 0 : i32
        %dma_start3A_66 = arith.constant 0 : i32
        %dma_start3A_67 = tpu.memref_slice %arg2[%dma_start3A_65, %dma_start3A_66] : memref<10000x128xf32, #tpu.memory_space<hbm>> -> memref<10000x128xf32, #tpu.memory_space<hbm>>
        tpu.enqueue_indirect_dma source(%dma_start3A_67 : memref<10000x128xf32, #tpu.memory_space<hbm>>) target(%arg6 : memref<128x128xf32, #tpu.memory_space<vmem>>) offsets(%dma_start3A_64 : memref<128xi32, #tpu.memory_space<vmem>>) semaphore(%arg8 : memref<!tpu.dma_semaphore, #tpu.memory_space<semaphore_mem>>)
      } else {
      }
      %mul3A_33 = arith.constant 10 : i32
      %mul3A_34 = arith.muli %add3A, %mul3A_33 : i32
      %add3A_35 = arith.addi %mul3A_34, %add3A_23 : i32
      %mul3A_36 = arith.constant 128 : i32
      %mul3A_37 = arith.muli %add3A_35, %mul3A_36 : i32
      "tpu.region"() ({
        %run_scoped3A = tpu.sem_alloc : memref<!tpu.dma_semaphore, #tpu.memory_space<semaphore_mem>>
        %dma_start3A_60 = arith.constant 0 : i32
        %dma_start3A_61 = tpu.memref_slice %arg4[%mul3A_37, %dma_start3A_60] : memref<40960x128xf32, #tpu.memory_space<hbm>> -> memref<128x128xf32, #tpu.memory_space<hbm>>
        %dma_start3A_62 = arith.constant 0 : i32
        %dma_start3A_63 = tpu.memref_slice %arg4[%mul3A_37, %dma_start3A_62] : memref<40960x128xf32, #tpu.memory_space<hbm>> -> memref<128x128xf32, #tpu.memory_space<hbm>>
        tpu.enqueue_dma source(%arg6 : memref<128x128xf32, #tpu.memory_space<vmem>>) target(%dma_start3A_63 : memref<128x128xf32, #tpu.memory_space<hbm>>) target_semaphore(%run_scoped3A : memref<!tpu.dma_semaphore, #tpu.memory_space<semaphore_mem>>)
        %dma_wait3A_64 = arith.constant 0 : i32
        %dma_wait3A_65 = tpu.memref_slice %arg4[%mul3A_37, %dma_wait3A_64] : memref<40960x128xf32, #tpu.memory_space<hbm>> -> memref<128x128xf32, #tpu.memory_space<hbm>>
        %dma_wait3A_66 = arith.constant 0 : i32
        %dma_wait3A_67 = tpu.memref_slice %arg4[%mul3A_37, %dma_wait3A_66] : memref<40960x128xf32, #tpu.memory_space<hbm>> -> memref<128x128xf32, #tpu.memory_space<hbm>>
        tpu.wait_dma2 semaphore(%run_scoped3A : memref<!tpu.dma_semaphore, #tpu.memory_space<semaphore_mem>>) src(%arg6 : memref<128x128xf32, #tpu.memory_space<vmem>>) dst(%dma_wait3A_67 : memref<128x128xf32, #tpu.memory_space<hbm>>)
        tpu.yield
      }) : () -> ()
      %mul3A_38 = arith.constant 2 : i32
      %mul3A_39 = arith.muli %mul3A_38, %scan3A_19 : i32
      %add3A_40 = arith.constant 1 : i32
      %add3A_41 = arith.addi %mul3A_39, %add3A_40 : i32
      %dma_wait3A_42 = arith.constant 0 : i32
      %dma_wait3A_43 = arith.constant 0 : i32
      %dma_wait3A_44 = tpu.memref_slice %arg2[%dma_wait3A_42, %dma_wait3A_43] : memref<10000x128xf32, #tpu.memory_space<hbm>> -> memref<128x128xf32, #tpu.memory_space<hbm>>
      %dma_wait3A_45 = arith.constant 0 : i32
      %dma_wait3A_46 = arith.constant 0 : i32
      %dma_wait3A_47 = tpu.memref_slice %arg2[%dma_wait3A_45, %dma_wait3A_46] : memref<10000x128xf32, #tpu.memory_space<hbm>> -> memref<128x128xf32, #tpu.memory_space<hbm>>
      tpu.wait_dma2 semaphore(%arg9 : memref<!tpu.dma_semaphore, #tpu.memory_space<semaphore_mem>>) src(%dma_wait3A_47 : memref<128x128xf32, #tpu.memory_space<hbm>>) dst(%arg7 : memref<128x128xf32, #tpu.memory_space<vmem>>)
      %add3A_48 = arith.constant 2 : i32
      %add3A_49 = arith.addi %add3A_41, %add3A_48 : i32
      %lt3A_50 = arith.constant 10 : i32
      %lt3A_51 = arith.cmpi slt, %add3A_49, %lt3A_50 : i32
      %convert_element_type3A_52 = arith.extui %lt3A_51 : i1 to i32
      %cond3A_53 = arith.constant 0 : i32
      %cond3A_54 = arith.cmpi ne, %convert_element_type3A_52, %cond3A_53 : i32
      scf.if %cond3A_54 {
        %add3A_60 = arith.constant 2 : i32
        %add3A_61 = arith.addi %add3A_41, %add3A_60 : i32
        %dma_start3A_62 = arith.constant 0 : i32
        %dma_start3A_63 = tpu.memref_slice %arg5[%add3A_61, %dma_start3A_62] : memref<10x128xi32, #tpu.memory_space<vmem>> -> memref<1x128xi32, #tpu.memory_space<vmem>>
        %dma_start3A_64 = tpu.memref_squeeze %dma_start3A_63 : memref<1x128xi32, #tpu.memory_space<vmem>> -> memref<128xi32, #tpu.memory_space<vmem>>
        %dma_start3A_65 = arith.constant 0 : i32
        %dma_start3A_66 = arith.constant 0 : i32
        %dma_start3A_67 = tpu.memref_slice %arg2[%dma_start3A_65, %dma_start3A_66] : memref<10000x128xf32, #tpu.memory_space<hbm>> -> memref<10000x128xf32, #tpu.memory_space<hbm>>
        tpu.enqueue_indirect_dma source(%dma_start3A_67 : memref<10000x128xf32, #tpu.memory_space<hbm>>) target(%arg7 : memref<128x128xf32, #tpu.memory_space<vmem>>) offsets(%dma_start3A_64 : memref<128xi32, #tpu.memory_space<vmem>>) semaphore(%arg9 : memref<!tpu.dma_semaphore, #tpu.memory_space<semaphore_mem>>)
      } else {
      }
      %mul3A_55 = arith.constant 10 : i32
      %mul3A_56 = arith.muli %add3A, %mul3A_55 : i32
      %add3A_57 = arith.addi %mul3A_56, %add3A_41 : i32
      %mul3A_58 = arith.constant 128 : i32
      %mul3A_59 = arith.muli %add3A_57, %mul3A_58 : i32
      "tpu.region"() ({
        %run_scoped3A = tpu.sem_alloc : memref<!tpu.dma_semaphore, #tpu.memory_space<semaphore_mem>>
        %dma_start3A_60 = arith.constant 0 : i32
        %dma_start3A_61 = tpu.memref_slice %arg4[%mul3A_59, %dma_start3A_60] : memref<40960x128xf32, #tpu.memory_space<hbm>> -> memref<128x128xf32, #tpu.memory_space<hbm>>
        %dma_start3A_62 = arith.constant 0 : i32
        %dma_start3A_63 = tpu.memref_slice %arg4[%mul3A_59, %dma_start3A_62] : memref<40960x128xf32, #tpu.memory_space<hbm>> -> memref<128x128xf32, #tpu.memory_space<hbm>>
        tpu.enqueue_dma source(%arg7 : memref<128x128xf32, #tpu.memory_space<vmem>>) target(%dma_start3A_63 : memref<128x128xf32, #tpu.memory_space<hbm>>) target_semaphore(%run_scoped3A : memref<!tpu.dma_semaphore, #tpu.memory_space<semaphore_mem>>)
        %dma_wait3A_64 = arith.constant 0 : i32
        %dma_wait3A_65 = tpu.memref_slice %arg4[%mul3A_59, %dma_wait3A_64] : memref<40960x128xf32, #tpu.memory_space<hbm>> -> memref<128x128xf32, #tpu.memory_space<hbm>>
        %dma_wait3A_66 = arith.constant 0 : i32
        %dma_wait3A_67 = tpu.memref_slice %arg4[%mul3A_59, %dma_wait3A_66] : memref<40960x128xf32, #tpu.memory_space<hbm>> -> memref<128x128xf32, #tpu.memory_space<hbm>>
        tpu.wait_dma2 semaphore(%run_scoped3A : memref<!tpu.dma_semaphore, #tpu.memory_space<semaphore_mem>>) src(%arg7 : memref<128x128xf32, #tpu.memory_space<vmem>>) dst(%dma_wait3A_67 : memref<128x128xf32, #tpu.memory_space<hbm>>)
        tpu.yield
      }) : () -> ()
    }
    %scan3A_18 = arith.constant 5 : i32
    return
  }
}

module attributes {stable_mosaic.version = 14 : i64} {
  func.func @body(%arg0: i32, %arg1: memref<2x400x128xf32, #tpu.memory_space<vmem>>, %arg2: memref<2x400x128xf32, #tpu.memory_space<vmem>>, %arg3: memref<128x128xf32, #tpu.memory_space<vmem>>, %arg4: memref<128x128xf32, #tpu.memory_space<vmem>>, %arg5: memref<400x128xf32, #tpu.memory_space<vmem>>) attributes {dimension_semantics = [#tpu.dimension_semantics<arbitrary>], iteration_bounds = array<i64: 25>, scalar_prefetch = 0 : i64, scratch_operands = 0 : i64, tpu.core_type = #tpu.core_type<tc>, window_params = [{transform_indices = @transform_0, window_bounds = array<i64: 2, 400, 128>}, {transform_indices = @transform_1, window_bounds = array<i64: 2, 400, 128>}, {pipeline_mode = #tpu.pipeline_mode<synchronous>, transform_indices = @transform_2, window_bounds = array<i64: 128, 128>}, {pipeline_mode = #tpu.pipeline_mode<synchronous>, transform_indices = @transform_3, window_bounds = array<i64: 128, 128>}, {transform_indices = @transform_4, window_bounds = array<i64: 400, 128>}]} {
    %get3A = arith.constant 0 : index
    %get3A_0 = arith.constant 0 : index
    %get3A_1 = arith.constant 0 : index
    %get3A_2 = vector.load %arg1[%get3A, %get3A_0, %get3A_1] : memref<2x400x128xf32, #tpu.memory_space<vmem>>, vector<1x400x128xf32>
    %get3A_3 = vector.shape_cast %get3A_2 : vector<1x400x128xf32> to vector<400x128xf32>
    %get3A_4 = arith.constant 1 : index
    %get3A_5 = arith.constant 0 : index
    %get3A_6 = arith.constant 0 : index
    %get3A_7 = vector.load %arg1[%get3A_4, %get3A_5, %get3A_6] : memref<2x400x128xf32, #tpu.memory_space<vmem>>, vector<1x400x128xf32>
    %get3A_8 = vector.shape_cast %get3A_7 : vector<1x400x128xf32> to vector<400x128xf32>
    %add3A = arith.addf %get3A_3, %get3A_8 : vector<400x128xf32>
    %get3A_9 = arith.constant 0 : index
    %get3A_10 = arith.constant 0 : index
    %get3A_11 = arith.constant 0 : index
    %get3A_12 = vector.load %arg2[%get3A_9, %get3A_10, %get3A_11] : memref<2x400x128xf32, #tpu.memory_space<vmem>>, vector<1x400x128xf32>
    %get3A_13 = vector.shape_cast %get3A_12 : vector<1x400x128xf32> to vector<400x128xf32>
    %get3A_14 = arith.constant 1 : index
    %get3A_15 = arith.constant 0 : index
    %get3A_16 = arith.constant 0 : index
    %get3A_17 = vector.load %arg2[%get3A_14, %get3A_15, %get3A_16] : memref<2x400x128xf32, #tpu.memory_space<vmem>>, vector<1x400x128xf32>
    %get3A_18 = vector.shape_cast %get3A_17 : vector<1x400x128xf32> to vector<400x128xf32>
    %add3A_19 = arith.addf %get3A_13, %get3A_18 : vector<400x128xf32>
    %get3A_20 = arith.constant 0 : index
    %get3A_21 = arith.constant 0 : index
    %get3A_22 = vector.load %arg3[%get3A_20, %get3A_21] : memref<128x128xf32, #tpu.memory_space<vmem>>, vector<128x128xf32>
    %dot_general3A = arith.constant dense<0.000000e+00> : vector<400x128xf32>
    %dot_general3A_23 = tpu.matmul %add3A, %get3A_22, %dot_general3A {dimension_numbers = #tpu.dot_dimension_numbers<[1], [0], [0], [1], [0, 0, 1, 1], [], []>, transpose_lhs_hint = false} : vector<400x128xf32>, vector<128x128xf32>, vector<400x128xf32> -> vector<400x128xf32>
    %get3A_24 = arith.constant 0 : index
    %get3A_25 = arith.constant 0 : index
    %get3A_26 = vector.load %arg4[%get3A_24, %get3A_25] : memref<128x128xf32, #tpu.memory_space<vmem>>, vector<128x128xf32>
    %dot_general3A_27 = arith.constant dense<0.000000e+00> : vector<400x128xf32>
    %dot_general3A_28 = tpu.matmul %add3A_19, %get3A_26, %dot_general3A_27 {dimension_numbers = #tpu.dot_dimension_numbers<[1], [0], [0], [1], [0, 0, 1, 1], [], []>, transpose_lhs_hint = false} : vector<400x128xf32>, vector<128x128xf32>, vector<400x128xf32> -> vector<400x128xf32>
    %add3A_29 = arith.addf %dot_general3A_23, %dot_general3A_28 : vector<400x128xf32>
    %slice3A = vector.extract_strided_slice %add3A_19 {offsets = [0, 4], sizes = [400, 1], strides = [1, 1]} : vector<400x128xf32> to vector<400x1xf32>
    %max3A = arith.constant 1.000000e+00 : f32
    %max3A_30 = vector.broadcast %max3A : f32 to vector<400x1xf32>
    %max3A_31 = arith.maximumf %slice3A, %max3A_30 : vector<400x1xf32>
    %div3A = vector.broadcast %max3A_31 : vector<400x1xf32> to vector<400x128xf32>
    %div3A_32 = arith.divf %add3A_29, %div3A : vector<400x128xf32>
    %max3A_33 = arith.constant 0.000000e+00 : f32
    %max3A_34 = vector.broadcast %max3A_33 : f32 to vector<400x128xf32>
    %max3A_35 = arith.maximumf %div3A_32, %max3A_34 : vector<400x128xf32>
    %swap3A = arith.constant 0 : index
    %swap3A_36 = arith.constant 0 : index
    %swap3A_37 = vector.load %arg5[%swap3A, %swap3A_36] : memref<400x128xf32, #tpu.memory_space<vmem>>, vector<400x128xf32>
    tpu.vector_store %arg5[%swap3A, %swap3A_36], %max3A_35 {strides = array<i32>} : memref<400x128xf32, #tpu.memory_space<vmem>>, vector<400x128xf32>,
    return
  }
  func.func @transform_0(%arg0: i32) -> (i32, i32, i32) {
    %c0_i32 = arith.constant 0 : i32
    %c0_i32_0 = arith.constant 0 : i32
    %c0_i32_1 = arith.constant 0 : i32
    return %c0_i32, %arg0, %c0_i32_0 : i32, i32, i32
  }
  func.func @transform_1(%arg0: i32) -> (i32, i32, i32) {
    %c0_i32 = arith.constant 0 : i32
    %c0_i32_0 = arith.constant 0 : i32
    %c0_i32_1 = arith.constant 0 : i32
    return %c0_i32, %arg0, %c0_i32_0 : i32, i32, i32
  }
  func.func @transform_2(%arg0: i32) -> (i32, i32) {
    %c0_i32 = arith.constant 0 : i32
    %c0_i32_0 = arith.constant 0 : i32
    %c0_i32_1 = arith.constant 0 : i32
    return %c0_i32, %c0_i32_0 : i32, i32
  }
  func.func @transform_3(%arg0: i32) -> (i32, i32) {
    %c0_i32 = arith.constant 0 : i32
    %c0_i32_0 = arith.constant 0 : i32
    %c0_i32_1 = arith.constant 0 : i32
    return %c0_i32, %c0_i32_0 : i32, i32
  }
  func.func @transform_4(%arg0: i32) -> (i32, i32) {
    %c0_i32 = arith.constant 0 : i32
    %c0_i32_0 = arith.constant 0 : i32
    return %arg0, %c0_i32 : i32, i32
  }
}

module attributes {stable_mosaic.version = 14 : i64} {
  func.func @_knn_body(%arg0: i32, %arg1: memref<128x8xf32, #tpu.memory_space<vmem>>, %arg2: memref<8x10240xf32, #tpu.memory_space<vmem>>, %arg3: memref<128x128xf32, #tpu.memory_space<vmem>>, %arg4: memref<128x128xi32, #tpu.memory_space<vmem>>) attributes {dimension_semantics = [#tpu.dimension_semantics<arbitrary>], iteration_bounds = array<i64: 80>, scalar_prefetch = 0 : i64, scratch_operands = 0 : i64, tpu.core_type = #tpu.core_type<tc>, window_params = [{transform_indices = @transform_0, window_bounds = array<i64: 128, 8>}, {pipeline_mode = #tpu.pipeline_mode<synchronous>, transform_indices = @transform_1, window_bounds = array<i64: 8, 10240>}, {transform_indices = @transform_2, window_bounds = array<i64: 128, 128>}, {transform_indices = @transform_3, window_bounds = array<i64: 128, 128>}]} {
    %get3A = arith.constant 0 : index
    %get3A_0 = arith.constant 0 : index
    %get3A_1 = vector.load %arg1[%get3A, %get3A_0] : memref<128x8xf32, #tpu.memory_space<vmem>>, vector<128x8xf32>
    %get3A_2 = arith.constant 0 : index
    %get3A_3 = arith.constant 0 : index
    %get3A_4 = vector.load %arg2[%get3A_2, %get3A_3] : memref<8x10240xf32, #tpu.memory_space<vmem>>, vector<8x10240xf32>
    %slice3A = vector.extract_strided_slice %get3A_1 {offsets = [0, 0], sizes = [128, 1], strides = [1, 1]} : vector<128x8xf32> to vector<128x1xf32>
    %slice3A_5 = vector.extract_strided_slice %get3A_4 {offsets = [0, 0], sizes = [1, 10240], strides = [1, 1]} : vector<8x10240xf32> to vector<1x10240xf32>
    %sub3A = vector.broadcast %slice3A : vector<128x1xf32> to vector<128x10240xf32>
    %sub3A_6 = vector.broadcast %slice3A_5 : vector<1x10240xf32> to vector<128x10240xf32>
    %sub3A_7 = arith.subf %sub3A, %sub3A_6 : vector<128x10240xf32>
    %mul3A = arith.mulf %sub3A_7, %sub3A_7 : vector<128x10240xf32>
    %slice3A_8 = vector.extract_strided_slice %get3A_1 {offsets = [0, 1], sizes = [128, 1], strides = [1, 1]} : vector<128x8xf32> to vector<128x1xf32>
    %slice3A_9 = vector.extract_strided_slice %get3A_4 {offsets = [1, 0], sizes = [1, 10240], strides = [1, 1]} : vector<8x10240xf32> to vector<1x10240xf32>
    %sub3A_10 = vector.broadcast %slice3A_8 : vector<128x1xf32> to vector<128x10240xf32>
    %sub3A_11 = vector.broadcast %slice3A_9 : vector<1x10240xf32> to vector<128x10240xf32>
    %sub3A_12 = arith.subf %sub3A_10, %sub3A_11 : vector<128x10240xf32>
    %mul3A_13 = arith.mulf %sub3A_12, %sub3A_12 : vector<128x10240xf32>
    %add3A = arith.addf %mul3A, %mul3A_13 : vector<128x10240xf32>
    %slice3A_14 = vector.extract_strided_slice %get3A_1 {offsets = [0, 2], sizes = [128, 1], strides = [1, 1]} : vector<128x8xf32> to vector<128x1xf32>
    %slice3A_15 = vector.extract_strided_slice %get3A_4 {offsets = [2, 0], sizes = [1, 10240], strides = [1, 1]} : vector<8x10240xf32> to vector<1x10240xf32>
    %sub3A_16 = vector.broadcast %slice3A_14 : vector<128x1xf32> to vector<128x10240xf32>
    %sub3A_17 = vector.broadcast %slice3A_15 : vector<1x10240xf32> to vector<128x10240xf32>
    %sub3A_18 = arith.subf %sub3A_16, %sub3A_17 : vector<128x10240xf32>
    %mul3A_19 = arith.mulf %sub3A_18, %sub3A_18 : vector<128x10240xf32>
    %add3A_20 = arith.addf %add3A, %mul3A_19 : vector<128x10240xf32>
    %iota3A = tpu.iota {dimensions = array<i32: 1>} : vector<128x10240xi32>
    %reduce_min3A = arith.constant dense<0x7F800000> : vector<128xf32>
    %reduce_min3A_21 = vector.multi_reduction <minimumf>, %add3A_20, %reduce_min3A [1] : vector<128x10240xf32> to vector<128xf32>
    %broadcast_in_dim3A = vector.shape_cast %reduce_min3A_21 : vector<128xf32> to vector<128x1xf32>
    %eq3A = vector.broadcast %broadcast_in_dim3A : vector<128x1xf32> to vector<128x10240xf32>
    %eq3A_22 = arith.cmpf oeq, %add3A_20, %eq3A : vector<128x10240xf32>
    %jit3A = arith.constant 10240 : i32
    %broadcast_in_dim3A_23 = vector.broadcast %jit3A : i32 to vector<128x10240xi32>
    %select_n3A = arith.select %eq3A_22, %iota3A, %broadcast_in_dim3A_23 : vector<128x10240xi1>, vector<128x10240xi32>
    %reduce_min3A_24 = arith.constant dense<2147483647> : vector<128xi32>
    %reduce_min3A_25 = vector.multi_reduction <minsi>, %select_n3A, %reduce_min3A_24 [1] : vector<128x10240xi32> to vector<128xi32>
    %broadcast_in_dim3A_26 = vector.shape_cast %reduce_min3A_25 : vector<128xi32> to vector<128x1xi32>
    %eq3A_27 = vector.broadcast %broadcast_in_dim3A_26 : vector<128x1xi32> to vector<128x10240xi32>
    %eq3A_28 = arith.cmpi eq, %iota3A, %eq3A_27 : vector<128x10240xi32>
    %jit3A_29 = arith.constant 3.000000e+38 : f32
    %broadcast_in_dim3A_30 = vector.broadcast %jit3A_29 : f32 to vector<128x10240xf32>
    %select_n3A_31 = arith.select %eq3A_28, %broadcast_in_dim3A_30, %add3A_20 : vector<128x10240xi1>, vector<128x10240xf32>
    %reduce_min3A_32 = arith.constant dense<0x7F800000> : vector<128xf32>
    %reduce_min3A_33 = vector.multi_reduction <minimumf>, %select_n3A_31, %reduce_min3A_32 [1] : vector<128x10240xf32> to vector<128xf32>
    %broadcast_in_dim3A_34 = vector.shape_cast %reduce_min3A_33 : vector<128xf32> to vector<128x1xf32>
    %eq3A_35 = vector.broadcast %broadcast_in_dim3A_34 : vector<128x1xf32> to vector<128x10240xf32>
    %eq3A_36 = arith.cmpf oeq, %select_n3A_31, %eq3A_35 : vector<128x10240xf32>
    %jit3A_37 = arith.constant 10240 : i32
    %broadcast_in_dim3A_38 = vector.broadcast %jit3A_37 : i32 to vector<128x10240xi32>
    %select_n3A_39 = arith.select %eq3A_36, %iota3A, %broadcast_in_dim3A_38 : vector<128x10240xi1>, vector<128x10240xi32>
    %reduce_min3A_40 = arith.constant dense<2147483647> : vector<128xi32>
    %reduce_min3A_41 = vector.multi_reduction <minsi>, %select_n3A_39, %reduce_min3A_40 [1] : vector<128x10240xi32> to vector<128xi32>
    %broadcast_in_dim3A_42 = vector.shape_cast %reduce_min3A_41 : vector<128xi32> to vector<128x1xi32>
    %eq3A_43 = vector.broadcast %broadcast_in_dim3A_42 : vector<128x1xi32> to vector<128x10240xi32>
    %eq3A_44 = arith.cmpi eq, %iota3A, %eq3A_43 : vector<128x10240xi32>
    %jit3A_45 = arith.constant 3.000000e+38 : f32
    %broadcast_in_dim3A_46 = vector.broadcast %jit3A_45 : f32 to vector<128x10240xf32>
    %select_n3A_47 = arith.select %eq3A_44, %broadcast_in_dim3A_46, %select_n3A_31 : vector<128x10240xi1>, vector<128x10240xf32>
    %reduce_min3A_48 = arith.constant dense<0x7F800000> : vector<128xf32>
    %reduce_min3A_49 = vector.multi_reduction <minimumf>, %select_n3A_47, %reduce_min3A_48 [1] : vector<128x10240xf32> to vector<128xf32>
    %broadcast_in_dim3A_50 = vector.shape_cast %reduce_min3A_49 : vector<128xf32> to vector<128x1xf32>
    %eq3A_51 = vector.broadcast %broadcast_in_dim3A_50 : vector<128x1xf32> to vector<128x10240xf32>
    %eq3A_52 = arith.cmpf oeq, %select_n3A_47, %eq3A_51 : vector<128x10240xf32>
    %jit3A_53 = arith.constant 10240 : i32
    %broadcast_in_dim3A_54 = vector.broadcast %jit3A_53 : i32 to vector<128x10240xi32>
    %select_n3A_55 = arith.select %eq3A_52, %iota3A, %broadcast_in_dim3A_54 : vector<128x10240xi1>, vector<128x10240xi32>
    %reduce_min3A_56 = arith.constant dense<2147483647> : vector<128xi32>
    %reduce_min3A_57 = vector.multi_reduction <minsi>, %select_n3A_55, %reduce_min3A_56 [1] : vector<128x10240xi32> to vector<128xi32>
    %broadcast_in_dim3A_58 = vector.shape_cast %reduce_min3A_57 : vector<128xi32> to vector<128x1xi32>
    %eq3A_59 = vector.broadcast %broadcast_in_dim3A_58 : vector<128x1xi32> to vector<128x10240xi32>
    %eq3A_60 = arith.cmpi eq, %iota3A, %eq3A_59 : vector<128x10240xi32>
    %jit3A_61 = arith.constant 3.000000e+38 : f32
    %broadcast_in_dim3A_62 = vector.broadcast %jit3A_61 : f32 to vector<128x10240xf32>
    %select_n3A_63 = arith.select %eq3A_60, %broadcast_in_dim3A_62, %select_n3A_47 : vector<128x10240xi1>, vector<128x10240xf32>
    %reduce_min3A_64 = arith.constant dense<0x7F800000> : vector<128xf32>
    %reduce_min3A_65 = vector.multi_reduction <minimumf>, %select_n3A_63, %reduce_min3A_64 [1] : vector<128x10240xf32> to vector<128xf32>
    %broadcast_in_dim3A_66 = vector.shape_cast %reduce_min3A_65 : vector<128xf32> to vector<128x1xf32>
    %eq3A_67 = vector.broadcast %broadcast_in_dim3A_66 : vector<128x1xf32> to vector<128x10240xf32>
    %eq3A_68 = arith.cmpf oeq, %select_n3A_63, %eq3A_67 : vector<128x10240xf32>
    %jit3A_69 = arith.constant 10240 : i32
    %broadcast_in_dim3A_70 = vector.broadcast %jit3A_69 : i32 to vector<128x10240xi32>
    %select_n3A_71 = arith.select %eq3A_68, %iota3A, %broadcast_in_dim3A_70 : vector<128x10240xi1>, vector<128x10240xi32>
    %reduce_min3A_72 = arith.constant dense<2147483647> : vector<128xi32>
    %reduce_min3A_73 = vector.multi_reduction <minsi>, %select_n3A_71, %reduce_min3A_72 [1] : vector<128x10240xi32> to vector<128xi32>
    %broadcast_in_dim3A_74 = vector.shape_cast %reduce_min3A_73 : vector<128xi32> to vector<128x1xi32>
    %add3A_75 = arith.constant 9.99999993E-9 : f32
    %add3A_76 = vector.broadcast %add3A_75 : f32 to vector<128x1xf32>
    %add3A_77 = arith.addf %broadcast_in_dim3A, %add3A_76 : vector<128x1xf32>
    %div3A = arith.constant 1.000000e+00 : f32
    %div3A_78 = vector.broadcast %div3A : f32 to vector<128x1xf32>
    %div3A_79 = arith.divf %div3A_78, %add3A_77 : vector<128x1xf32>
    %add3A_80 = arith.constant 9.99999993E-9 : f32
    %add3A_81 = vector.broadcast %add3A_80 : f32 to vector<128x1xf32>
    %add3A_82 = arith.addf %broadcast_in_dim3A_34, %add3A_81 : vector<128x1xf32>
    %div3A_83 = arith.constant 1.000000e+00 : f32
    %div3A_84 = vector.broadcast %div3A_83 : f32 to vector<128x1xf32>
    %div3A_85 = arith.divf %div3A_84, %add3A_82 : vector<128x1xf32>
    %add3A_86 = arith.constant 9.99999993E-9 : f32
    %add3A_87 = vector.broadcast %add3A_86 : f32 to vector<128x1xf32>
    %add3A_88 = arith.addf %broadcast_in_dim3A_50, %add3A_87 : vector<128x1xf32>
    %div3A_89 = arith.constant 1.000000e+00 : f32
    %div3A_90 = vector.broadcast %div3A_89 : f32 to vector<128x1xf32>
    %div3A_91 = arith.divf %div3A_90, %add3A_88 : vector<128x1xf32>
    %add3A_92 = arith.constant 9.99999993E-9 : f32
    %add3A_93 = vector.broadcast %add3A_92 : f32 to vector<128x1xf32>
    %add3A_94 = arith.addf %broadcast_in_dim3A_66, %add3A_93 : vector<128x1xf32>
    %div3A_95 = arith.constant 1.000000e+00 : f32
    %div3A_96 = vector.broadcast %div3A_95 : f32 to vector<128x1xf32>
    %div3A_97 = arith.divf %div3A_96, %add3A_94 : vector<128x1xf32>
    %add3A_98 = arith.addf %div3A_79, %div3A_85 : vector<128x1xf32>
    %add3A_99 = arith.addf %add3A_98, %div3A_91 : vector<128x1xf32>
    %add3A_100 = arith.addf %add3A_99, %div3A_97 : vector<128x1xf32>
    %div3A_101 = arith.divf %div3A_79, %add3A_100 : vector<128x1xf32>
    %div3A_102 = arith.divf %div3A_85, %add3A_100 : vector<128x1xf32>
    %div3A_103 = arith.divf %div3A_91, %add3A_100 : vector<128x1xf32>
    %div3A_104 = arith.divf %div3A_97, %add3A_100 : vector<128x1xf32>
    %broadcast_in_dim3A_105 = arith.constant 0.000000e+00 : f32
    %broadcast_in_dim3A_106 = vector.broadcast %broadcast_in_dim3A_105 : f32 to vector<128x124xf32>
    %concatenate3A = tpu.concatenate %div3A_101, %div3A_102, %div3A_103, %div3A_104, %broadcast_in_dim3A_106 in 1 : vector<128x1xf32>, vector<128x1xf32>, vector<128x1xf32>, vector<128x1xf32>, vector<128x124xf32> -> vector<128x128xf32>
    %swap3A = arith.constant 0 : index
    %swap3A_107 = arith.constant 0 : index
    %swap3A_108 = vector.load %arg3[%swap3A, %swap3A_107] : memref<128x128xf32, #tpu.memory_space<vmem>>, vector<128x128xf32>
    tpu.vector_store %arg3[%swap3A, %swap3A_107], %concatenate3A {strides = array<i32>} : memref<128x128xf32, #tpu.memory_space<vmem>>, vector<128x128xf32>,
    %broadcast_in_dim3A_109 = arith.constant 0 : i32
    %broadcast_in_dim3A_110 = vector.broadcast %broadcast_in_dim3A_109 : i32 to vector<128x124xi32>
    %concatenate3A_111 = tpu.concatenate %broadcast_in_dim3A_26, %broadcast_in_dim3A_42, %broadcast_in_dim3A_58, %broadcast_in_dim3A_74, %broadcast_in_dim3A_110 in 1 : vector<128x1xi32>, vector<128x1xi32>, vector<128x1xi32>, vector<128x1xi32>, vector<128x124xi32> -> vector<128x128xi32>
    %swap3A_112 = arith.constant 0 : index
    %swap3A_113 = arith.constant 0 : index
    %swap3A_114 = vector.load %arg4[%swap3A_112, %swap3A_113] : memref<128x128xi32, #tpu.memory_space<vmem>>, vector<128x128xi32>
    tpu.vector_store %arg4[%swap3A_112, %swap3A_113], %concatenate3A_111 {strides = array<i32>} : memref<128x128xi32, #tpu.memory_space<vmem>>, vector<128x128xi32>,
    return
  }
  func.func @transform_0(%arg0: i32) -> (i32, i32) {
    %c0_i32 = arith.constant 0 : i32
    %c0_i32_0 = arith.constant 0 : i32
    return %arg0, %c0_i32 : i32, i32
  }
  func.func @transform_1(%arg0: i32) -> (i32, i32) {
    %c0_i32 = arith.constant 0 : i32
    %c0_i32_0 = arith.constant 0 : i32
    %c0_i32_1 = arith.constant 0 : i32
    return %c0_i32, %c0_i32_0 : i32, i32
  }
  func.func @transform_2(%arg0: i32) -> (i32, i32) {
    %c0_i32 = arith.constant 0 : i32
    %c0_i32_0 = arith.constant 0 : i32
    return %arg0, %c0_i32 : i32, i32
  }
  func.func @transform_3(%arg0: i32) -> (i32, i32) {
    %c0_i32 = arith.constant 0 : i32
    %c0_i32_0 = arith.constant 0 : i32
    return %arg0, %c0_i32 : i32, i32
  }
}

module attributes {stable_mosaic.version = 14 : i64} {
  func.func @body(%arg0: i32, %arg1: memref<2x400x128xf32, #tpu.memory_space<vmem>>, %arg2: memref<2x400x128xf32, #tpu.memory_space<vmem>>, %arg3: memref<128x128xf32, #tpu.memory_space<vmem>>, %arg4: memref<128x128xf32, #tpu.memory_space<vmem>>, %arg5: memref<400x128xf32, #tpu.memory_space<vmem>>, %arg6: memref<400x128xf32, #tpu.memory_space<vmem>>) attributes {dimension_semantics = [#tpu.dimension_semantics<arbitrary>], iteration_bounds = array<i64: 25>, scalar_prefetch = 0 : i64, scratch_operands = 0 : i64, tpu.core_type = #tpu.core_type<tc>, window_params = [{transform_indices = @transform_0, window_bounds = array<i64: 2, 400, 128>}, {transform_indices = @transform_1, window_bounds = array<i64: 2, 400, 128>}, {pipeline_mode = #tpu.pipeline_mode<synchronous>, transform_indices = @transform_2, window_bounds = array<i64: 128, 128>}, {pipeline_mode = #tpu.pipeline_mode<synchronous>, transform_indices = @transform_3, window_bounds = array<i64: 128, 128>}, {transform_indices = @transform_4, window_bounds = array<i64: 400, 128>}, {transform_indices = @transform_5, window_bounds = array<i64: 400, 128>}]} {
    %get3A = arith.constant 0 : index
    %get3A_0 = arith.constant 0 : index
    %get3A_1 = arith.constant 0 : index
    %get3A_2 = vector.load %arg1[%get3A, %get3A_0, %get3A_1] : memref<2x400x128xf32, #tpu.memory_space<vmem>>, vector<1x400x128xf32>
    %get3A_3 = vector.shape_cast %get3A_2 : vector<1x400x128xf32> to vector<400x128xf32>
    %get3A_4 = arith.constant 1 : index
    %get3A_5 = arith.constant 0 : index
    %get3A_6 = arith.constant 0 : index
    %get3A_7 = vector.load %arg1[%get3A_4, %get3A_5, %get3A_6] : memref<2x400x128xf32, #tpu.memory_space<vmem>>, vector<1x400x128xf32>
    %get3A_8 = vector.shape_cast %get3A_7 : vector<1x400x128xf32> to vector<400x128xf32>
    %add3A = arith.addf %get3A_3, %get3A_8 : vector<400x128xf32>
    %get3A_9 = arith.constant 0 : index
    %get3A_10 = arith.constant 0 : index
    %get3A_11 = arith.constant 0 : index
    %get3A_12 = vector.load %arg2[%get3A_9, %get3A_10, %get3A_11] : memref<2x400x128xf32, #tpu.memory_space<vmem>>, vector<1x400x128xf32>
    %get3A_13 = vector.shape_cast %get3A_12 : vector<1x400x128xf32> to vector<400x128xf32>
    %get3A_14 = arith.constant 1 : index
    %get3A_15 = arith.constant 0 : index
    %get3A_16 = arith.constant 0 : index
    %get3A_17 = vector.load %arg2[%get3A_14, %get3A_15, %get3A_16] : memref<2x400x128xf32, #tpu.memory_space<vmem>>, vector<1x400x128xf32>
    %get3A_18 = vector.shape_cast %get3A_17 : vector<1x400x128xf32> to vector<400x128xf32>
    %add3A_19 = arith.addf %get3A_13, %get3A_18 : vector<400x128xf32>
    %get3A_20 = arith.constant 0 : index
    %get3A_21 = arith.constant 0 : index
    %get3A_22 = vector.load %arg3[%get3A_20, %get3A_21] : memref<128x128xf32, #tpu.memory_space<vmem>>, vector<128x128xf32>
    %dot_general3A = arith.constant dense<0.000000e+00> : vector<400x128xf32>
    %dot_general3A_23 = tpu.matmul %add3A, %get3A_22, %dot_general3A {dimension_numbers = #tpu.dot_dimension_numbers<[1], [0], [0], [1], [0, 0, 1, 1], [], []>, transpose_lhs_hint = false} : vector<400x128xf32>, vector<128x128xf32>, vector<400x128xf32> -> vector<400x128xf32>
    %get3A_24 = arith.constant 0 : index
    %get3A_25 = arith.constant 0 : index
    %get3A_26 = vector.load %arg4[%get3A_24, %get3A_25] : memref<128x128xf32, #tpu.memory_space<vmem>>, vector<128x128xf32>
    %dot_general3A_27 = arith.constant dense<0.000000e+00> : vector<400x128xf32>
    %dot_general3A_28 = tpu.matmul %add3A_19, %get3A_26, %dot_general3A_27 {dimension_numbers = #tpu.dot_dimension_numbers<[1], [0], [0], [1], [0, 0, 1, 1], [], []>, transpose_lhs_hint = false} : vector<400x128xf32>, vector<128x128xf32>, vector<400x128xf32> -> vector<400x128xf32>
    %add3A_29 = arith.addf %dot_general3A_23, %dot_general3A_28 : vector<400x128xf32>
    %slice3A = vector.extract_strided_slice %add3A_19 {offsets = [0, 4], sizes = [400, 1], strides = [1, 1]} : vector<400x128xf32> to vector<400x1xf32>
    %max3A = arith.constant 1.000000e+00 : f32
    %max3A_30 = vector.broadcast %max3A : f32 to vector<400x1xf32>
    %max3A_31 = arith.maximumf %slice3A, %max3A_30 : vector<400x1xf32>
    %div3A = vector.broadcast %max3A_31 : vector<400x1xf32> to vector<400x128xf32>
    %div3A_32 = arith.divf %add3A_29, %div3A : vector<400x128xf32>
    %get3A_33 = arith.constant 0 : index
    %get3A_34 = arith.constant 0 : index
    %get3A_35 = vector.load %arg5[%get3A_33, %get3A_34] : memref<400x128xf32, #tpu.memory_space<vmem>>, vector<400x128xf32>
    %add3A_36 = arith.addf %div3A_32, %get3A_35 : vector<400x128xf32>
    %swap3A = arith.constant 0 : index
    %swap3A_37 = arith.constant 0 : index
    %swap3A_38 = vector.load %arg6[%swap3A, %swap3A_37] : memref<400x128xf32, #tpu.memory_space<vmem>>, vector<400x128xf32>
    tpu.vector_store %arg6[%swap3A, %swap3A_37], %add3A_36 {strides = array<i32>} : memref<400x128xf32, #tpu.memory_space<vmem>>, vector<400x128xf32>,
    return
  }
  func.func @transform_0(%arg0: i32) -> (i32, i32, i32) {
    %c0_i32 = arith.constant 0 : i32
    %c0_i32_0 = arith.constant 0 : i32
    %c0_i32_1 = arith.constant 0 : i32
    return %c0_i32, %arg0, %c0_i32_0 : i32, i32, i32
  }
  func.func @transform_1(%arg0: i32) -> (i32, i32, i32) {
    %c0_i32 = arith.constant 0 : i32
    %c0_i32_0 = arith.constant 0 : i32
    %c0_i32_1 = arith.constant 0 : i32
    return %c0_i32, %arg0, %c0_i32_0 : i32, i32, i32
  }
  func.func @transform_2(%arg0: i32) -> (i32, i32) {
    %c0_i32 = arith.constant 0 : i32
    %c0_i32_0 = arith.constant 0 : i32
    %c0_i32_1 = arith.constant 0 : i32
    return %c0_i32, %c0_i32_0 : i32, i32
  }
  func.func @transform_3(%arg0: i32) -> (i32, i32) {
    %c0_i32 = arith.constant 0 : i32
    %c0_i32_0 = arith.constant 0 : i32
    %c0_i32_1 = arith.constant 0 : i32
    return %c0_i32, %c0_i32_0 : i32, i32
  }
  func.func @transform_4(%arg0: i32) -> (i32, i32) {
    %c0_i32 = arith.constant 0 : i32
    %c0_i32_0 = arith.constant 0 : i32
    return %arg0, %c0_i32 : i32, i32
  }
  func.func @transform_5(%arg0: i32) -> (i32, i32) {
    %c0_i32 = arith.constant 0 : i32
    %c0_i32_0 = arith.constant 0 : i32
    return %arg0, %c0_i32 : i32, i32
  }
}

module attributes {stable_mosaic.version = 14 : i64} {
  func.func @_wsum_body(%arg0: i32, %arg1: memref<400x512xf32, #tpu.memory_space<vmem>>, %arg2: memref<400x4xf32, #tpu.memory_space<vmem>>, %arg3: memref<400x128xf32, #tpu.memory_space<vmem>>) attributes {dimension_semantics = [#tpu.dimension_semantics<arbitrary>], iteration_bounds = array<i64: 25>, scalar_prefetch = 0 : i64, scratch_operands = 0 : i64, tpu.core_type = #tpu.core_type<tc>, window_params = [{transform_indices = @transform_0, window_bounds = array<i64: 400, 512>}, {transform_indices = @transform_1, window_bounds = array<i64: 400, 4>}, {transform_indices = @transform_2, window_bounds = array<i64: 400, 128>}]} {
    %get3A = arith.constant 0 : index
    %get3A_0 = arith.constant 0 : index
    %get3A_1 = vector.load %arg2[%get3A, %get3A_0] : memref<400x4xf32, #tpu.memory_space<vmem>>, vector<400x4xf32>
    %slice3A = vector.extract_strided_slice %get3A_1 {offsets = [0, 0], sizes = [400, 1], strides = [1, 1]} : vector<400x4xf32> to vector<400x1xf32>
    %get3A_2 = arith.constant 0 : index
    %get3A_3 = arith.constant 0 : index
    %get3A_4 = vector.load %arg1[%get3A_2, %get3A_3] : memref<400x512xf32, #tpu.memory_space<vmem>>, vector<400x128xf32>
    %mul3A = vector.broadcast %slice3A : vector<400x1xf32> to vector<400x128xf32>
    %mul3A_5 = arith.mulf %mul3A, %get3A_4 : vector<400x128xf32>
    %slice3A_6 = vector.extract_strided_slice %get3A_1 {offsets = [0, 1], sizes = [400, 1], strides = [1, 1]} : vector<400x4xf32> to vector<400x1xf32>
    %get3A_7 = arith.constant 0 : index
    %get3A_8 = arith.constant 128 : index
    %get3A_9 = vector.load %arg1[%get3A_7, %get3A_8] : memref<400x512xf32, #tpu.memory_space<vmem>>, vector<400x128xf32>
    %mul3A_10 = vector.broadcast %slice3A_6 : vector<400x1xf32> to vector<400x128xf32>
    %mul3A_11 = arith.mulf %mul3A_10, %get3A_9 : vector<400x128xf32>
    %add3A = arith.addf %mul3A_5, %mul3A_11 : vector<400x128xf32>
    %slice3A_12 = vector.extract_strided_slice %get3A_1 {offsets = [0, 2], sizes = [400, 1], strides = [1, 1]} : vector<400x4xf32> to vector<400x1xf32>
    %get3A_13 = arith.constant 0 : index
    %get3A_14 = arith.constant 256 : index
    %get3A_15 = vector.load %arg1[%get3A_13, %get3A_14] : memref<400x512xf32, #tpu.memory_space<vmem>>, vector<400x128xf32>
    %mul3A_16 = vector.broadcast %slice3A_12 : vector<400x1xf32> to vector<400x128xf32>
    %mul3A_17 = arith.mulf %mul3A_16, %get3A_15 : vector<400x128xf32>
    %add3A_18 = arith.addf %add3A, %mul3A_17 : vector<400x128xf32>
    %slice3A_19 = vector.extract_strided_slice %get3A_1 {offsets = [0, 3], sizes = [400, 1], strides = [1, 1]} : vector<400x4xf32> to vector<400x1xf32>
    %get3A_20 = arith.constant 0 : index
    %get3A_21 = arith.constant 384 : index
    %get3A_22 = vector.load %arg1[%get3A_20, %get3A_21] : memref<400x512xf32, #tpu.memory_space<vmem>>, vector<400x128xf32>
    %mul3A_23 = vector.broadcast %slice3A_19 : vector<400x1xf32> to vector<400x128xf32>
    %mul3A_24 = arith.mulf %mul3A_23, %get3A_22 : vector<400x128xf32>
    %add3A_25 = arith.addf %add3A_18, %mul3A_24 : vector<400x128xf32>
    %swap3A = arith.constant 0 : index
    %swap3A_26 = arith.constant 0 : index
    %swap3A_27 = vector.load %arg3[%swap3A, %swap3A_26] : memref<400x128xf32, #tpu.memory_space<vmem>>, vector<400x128xf32>
    tpu.vector_store %arg3[%swap3A, %swap3A_26], %add3A_25 {strides = array<i32>} : memref<400x128xf32, #tpu.memory_space<vmem>>, vector<400x128xf32>,
    return
  }
  func.func @transform_0(%arg0: i32) -> (i32, i32) {
    %c0_i32 = arith.constant 0 : i32
    %c0_i32_0 = arith.constant 0 : i32
    return %arg0, %c0_i32 : i32, i32
  }
  func.func @transform_1(%arg0: i32) -> (i32, i32) {
    %c0_i32 = arith.constant 0 : i32
    %c0_i32_0 = arith.constant 0 : i32
    return %arg0, %c0_i32 : i32, i32
  }
  func.func @transform_2(%arg0: i32) -> (i32, i32) {
    %c0_i32 = arith.constant 0 : i32
    %c0_i32_0 = arith.constant 0 : i32
    return %arg0, %c0_i32 : i32, i32
  }
}

</mosaic_0001>

<sc_bundles>
// kernel: kernel.12.cloned.1.call-start
scs
__scs_entry_jumppad:
0x0: {  	(pc) =	sbr.rel $0x88, $3  }
0x1: {  	(tag) =	ssettag $0x0;
	lr =	simm.s32 $0x1  }
0x2: {  	[smem:$0x3F93] =	sst lr;
	_ =	strace $0xD0000000  }
0x3: {  	_ = 	snop  }
0x4: {  	_ = 	snop  }
0x5: {  	_ = 	snop  }
0x6: {  	_ = 	snop  }
0x7: {  	_ = 	snop  }
__scs_overlays_trampoline_lowered:
0x8: {  	[smem:$0x3FA2] =	sst s0  }
0x9: {  	[smem:$0x3FA3] =	sst s1  }
0xa: {  	[smem:$0x3FA4] =	sst s2  }
0xb: {  	[smem:$0x3FA5] =	sst s3  }
0xc: {  	[smem:$0x3FA6] =	sst s4  }
0xd: {  	[smem:$0x3FA7] =	sst s5  }
0xe: {  	[smem:$0x3FA8] =	sst s6  }
0xf: {  	[smem:$0x3FA9] =	sst s7  }
0x10: {  	[smem:$0x3FAA] =	sst s8  }
0x11: {  	[smem:$0x3FAB] =	sst s9;
	s0 =	simm.s32 @!p0 $0x0  }
0x12: {  	s1 =	sld [smem:$0x3F91];
	s0 =	simm.s32 @p0 $0x1  }
0x13: {  	[smem:$0x3FAC] =	sst s0;
	s0 =	simm.s32 @!p1 $0x0  }
0x14: {  	s2 =	sld [smem:$0x3F90];
	s0 =	simm.s32 @p1 $0x1  }
0x15: {  	[smem:$0x3FAD] =	sst s0;
	s0 =	simm.s32 @!p2 $0x0  }
0x16: {  	s3 =	sld [smem:$0x3FDB];
	s0 =	simm.s32 @p2 $0x1  }
0x17: {  	s4 =	simm.s32 $0x1BF5;
	[smem:$0x3FAF] =	sst s0  }
0x18: {  	s0 =	sld [smem:$0x3F92];
	_ =	swait.ge [sflag:s4], $0x0  }
0x19: {  	s7 =	sld [smem:$0x3F93]  }
0x1a: {  	s8 =	sadd.s32 $0xFFFFE003, lr  }
0x1b: {  	s9 =	sadd.s32 $0xFFFFFEF7, lr;
	s5 =	simm.s32 $0xFFFFFFFF;
	p2 =	slt.u32 s8, $0xFFFFF086  }
0x1c: {  	p1 =	slt.u32 s9, $0xF7A;
	s5 =	simm.s32 @!p2 $0x0  }
0x1d: {  	s5 =	simm.s32 @p1 $0x1;
	p0 =	seq.s32 s7, s2  }
0x1e: {  	s7 =	smul.u32 @!p0 $0xF7A, s2;
	p2 =	seq.s32 @!p0 s5, $0x0  }
0x1f: {  	s9 =	smul.u32 $0xF7A, s1;
	s8 =	simm.s32 @!p0 $0x1BF5;
	p2 =	por !p2, p0  }
0x20: {  	[sflag:s8] =	ssyncset.s32 @!p0 $0xFFFFF086;
	s6 =	sadd.s32 @!p0 s3, s7;
	s7 =	simm.s32 @!p0 $0x108  }
0x21: {  	s3 =	sadd.s32 s3, s9;
	s6 =	sadd.s32 @!p0 $0x88, s6;
	s7 =	simm.s32 @p2 $0x1082  }
0x22: {  	[simem:s7], [sflag:s8] =	dma.local @!p0 [hbm:s6], $0xF7A  }
0x23: {  	s9 =	sor.u32 $0xD0000000, s2;
	s6 =	simm.s32 $0x108;
	_ =	swait.ge @!p0 [sflag:s8], $0x0  }
0x24: {  	s3 =	sadd.s32 $0x88, s3;
	s6 =	simm.s32 @!p1 $0x1082;
	[sflag:s4] =	ssyncset.s32 $0xFFFFF086  }
0x25: {  	[simem:s6], [sflag:s4] =	dma.local [hbm:s3], $0xF7A  }
0x26: {  	[smem:$0x3F93] =	sst s1;
	(tag) =	ssettag s2;
	_ =	strace s9  }
0x27: {  	s1 =	sld [smem:$0x3FA3]  }
0x28: {  	s2 =	sld [smem:$0x3FA4]  }
0x29: {  	s4 =	sld [smem:$0x3FA6]  }
0x2a: {  	p0 =	seq.s32 s5, $0x0;
	s5 =	sld [smem:$0x3FA7]  }
0x2b: {  	s6 =	sld [smem:$0x3FA8]  }
0x2c: {  	s7 =	sld [smem:$0x3FA9]  }
0x2d: {  	s3 =	simm.s32 $0x108;
	s8 =	sld [smem:$0x3FAA]  }
0x2e: {  	s3 =	simm.s32 @!p0 $0x1082;
	s9 =	sld [smem:$0x3FAB]  }
0x2f: {  	lr =	sadd.s32 s0, s3;
	s0 =	sld [smem:$0x3FA2]  }
0x30: {  	s3 =	sld [smem:$0x3FA5]  }
0x31: {  	[smem:$0x3FAE] =	sst s10  }
0x32: {  	s10 =	sld [smem:$0x3FAC];
	_ =	sdelay $0x3  }
0x33: {  	p0 =	seq.s32 s10, $0x1;
	s10 =	sld [smem:$0x3FAE];
	_ =	sdelay $0x3  }
0x34: {  	[smem:$0x3FAE] =	sst s10  }
0x35: {  	s10 =	sld [smem:$0x3FAD];
	_ =	sdelay $0x3  }
0x36: {  	p1 =	seq.s32 s10, $0x1;
	s10 =	sld [smem:$0x3FAE];
	_ =	sdelay $0x3  }
0x37: {  	[smem:$0x3FAE] =	sst s10  }
0x38: {  	s10 =	sld [smem:$0x3FAF]  }
0x39: {  	_ = 	snop;
	(pc) =	sbr.ind lr, $3  }
0x3a: {  	_ = 	snop  }
0x3b: {  	_ = 	snop  }
0x3c: {  	p2 =	seq.s32 s10, $0x1;
	s10 =	sld [smem:$0x3FAE]  }
0x3d: {  	_ =	shalt  }
0x3e: {  	_ =	shalt  }
0x3f: {  	_ =	shalt  }
0x40: {  	_ =	shalt  }
0x41: {  	_ =	shalt  }
0x42: {  	_ =	shalt  }
0x43: {  	_ =	shalt  }
0x44: {  	_ =	shalt  }
0x45: {  	_ =	shalt  }
0x46: {  	_ =	shalt  }
0x47: {  	_ =	shalt  }
0x48: {  	_ =	shalt  }
0x49: {  	_ =	shalt  }
0x4a: {  	_ =	shalt  }
0x4b: {  	_ =	shalt  }
0x4c: {  	_ =	shalt  }
0x4d: {  	_ =	shalt  }
0x4e: {  	_ =	shalt  }
0x4f: {  	_ =	shalt  }
0x50: {  	_ =	shalt  }
0x51: {  	_ =	shalt  }
0x52: {  	_ =	shalt  }
0x53: {  	_ =	shalt  }
0x54: {  	_ =	shalt  }
0x55: {  	_ =	shalt  }
0x56: {  	_ =	shalt  }
0x57: {  	_ =	shalt  }
0x58: {  	_ =	shalt  }
0x59: {  	_ =	shalt  }
0x5a: {  	_ =	shalt  }
0x5b: {  	_ =	shalt  }
0x5c: {  	_ =	shalt  }
0x5d: {  	_ =	shalt  }
0x5e: {  	_ =	shalt  }
0x5f: {  	_ =	shalt  }
0x60: {  	_ =	shalt  }
0x61: {  	_ =	shalt  }
0x62: {  	_ =	shalt  }
0x63: {  	_ =	shalt  }
0x64: {  	_ =	shalt  }
0x65: {  	_ =	shalt  }
0x66: {  	_ =	shalt  }
0x67: {  	_ =	shalt  }
0x68: {  	_ =	shalt  }
0x69: {  	_ =	shalt  }
0x6a: {  	_ =	shalt  }
0x6b: {  	_ =	shalt  }
0x6c: {  	_ =	shalt  }
0x6d: {  	_ =	shalt  }
0x6e: {  	_ =	shalt  }
0x6f: {  	_ =	shalt  }
0x70: {  	_ =	shalt  }
0x71: {  	_ =	shalt  }
0x72: {  	_ =	shalt  }
0x73: {  	_ =	shalt  }
0x74: {  	_ =	shalt  }
0x75: {  	_ =	shalt  }
0x76: {  	_ =	shalt  }
0x77: {  	_ =	shalt  }
0x78: {  	_ =	shalt  }
0x79: {  	_ =	shalt  }
0x7a: {  	_ =	shalt  }
0x7b: {  	_ =	shalt  }
0x7c: {  	_ =	shalt  }
0x7d: {  	_ =	shalt  }
0x7e: {  	_ =	shalt  }
0x7f: {  	_ =	shalt  }
0x80: {  	_ =	shalt  }
0x81: {  	_ =	shalt  }
0x82: {  	_ =	shalt  }
0x83: {  	_ =	shalt  }
0x84: {  	_ =	shalt  }
0x85: {  	_ =	shalt  }
0x86: {  	_ =	shalt  }
0x87: {  	_ =	shalt  }
.Lfunc_end0:
.L_simem_size_0:
called_computation_lowered:
.L_overlay_start_0:
0x88: {  	s2 =	sld [smem:$0x3FD9]  }
0x89: {  	s3 =	sld [smem:$0x3FFE];
	_ =	sdelay $0x1  }
0x8a: {  	s1 =	srdreg.scid  }
0x8b: {  	s0 =	sand.u32 $0x1, s1  }
0x8c: {  	s16 =	sshll.u32 s0, $0xA;
	s2 =	sadd.s32 s3, s2  }
0x8d: {  	s2 =	sadd.s32 s2, s16  }
0x8e: {  	[smem:$0x3FBA] =	sst s2  }
0x8f: {  	_ = 	snop  }
0x90: {  	(tm) =	ssettm $0x1  }
0x91: {  	s17 =	sld [smem:$0x3FFB];
	_ =	sdelay $0x3  }
0x92: {  	_ =	strace s17  }
0x93: {  	s2 =	sld [smem:$0x3FFC];
	_ =	sdelay $0x3  }
0x94: {  	_ =	strace s2  }
0x95: {  	s2 =	sld [smem:$0x3FFD];
	_ =	sdelay $0x3  }
0x96: {  	_ =	strace s2  }
0x97: {  	_ =	strace $0x8FFFFFFF  }
0x98: {  	s18 =	sld [smem:$0x3FDB];
	_ =	sdelay $0x1  }
0x99: {  	s19 =	simm.s32 $_scs_section_size  }
0x9a: {  	s4 =	simm.s32 $_size__tile_overlayer_lowered;
	s5 =	simm.s32 $_tile_overlayer_lowered  }
0x9b: {  	s22 =	simm.s32 $0x1BFF;
	s21 =	sshll.u32 s5, $0x1;
	s2 =	sadd.s32 s19, s18  }
0x9c: {  	s6 =	simm.s32 $0x0;
	s20 =	sshll.u32 s4, $0x1;
	s4 =	sadd.s32 s21, s2  }
0x9d: {  	[timem:s6], [sflag:s22] =	dma.local [hbm:s4], s20  }
0x9e: {  	_ =	swait.ge [sflag:s22], s20  }
0x9f: {  	s3 =	ssub.s32 $0x0, s20;
	[sflag:s22] =	ssyncset.done $0x0  }
0xa0: {  	[sflag:s22] =	ssyncadd.s32 s3;
	_ =	sdelay $0x1  }
0xa1: {  	s23 =	simm.s32 $0x1B8B  }
0xa2: {  	_ =	swait.ge [sflag:s23], $0x1  }
0xa3: {  	[sflag:s23] =	ssyncset.done $0x0  }
0xa4: {  	s25 =	simm.s32 $0x1B8E;
	s24 =	sld [smem:$0x3FFE];
	[sflag:s23] =	ssyncadd.s32 $0xFFFFFFFF  }
0xa5: {  	s26 =	simm.s32 $execute0_lowered;
	[smem:$0x3FD2] =	sst s25  }
0xa6: {  	s4 =	sshll.u32 s26, $0x1;
	_ =	strace $0x80000046;
	[dreg:$0x1] =	wrdreg $0xFFFFFFFF  }
0xa7: {  	s28 =	simm.s32 $_size_execute0_lowered;
	s2 =	sadd.s32 s2, s4;
	[dreg:$0x0] =	wrdreg $0x0  }
0xa8: {  	s4 =	sshll.u32 s28, $0x1;
	[dreg:$0x2] =	wrdreg s2  }
0xa9: {  	[dreg:$0x3] =	wrdreg s4  }
0xaa: {  	[dreg:$0x4] =	wrdreg $0xC0  }
0xab: {  	_ =	task [dreg:s6], $0x5FFFF  }
0xac: {  	[dreg:$0x1] =	wrdreg $0xFFFFFFFF  }
0xad: {  	[dreg:$0x0] =	wrdreg $0x60  }
0xae: {  	[dreg:$0x2] =	wrdreg s24  }
0xaf: {  	[dreg:$0x3] =	wrdreg $0xA8000  }
0xb0: {  	[dreg:$0x4] =	wrdreg $0x9  }
0xb1: {  	_ =	task.clear_ibuf [dreg:s6], $0x5FFFF;
	_ =	strace $0x90000046  }
0xb2: {  	s29 =	simm.s32 $0x9;
	_ =	strace $0x80000048  }
0xb3: {  	_ =	swait.ge [sflag:s29], $0x1  }
0xb4: {  	[sflag:s29] =	ssyncadd.s32 $0xFFFFFFFF  }
0xb5: {  	_ =	strace $0x90000048  }
0xb6: {  	_ =	sfence  }
0xb7: {  	s30 =	sld [smem:$0x0];
	_ =	sdelay $0x2  }
0xb8: {  	s31 =	sshll.u32 s1, $0xD;
	s1 =	sshrl.u32 s1, $0x2  }
0xb9: {  	s3 =	sand.u32 $0x4000, s31;
	s1 =	sadd.s32 s1, s30  }
0xba: {  	s0 =	sor.u32 s3, s0;
	s1 =	sshll.u32 s1, $0x11  }
0xbb: {  	s0 =	sor.u32 s1, s0  }
0xbc: {  	s0 =	sadd.s32 $0x8F2B, s0  }
0xbd: {  	[sflag:s0] =	ssyncadd.remote.s32 $0x1  }
0xbe: {  	_ =	sfence.sel $0xFFFF  }
0xbf: {  	[dreg:$0x0] =	wrdreg $0xFFFFFFFF;
	(pc) =	sbr.abs _section_cstart, $3  }
0xc0: {  	[dreg:$0x1] =	wrdreg $0xFFFFFFFF  }
0xc1: {  	_ =	task.clear_ibuf [dreg:s6], $0x2FFFF;
	_ =	strace $0x9FFFFFFF  }
0xc2: {  	(tm) =	ssettm $0x7FFFFFFF  }
0xc3: {  	_ =	shalt  }
tec
execute0_lowered:
.L_overlay_start_1:
0x0: {  	(tag) =	ssettag $0x1  }
0x1: {  	s6 =	rddreg [dreg:$0x0];
	s0 =	srdreg.scid  }
0x2: {  	s2 =	rddreg [dreg:$0x1];
	s1 =	stileid.u32  }
0x3: {  	s3 =	simm.s32 $0x0;
	s14 =	simm.s32 $0x80;
	s15 =	simm.s32 $0x2800  }
0x4: {  	s16 =	simm.s32 $0x6800;
	s17 =	simm.s32 $0x1;
	s18 =	simm.s32 $0x2  }
0x5: {  	s19 =	simm.s32 $0x2700;
	s20 =	simm.s32 $0x2780;
	s21 =	simm.s32 $0x0  }
0x6: {  	s7 =	sand.u32 $0x1, s0;
	s0 =	rddreg [dreg:$0x2];
	s8 =	smul.u32 $0x13C00, s1  }
0x7: {  	s4 =	sshll.u32 s1, $0x1;
	[smem:$0x7FF] =	sst s3;
	s10 =	smul.u32 $0x4F000, s1  }
0x8: {  	s11 =	sshll.u32 s1, $0x6;
	s5 =	smul.u32 $0x13C000, s7;
	s4 =	sor.u32 s7, s4  }
0x9: {  	_ =	strace $0x80000047;
	s31 =	ssub.s32 $0x2, s7;
	s9 =	smul.u32 $0x280, s4  }
0xa: {  	s4 =	sadd.s32 $0x4EDE00, s6;
	s7 =	sshrl.u32 s31, $0x1;
	s10 =	sshrl.u32 s10, $0x2  }
0xb: {  	s5 =	sadd.s32 s8, s5;
	s12 =	ssub.s32 s31, s7;
	s13 =	sadd.s32 s10, s2  }
0xc: {  	s29 =	sadd.s32 s9, s6;
	s30 =	sshrl.u32 s5, $0x3;
	s5 =	sadd.s32 $0xBC00, s6  }
0xd: {  	s10 =	smax.u32 s12, $0x1;
	s12 =	simm.s32 $0x3;
	s9 =	sadd.s32 s30, s6  }
0xe: {  	s6 =	sor.u32 $0x1C03, s11;
	s7 =	sadd.s32 $0x1C00, s29;
	s8 =	sadd.s32 $0x6C00, s29  }
0xf: {  	s11 =	sshrl.u32 s13, $0x3;
	s13 =	simm.s32 $0x1400;
	s9 =	sadd.s32 $0xE400, s9  }
.LBB2_1:
0x10: {  	[spmem:s11], [sflag:s6] =	dma.local [hbm:s5], $0x2780  }
0x11: {  	_ =	swait.ge [sflag:s12], $0x2780  }
0x12: {  	[sflag:s12] =	ssyncset.done $0x0  }
0x13: {  	[sflag:s12] =	ssyncadd.s32 $0xFFFFD880  }
0x14: {  	[bflag:$0x0] =	sbarrier.arrive $0xFFFF  }
0x15: {  	[tilespmem:s3], [sflag:$0x3] =	stream.linear.gather [hbm4b:s7+s3], $0x1400, $0x38;
	[tilespmem:$0x1E400] =	vst v63  }
0x16: {  	_ =	swait.ge [sflag:s12], $0x1400  }
0x17: {  	[sflag:s12] =	ssyncset.done $0x0  }
0x18: {  	[sflag:s12] =	ssyncadd.s32 $0xFFFFEC00  }
0x19: {  	[tilespmem:s13], [sflag:$0x3] =	stream.linear.gather [hbm4b:s8+s3], $0x1400, $0x38;
	[tilespmem:$0x1E400] =	vst v63  }
0x1a: {  	_ =	swait.ge [sflag:s12], $0x1400  }
0x1b: {  	[sflag:s12] =	ssyncset.done $0x0  }
0x1c: {  	[sflag:s12] =	ssyncadd.s32 $0xFFFFEC00  }
0x1d: {  	[tilespmem:s15], [sflag:$0x1] =	stream.indirect.gather [hbm4b:s4+s14], $0x80, s3, s14, $0xb8;
	[tilespmem:$0x1E400] =	vst v63  }
0x1e: {  	_ = 	snop  }
0x1f: {  	[tilespmem:s16], [sflag:$0x2] =	stream.indirect.gather [hbm4b:s4+s14], $0x80, s14, s14, $0xb8;
	[tilespmem:$0x1E400] =	vst v63  }
0x20: {  	_ =	swait.ge [sflag:s17], $0x4000  }
0x21: {  	[sflag:s17] =	ssyncset.done $0x0  }
0x22: {  	s22 =	simm.s32 $0x100;
	[sflag:s17] =	ssyncadd.s32 $0xFFFFC000  }
0x23: {  	[tilespmem:s15], [sflag:$0x1] =	stream.indirect.gather [hbm4b:s4+s14], $0x80, s22, s14, $0xb8;
	[tilespmem:$0x1E400] =	vst v63  }
0x24: {  	s29 =	simm.s32 $0x1400  }
0x25: {  	[spmem:s2] =	stream.indirect.scatter.add.f32 [tilespmem:s15], [sflag:$0x3], $0x80, s29, s14, $0xb8;
	[tilespmem:$0x1E400] =	vst v63  }
0x26: {  	_ =	swait.ge [sflag:s12], $0x4000  }
0x27: {  	[sflag:s12] =	ssyncset.done $0x0  }
0x28: {  	[sflag:s12] =	ssyncadd.s32 $0xFFFFC000  }
0x29: {  	_ =	swait.ge [sflag:s18], $0x4000  }
0x2a: {  	[sflag:s18] =	ssyncset.done $0x0  }
0x2b: {  	s30 =	simm.s32 $0x180;
	[sflag:s18] =	ssyncadd.s32 $0xFFFFC000  }
0x2c: {  	[tilespmem:s16], [sflag:$0x2] =	stream.indirect.gather [hbm4b:s4+s14], $0x80, s30, s14, $0xb8;
	[tilespmem:$0x1E400] =	vst v63  }
0x2d: {  	s31 =	simm.s32 $0x1480  }
0x2e: {  	[spmem:s2] =	stream.indirect.scatter.add.f32 [tilespmem:s16], [sflag:$0x3], $0x80, s31, s14, $0xb8;
	[tilespmem:$0x1E400] =	vst v63  }
0x2f: {  	_ =	swait.ge [sflag:s12], $0x4000  }
0x30: {  	s22 =	simm.s32 $0x400;
	[sflag:s12] =	ssyncset.done $0x0  }
.LBB2_2:
0x31: {  	p0 =	sne.s32 s22, $0x4800  }
0x32: {  	[sflag:s12] =	ssyncadd.s32 $0xFFFFC000;
	s23 =	smov.u32 s22;
	s22 =	sadd.s32 $0x400, s22  }
0x33: {  	_ = 	snop  }
0x34: {  	_ =	swait.ge [sflag:s17], $0x4000  }
0x35: {  	s23 =	sshra.s32 s23, $0x2;
	[sflag:s17] =	ssyncset.done $0x0  }
0x36: {  	s24 =	sadd.s32 $0x100, s23;
	[sflag:s17] =	ssyncadd.s32 $0xFFFFC000  }
0x37: {  	[tilespmem:s15], [sflag:$0x1] =	stream.indirect.gather [hbm4b:s4+s14], $0x80, s24, s14, $0xb8;
	[tilespmem:$0x1E400] =	vst v63  }
0x38: {  	s24 =	sadd.s32 $0x1400, s23  }
0x39: {  	[spmem:s2] =	stream.indirect.scatter.add.f32 [tilespmem:s15], [sflag:$0x3], $0x80, s24, s14, $0xb8;
	[tilespmem:$0x1E400] =	vst v63  }
0x3a: {  	_ =	swait.ge [sflag:s12], $0x4000  }
0x3b: {  	[sflag:s12] =	ssyncset.done $0x0  }
0x3c: {  	[sflag:s12] =	ssyncadd.s32 $0xFFFFC000  }
0x3d: {  	_ =	swait.ge [sflag:s18], $0x4000  }
0x3e: {  	[sflag:s18] =	ssyncset.done $0x0  }
0x3f: {  	s24 =	sadd.s32 $0x180, s23;
	[sflag:s18] =	ssyncadd.s32 $0xFFFFC000  }
0x40: {  	[tilespmem:s16], [sflag:$0x2] =	stream.indirect.gather [hbm4b:s4+s14], $0x80, s24, s14, $0xb8;
	[tilespmem:$0x1E400] =	vst v63  }
.Ltmp0:
0x41: {  	_ = 	snop;
	(pc) =	sbr.rel @p0 .LBB2_2-.Ltmp0, $4  }
0x42: {  	s23 =	sadd.s32 $0x1480, s23  }
0x43: {  	[spmem:s2] =	stream.indirect.scatter.add.f32 [tilespmem:s16], [sflag:$0x3], $0x80, s23, s14, $0xb8;
	[tilespmem:$0x1E400] =	vst v63  }
0x44: {  	_ =	swait.ge [sflag:s12], $0x4000  }
0x45: {  	[sflag:s12] =	ssyncset.done $0x0  }
0x46: {  	[sflag:s12] =	ssyncadd.s32 $0xFFFFC000  }
0x47: {  	_ =	swait.ge [sflag:s17], $0x4000  }
0x48: {  	[sflag:s17] =	ssyncset.done $0x0  }
0x49: {  	[sflag:s17] =	ssyncadd.s32 $0xFFFFC000  }
0x4a: {  	[spmem:s2] =	stream.indirect.scatter.add.f32 [tilespmem:s15], [sflag:$0x3], $0x80, s19, s14, $0xb8;
	[tilespmem:$0x1E400] =	vst v63  }
0x4b: {  	_ =	swait.ge [sflag:s12], $0x4000  }
0x4c: {  	[sflag:s12] =	ssyncset.done $0x0  }
0x4d: {  	[sflag:s12] =	ssyncadd.s32 $0xFFFFC000  }
0x4e: {  	_ =	swait.ge [sflag:s18], $0x4000  }
0x4f: {  	[sflag:s18] =	ssyncset.done $0x0  }
0x50: {  	[sflag:s18] =	ssyncadd.s32 $0xFFFFC000  }
0x51: {  	[spmem:s2] =	stream.indirect.scatter.add.f32 [tilespmem:s16], [sflag:$0x3], $0x80, s20, s14, $0xb8;
	[tilespmem:$0x1E400] =	vst v63  }
0x52: {  	_ =	swait.ge [sflag:s12], $0x4000  }
0x53: {  	s21 =	sadd.s32 $0x1, s21;
	[sflag:s12] =	ssyncset.done $0x0  }
0x54: {  	p0 =	sne.s32 s21, s10;
	[sflag:s12] =	ssyncadd.s32 $0xFFFFC000  }
.Ltmp1:
0x55: {  	[bflag:$0x0] =	sbarrier.arrive $0xFFFF;
	(pc) =	sbr.rel @p0 .LBB2_1-.Ltmp1, $4  }
0x56: {  	[hbm:s9], [sflag:s6] =	dma.local [spmem:s11], $0x2780  }
0x57: {  	_ =	swait.ge [sflag:s12], $0x2780  }
0x58: {  	[sflag:s12] =	ssyncset.done $0x0  }
0x59: {  	[sflag:s12] =	ssyncadd.s32 $0xFFFFD880  }
0x5a: {  	_ =	sfence.sel $0x180000  }
0x5b: {  	[bflag:$0x0] =	sbarrier.arrive $0xFFFF  }
0x5c: {  	p0 =	sne.s32 s1, $0x0;
	_ =	strace $0x90000047  }
0x5d: {  	s0 =	sadd.s32 @!p0 $0x100000, s0;
	[bflag:$0x2] =	sbarrier.arrive $0xFFFF  }
0x5e: {  	[sflag:s0] =	ssyncadd.tile.s32 @!p0 $0x1;
	_ =	shalt  }
.Lfunc_end2:
_tile_overlayer_lowered:
.L_overlay_start_2:
0x5f: {  	(tag) =	ssettag $0x2  }
0x60: {  	s0 =	rddreg [dreg:$0x0];
	s2 =	stileid.u32  }
0x61: {  	s1 =	rddreg [dreg:$0x1];
	p0 =	sne.s32 s2, $0x0  }
0x62: {  	s3 =	rddreg [dreg:$0x2];
	[bflag:$0x3] =	sbarrier.arrive $0xFFFF;
	s2 =	simm.s32 @!p0 $0x1C03  }
0x63: {  	[timem:s3], [sflag:s2] =	dma.local @!p0 [hbm:s0], s1  }
0x64: {  	s0 =	simm.s32 @!p0 $0x3  }
0x65: {  	_ =	swait.ge @!p0 [sflag:s0], s1  }
0x66: {  	s1 =	ssub.s32 @!p0 $0x0, s1;
	[sflag:s0] =	ssyncset.done @!p0 $0x0  }
0x67: {  	[sflag:s0] =	ssyncadd.s32 @!p0 s1  }
0x68: {  	[bflag:$0x3] =	sbarrier.arrive $0xFFFF  }
0x69: {  	_ =	shalt  }

// kernel: kernel.15.cloned.1.call-start
scs
__scs_entry_jumppad:
0x0: {  	(pc) =	sbr.rel $0x88, $3  }
0x1: {  	(tag) =	ssettag $0x0;
	lr =	simm.s32 $0x1  }
0x2: {  	[smem:$0x3F93] =	sst lr;
	_ =	strace $0xD0000000  }
0x3: {  	_ = 	snop  }
0x4: {  	_ = 	snop  }
0x5: {  	_ = 	snop  }
0x6: {  	_ = 	snop  }
0x7: {  	_ = 	snop  }
__scs_overlays_trampoline_lowered:
0x8: {  	[smem:$0x3FA2] =	sst s0  }
0x9: {  	[smem:$0x3FA3] =	sst s1  }
0xa: {  	[smem:$0x3FA4] =	sst s2  }
0xb: {  	[smem:$0x3FA5] =	sst s3  }
0xc: {  	[smem:$0x3FA6] =	sst s4  }
0xd: {  	[smem:$0x3FA7] =	sst s5  }
0xe: {  	[smem:$0x3FA8] =	sst s6  }
0xf: {  	[smem:$0x3FA9] =	sst s7  }
0x10: {  	[smem:$0x3FAA] =	sst s8  }
0x11: {  	[smem:$0x3FAB] =	sst s9;
	s0 =	simm.s32 @!p0 $0x0  }
0x12: {  	s1 =	sld [smem:$0x3F91];
	s0 =	simm.s32 @p0 $0x1  }
0x13: {  	[smem:$0x3FAC] =	sst s0;
	s0 =	simm.s32 @!p1 $0x0  }
0x14: {  	s2 =	sld [smem:$0x3F90];
	s0 =	simm.s32 @p1 $0x1  }
0x15: {  	[smem:$0x3FAD] =	sst s0;
	s0 =	simm.s32 @!p2 $0x0  }
0x16: {  	s3 =	sld [smem:$0x3FDB];
	s0 =	simm.s32 @p2 $0x1  }
0x17: {  	s4 =	simm.s32 $0x1BF5;
	[smem:$0x3FAF] =	sst s0  }
0x18: {  	s0 =	sld [smem:$0x3F92];
	_ =	swait.ge [sflag:s4], $0x0  }
0x19: {  	s7 =	sld [smem:$0x3F93]  }
0x1a: {  	s8 =	sadd.s32 $0xFFFFE003, lr  }
0x1b: {  	s9 =	sadd.s32 $0xFFFFFEF7, lr;
	s5 =	simm.s32 $0xFFFFFFFF;
	p2 =	slt.u32 s8, $0xFFFFF086  }
0x1c: {  	p1 =	slt.u32 s9, $0xF7A;
	s5 =	simm.s32 @!p2 $0x0  }
0x1d: {  	s5 =	simm.s32 @p1 $0x1;
	p0 =	seq.s32 s7, s2  }
0x1e: {  	s7 =	smul.u32 @!p0 $0xF7A, s2;
	p2 =	seq.s32 @!p0 s5, $0x0  }
0x1f: {  	s9 =	smul.u32 $0xF7A, s1;
	s8 =	simm.s32 @!p0 $0x1BF5;
	p2 =	por !p2, p0  }
0x20: {  	[sflag:s8] =	ssyncset.s32 @!p0 $0xFFFFF086;
	s6 =	sadd.s32 @!p0 s3, s7;
	s7 =	simm.s32 @!p0 $0x108  }
0x21: {  	s3 =	sadd.s32 s3, s9;
	s6 =	sadd.s32 @!p0 $0x88, s6;
	s7 =	simm.s32 @p2 $0x1082  }
0x22: {  	[simem:s7], [sflag:s8] =	dma.local @!p0 [hbm:s6], $0xF7A  }
0x23: {  	s9 =	sor.u32 $0xD0000000, s2;
	s6 =	simm.s32 $0x108;
	_ =	swait.ge @!p0 [sflag:s8], $0x0  }
0x24: {  	s3 =	sadd.s32 $0x88, s3;
	s6 =	simm.s32 @!p1 $0x1082;
	[sflag:s4] =	ssyncset.s32 $0xFFFFF086  }
0x25: {  	[simem:s6], [sflag:s4] =	dma.local [hbm:s3], $0xF7A  }
0x26: {  	[smem:$0x3F93] =	sst s1;
	(tag) =	ssettag s2;
	_ =	strace s9  }
0x27: {  	s1 =	sld [smem:$0x3FA3]  }
0x28: {  	s2 =	sld [smem:$0x3FA4]  }
0x29: {  	s4 =	sld [smem:$0x3FA6]  }
0x2a: {  	p0 =	seq.s32 s5, $0x0;
	s5 =	sld [smem:$0x3FA7]  }
0x2b: {  	s6 =	sld [smem:$0x3FA8]  }
0x2c: {  	s7 =	sld [smem:$0x3FA9]  }
0x2d: {  	s3 =	simm.s32 $0x108;
	s8 =	sld [smem:$0x3FAA]  }
0x2e: {  	s3 =	simm.s32 @!p0 $0x1082;
	s9 =	sld [smem:$0x3FAB]  }
0x2f: {  	lr =	sadd.s32 s0, s3;
	s0 =	sld [smem:$0x3FA2]  }
0x30: {  	s3 =	sld [smem:$0x3FA5]  }
0x31: {  	[smem:$0x3FAE] =	sst s10  }
0x32: {  	s10 =	sld [smem:$0x3FAC];
	_ =	sdelay $0x3  }
0x33: {  	p0 =	seq.s32 s10, $0x1;
	s10 =	sld [smem:$0x3FAE];
	_ =	sdelay $0x3  }
0x34: {  	[smem:$0x3FAE] =	sst s10  }
0x35: {  	s10 =	sld [smem:$0x3FAD];
	_ =	sdelay $0x3  }
0x36: {  	p1 =	seq.s32 s10, $0x1;
	s10 =	sld [smem:$0x3FAE];
	_ =	sdelay $0x3  }
0x37: {  	[smem:$0x3FAE] =	sst s10  }
0x38: {  	s10 =	sld [smem:$0x3FAF]  }
0x39: {  	_ = 	snop;
	(pc) =	sbr.ind lr, $3  }
0x3a: {  	_ = 	snop  }
0x3b: {  	_ = 	snop  }
0x3c: {  	p2 =	seq.s32 s10, $0x1;
	s10 =	sld [smem:$0x3FAE]  }
0x3d: {  	_ =	shalt  }
0x3e: {  	_ =	shalt  }
0x3f: {  	_ =	shalt  }
0x40: {  	_ =	shalt  }
0x41: {  	_ =	shalt  }
0x42: {  	_ =	shalt  }
0x43: {  	_ =	shalt  }
0x44: {  	_ =	shalt  }
0x45: {  	_ =	shalt  }
0x46: {  	_ =	shalt  }
0x47: {  	_ =	shalt  }
0x48: {  	_ =	shalt  }
0x49: {  	_ =	shalt  }
0x4a: {  	_ =	shalt  }
0x4b: {  	_ =	shalt  }
0x4c: {  	_ =	shalt  }
0x4d: {  	_ =	shalt  }
0x4e: {  	_ =	shalt  }
0x4f: {  	_ =	shalt  }
0x50: {  	_ =	shalt  }
0x51: {  	_ =	shalt  }
0x52: {  	_ =	shalt  }
0x53: {  	_ =	shalt  }
0x54: {  	_ =	shalt  }
0x55: {  	_ =	shalt  }
0x56: {  	_ =	shalt  }
0x57: {  	_ =	shalt  }
0x58: {  	_ =	shalt  }
0x59: {  	_ =	shalt  }
0x5a: {  	_ =	shalt  }
0x5b: {  	_ =	shalt  }
0x5c: {  	_ =	shalt  }
0x5d: {  	_ =	shalt  }
0x5e: {  	_ =	shalt  }
0x5f: {  	_ =	shalt  }
0x60: {  	_ =	shalt  }
0x61: {  	_ =	shalt  }
0x62: {  	_ =	shalt  }
0x63: {  	_ =	shalt  }
0x64: {  	_ =	shalt  }
0x65: {  	_ =	shalt  }
0x66: {  	_ =	shalt  }
0x67: {  	_ =	shalt  }
0x68: {  	_ =	shalt  }
0x69: {  	_ =	shalt  }
0x6a: {  	_ =	shalt  }
0x6b: {  	_ =	shalt  }
0x6c: {  	_ =	shalt  }
0x6d: {  	_ =	shalt  }
0x6e: {  	_ =	shalt  }
0x6f: {  	_ =	shalt  }
0x70: {  	_ =	shalt  }
0x71: {  	_ =	shalt  }
0x72: {  	_ =	shalt  }
0x73: {  	_ =	shalt  }
0x74: {  	_ =	shalt  }
0x75: {  	_ =	shalt  }
0x76: {  	_ =	shalt  }
0x77: {  	_ =	shalt  }
0x78: {  	_ =	shalt  }
0x79: {  	_ =	shalt  }
0x7a: {  	_ =	shalt  }
0x7b: {  	_ =	shalt  }
0x7c: {  	_ =	shalt  }
0x7d: {  	_ =	shalt  }
0x7e: {  	_ =	shalt  }
0x7f: {  	_ =	shalt  }
0x80: {  	_ =	shalt  }
0x81: {  	_ =	shalt  }
0x82: {  	_ =	shalt  }
0x83: {  	_ =	shalt  }
0x84: {  	_ =	shalt  }
0x85: {  	_ =	shalt  }
0x86: {  	_ =	shalt  }
0x87: {  	_ =	shalt  }
.Lfunc_end0:
.L_simem_size_0:
called_computation.1_lowered:
.L_overlay_start_0:
0x88: {  	s2 =	sld [smem:$0x3FD9]  }
0x89: {  	s3 =	sld [smem:$0x3FFE];
	_ =	sdelay $0x1  }
0x8a: {  	s1 =	srdreg.scid  }
0x8b: {  	s0 =	sand.u32 $0x1, s1  }
0x8c: {  	s17 =	sshll.u32 s0, $0xA;
	s2 =	sadd.s32 s3, s2  }
0x8d: {  	s2 =	sadd.s32 s2, s17  }
0x8e: {  	[smem:$0x3FBA] =	sst s2  }
0x8f: {  	_ = 	snop  }
0x90: {  	s18 =	sld [smem:$0x3FD0];
	(tm) =	ssettm $0x1  }
0x91: {  	s19 =	sld [smem:$0x3FFB];
	_ =	sdelay $0x3  }
0x92: {  	_ =	strace s19  }
0x93: {  	s2 =	sld [smem:$0x3FFC];
	_ =	sdelay $0x3  }
0x94: {  	_ =	strace s2  }
0x95: {  	s2 =	sld [smem:$0x3FFD];
	_ =	sdelay $0x3  }
0x96: {  	_ =	strace s2  }
0x97: {  	_ =	strace $0x8FFFFFFF  }
0x98: {  	s20 =	sld [smem:$0x3FDB];
	_ =	sdelay $0x1  }
0x99: {  	s4 =	simm.s32 $_scs_section_size  }
0x9a: {  	s5 =	simm.s32 $_size__tile_overlayer_lowered;
	s6 =	simm.s32 $_tile_overlayer_lowered  }
0x9b: {  	s7 =	simm.s32 $0x1BFF;
	s21 =	sshll.u32 s6, $0x1;
	s4 =	sadd.s32 s4, s20  }
0x9c: {  	s22 =	simm.s32 $0x0;
	s5 =	sshll.u32 s5, $0x1;
	s6 =	sadd.s32 s21, s4  }
0x9d: {  	[timem:s22], [sflag:s7] =	dma.local [hbm:s6], s5  }
0x9e: {  	_ =	swait.ge [sflag:s7], s5  }
0x9f: {  	s5 =	ssub.s32 $0x0, s5;
	[sflag:s7] =	ssyncset.done $0x0  }
0xa0: {  	[sflag:s7] =	ssyncadd.s32 s5;
	_ =	sdelay $0x1  }
0xa1: {  	s23 =	simm.s32 $0x1B8B  }
0xa2: {  	_ =	swait.ge [sflag:s23], $0x1  }
0xa3: {  	[sflag:s23] =	ssyncset.done $0x0  }
0xa4: {  	[sflag:s23] =	ssyncadd.s32 $0xFFFFFFFF  }
0xa5: {  	s5 =	sld [smem:$0x0]  }
0xa6: {  	s6 =	sand.u32 $0xFFFFFFFE, s1  }
0xa7: {  	p0 =	sne.s32 s1, s6  }
0xa8: {  	s6 =	sshll.u32 @p0 s6, $0xE  }
0xa9: {  	s6 =	sadd.s32 @p0 $0x11B8D, s6;
	s7 =	sshll.u32 @p0 s5, $0x11  }
0xaa: {  	s6 =	sor.u32 @p0 s7, s6  }
0xab: {  	[sflag:s6] =	ssyncadd.remote.s32 @p0 $0x1;
	_ =	sdelay $0x1  }
0xac: {  	s6 =	simm.s32 @p0 $0x1B8D  }
0xad: {  	_ =	swait.eq @p0 [sflag:s6], $0x1  }
0xae: {  	[sflag:s6] =	ssyncadd.s32 @p0 $0xFFFFFFFF  }
0xaf: {  	s7 =	sshll.u32 @!p0 s1, $0xE  }
0xb0: {  	s7 =	sor.u32 @!p0 $0x4000, s7;
	s6 =	simm.s32 @!p0 $0x1B8D  }
0xb1: {  	s5 =	sshll.u32 @!p0 s5, $0x11;
	s7 =	sadd.s32 @!p0 $0x11B8D, s7;
	_ =	swait.eq @!p0 [sflag:s6], $0x1  }
0xb2: {  	s5 =	sor.u32 @!p0 s5, s7;
	[sflag:s6] =	ssyncadd.s32 @!p0 $0xFFFFFFFF  }
0xb3: {  	s25 =	simm.s32 $0x1B8E;
	s24 =	sld [smem:$0x3FFE];
	[sflag:s5] =	ssyncadd.remote.s32 @!p0 $0x1  }
0xb4: {  	s26 =	simm.s32 $execute0_lowered;
	[smem:$0x3FD2] =	sst s25  }
0xb5: {  	s6 =	sshll.u32 s26, $0x1;
	_ =	strace $0x80000049;
	[dreg:$0x1] =	wrdreg $0xFFFFFFFF  }
0xb6: {  	s28 =	simm.s32 $_size_execute0_lowered;
	s4 =	sadd.s32 s4, s6;
	[dreg:$0x0] =	wrdreg $0x0  }
0xb7: {  	s6 =	sshll.u32 s28, $0x1;
	[dreg:$0x2] =	wrdreg s4  }
0xb8: {  	[dreg:$0x3] =	wrdreg s6  }
0xb9: {  	[dreg:$0x4] =	wrdreg $0xC0  }
0xba: {  	_ =	task [dreg:s22], $0x5FFFF  }
0xbb: {  	[dreg:$0x1] =	wrdreg $0xFFFFFFFF  }
0xbc: {  	[dreg:$0x0] =	wrdreg $0x60  }
0xbd: {  	[dreg:$0x2] =	wrdreg s24  }
0xbe: {  	[dreg:$0x3] =	wrdreg s18  }
0xbf: {  	[dreg:$0x4] =	wrdreg $0xA8000  }
0xc0: {  	[dreg:$0x5] =	wrdreg $0xA  }
0xc1: {  	_ =	task.clear_ibuf [dreg:s22], $0x6FFFF;
	_ =	strace $0x90000049  }
0xc2: {  	s29 =	simm.s32 $0xA;
	_ =	strace $0x8000004B  }
0xc3: {  	_ =	swait.ge [sflag:s29], $0x1  }
0xc4: {  	[sflag:s29] =	ssyncadd.s32 $0xFFFFFFFF  }
0xc5: {  	_ =	strace $0x9000004B  }
0xc6: {  	_ =	sfence  }
0xc7: {  	s30 =	sld [smem:$0x0];
	_ =	sdelay $0x2  }
0xc8: {  	s31 =	sshll.u32 s1, $0xD;
	s1 =	sshrl.u32 s1, $0x2  }
0xc9: {  	s4 =	sand.u32 $0x4000, s31;
	s1 =	sadd.s32 s1, s30  }
0xca: {  	s0 =	sor.u32 s4, s0;
	s1 =	sshll.u32 s1, $0x11  }
0xcb: {  	s0 =	sor.u32 s1, s0  }
0xcc: {  	s0 =	sadd.s32 $0x8F2B, s0  }
0xcd: {  	[sflag:s0] =	ssyncadd.remote.s32 $0x1  }
0xce: {  	_ =	sfence.sel $0xFFFF  }
0xcf: {  	[dreg:$0x0] =	wrdreg $0xFFFFFFFF;
	(pc) =	sbr.abs _section_cstart, $3  }
0xd0: {  	[dreg:$0x1] =	wrdreg $0xFFFFFFFF  }
0xd1: {  	_ =	task.clear_ibuf [dreg:s22], $0x2FFFF;
	_ =	strace $0x9FFFFFFF  }
0xd2: {  	(tm) =	ssettm $0x7FFFFFFF  }
0xd3: {  	_ =	shalt  }
tec
execute0_lowered:
.L_overlay_start_1:
0x0: {  	(tag) =	ssettag $0x1  }
0x1: {  	s6 =	rddreg [dreg:$0x0]  }
0x2: {  	s7 =	rddreg [dreg:$0x1];
	s0 =	srdreg.scid  }
0x3: {  	s2 =	rddreg [dreg:$0x2];
	s1 =	stileid.u32  }
0x4: {  	s3 =	simm.s32 $0x0;
	s15 =	simm.s32 $0x2800;
	s16 =	simm.s32 $0x6800  }
0x5: {  	s17 =	simm.s32 $0x1;
	s18 =	simm.s32 $0x2;
	s19 =	simm.s32 $0x2700  }
0x6: {  	s20 =	simm.s32 $0x2780;
	s21 =	simm.s32 $0x0;
	s8 =	sand.u32 $0x1, s0  }
0x7: {  	s0 =	rddreg [dreg:$0x3];
	s4 =	sshll.u32 s1, $0x1;
	s9 =	smul.u32 $0x13C00, s1  }
0x8: {  	[smem:$0x7FF] =	sst s3;
	s12 =	smul.u32 $0x4F000, s1;
	s13 =	sshll.u32 s1, $0x6  }
0x9: {  	s5 =	smul.u32 $0x13C000, s8;
	s4 =	sor.u32 s8, s4;
	_ =	strace $0x8000004A  }
0xa: {  	s31 =	ssub.s32 $0x2, s8;
	s10 =	smul.u32 $0x280, s4;
	s4 =	sadd.s32 $0x5D400, s6  }
0xb: {  	s8 =	sshrl.u32 s31, $0x1;
	s12 =	sshrl.u32 s12, $0x2;
	s5 =	sadd.s32 s9, s5  }
0xc: {  	s14 =	ssub.s32 s31, s8;
	s12 =	sadd.s32 s12, s2;
	s30 =	sadd.s32 s10, s6  }
0xd: {  	s11 =	sshrl.u32 s5, $0x3;
	s5 =	sadd.s32 $0xBC00, s6;
	s7 =	sadd.s32 s7, s10  }
0xe: {  	s10 =	smax.u32 s14, $0x1;
	s14 =	simm.s32 $0x80;
	s11 =	sadd.s32 s11, s6  }
0xf: {  	s6 =	sor.u32 $0x1C03, s13;
	s8 =	sadd.s32 $0x6C00, s30;
	s13 =	simm.s32 $0x1400  }
0x10: {  	s9 =	sadd.s32 $0x84C00, s11;
	s11 =	sshrl.u32 s12, $0x3;
	s12 =	simm.s32 $0x3  }
.LBB2_1:
0x11: {  	[spmem:s11], [sflag:s6] =	dma.local [hbm:s5], $0x2780  }
0x12: {  	_ =	swait.ge [sflag:s12], $0x2780  }
0x13: {  	[sflag:s12] =	ssyncset.done $0x0  }
0x14: {  	[sflag:s12] =	ssyncadd.s32 $0xFFFFD880  }
0x15: {  	[bflag:$0x0] =	sbarrier.arrive $0xFFFF  }
0x16: {  	[tilespmem:s3], [sflag:$0x3] =	stream.linear.gather [hbm4b:s7+s3], $0x1400, $0x38;
	[tilespmem:$0x1E400] =	vst v63  }
0x17: {  	_ =	swait.ge [sflag:s12], $0x1400  }
0x18: {  	[sflag:s12] =	ssyncset.done $0x0  }
0x19: {  	[sflag:s12] =	ssyncadd.s32 $0xFFFFEC00  }
0x1a: {  	[tilespmem:s13], [sflag:$0x3] =	stream.linear.gather [hbm4b:s8+s3], $0x1400, $0x38;
	[tilespmem:$0x1E400] =	vst v63  }
0x1b: {  	_ =	swait.ge [sflag:s12], $0x1400  }
0x1c: {  	[sflag:s12] =	ssyncset.done $0x0  }
0x1d: {  	[sflag:s12] =	ssyncadd.s32 $0xFFFFEC00  }
0x1e: {  	[tilespmem:s15], [sflag:$0x1] =	stream.indirect.gather [hbm4b:s4+s14], $0x80, s3, s14, $0xb8;
	[tilespmem:$0x1E400] =	vst v63  }
0x1f: {  	_ = 	snop  }
0x20: {  	[tilespmem:s16], [sflag:$0x2] =	stream.indirect.gather [hbm4b:s4+s14], $0x80, s14, s14, $0xb8;
	[tilespmem:$0x1E400] =	vst v63  }
0x21: {  	_ =	swait.ge [sflag:s17], $0x4000  }
0x22: {  	[sflag:s17] =	ssyncset.done $0x0  }
0x23: {  	s22 =	simm.s32 $0x100;
	[sflag:s17] =	ssyncadd.s32 $0xFFFFC000  }
0x24: {  	[tilespmem:s15], [sflag:$0x1] =	stream.indirect.gather [hbm4b:s4+s14], $0x80, s22, s14, $0xb8;
	[tilespmem:$0x1E400] =	vst v63  }
0x25: {  	s29 =	simm.s32 $0x1400  }
0x26: {  	[spmem:s2] =	stream.indirect.scatter.add.f32 [tilespmem:s15], [sflag:$0x3], $0x80, s29, s14, $0xb8;
	[tilespmem:$0x1E400] =	vst v63  }
0x27: {  	_ =	swait.ge [sflag:s12], $0x4000  }
0x28: {  	[sflag:s12] =	ssyncset.done $0x0  }
0x29: {  	[sflag:s12] =	ssyncadd.s32 $0xFFFFC000  }
0x2a: {  	_ =	swait.ge [sflag:s18], $0x4000  }
0x2b: {  	[sflag:s18] =	ssyncset.done $0x0  }
0x2c: {  	s30 =	simm.s32 $0x180;
	[sflag:s18] =	ssyncadd.s32 $0xFFFFC000  }
0x2d: {  	[tilespmem:s16], [sflag:$0x2] =	stream.indirect.gather [hbm4b:s4+s14], $0x80, s30, s14, $0xb8;
	[tilespmem:$0x1E400] =	vst v63  }
0x2e: {  	s31 =	simm.s32 $0x1480  }
0x2f: {  	[spmem:s2] =	stream.indirect.scatter.add.f32 [tilespmem:s16], [sflag:$0x3], $0x80, s31, s14, $0xb8;
	[tilespmem:$0x1E400] =	vst v63  }
0x30: {  	_ =	swait.ge [sflag:s12], $0x4000  }
0x31: {  	s22 =	simm.s32 $0x400;
	[sflag:s12] =	ssyncset.done $0x0  }
.LBB2_2:
0x32: {  	p0 =	sne.s32 s22, $0x4800  }
0x33: {  	[sflag:s12] =	ssyncadd.s32 $0xFFFFC000;
	s23 =	smov.u32 s22;
	s22 =	sadd.s32 $0x400, s22  }
0x34: {  	_ = 	snop  }
0x35: {  	_ =	swait.ge [sflag:s17], $0x4000  }
0x36: {  	s23 =	sshra.s32 s23, $0x2;
	[sflag:s17] =	ssyncset.done $0x0  }
0x37: {  	s24 =	sadd.s32 $0x100, s23;
	[sflag:s17] =	ssyncadd.s32 $0xFFFFC000  }
0x38: {  	[tilespmem:s15], [sflag:$0x1] =	stream.indirect.gather [hbm4b:s4+s14], $0x80, s24, s14, $0xb8;
	[tilespmem:$0x1E400] =	vst v63  }
0x39: {  	s24 =	sadd.s32 $0x1400, s23  }
0x3a: {  	[spmem:s2] =	stream.indirect.scatter.add.f32 [tilespmem:s15], [sflag:$0x3], $0x80, s24, s14, $0xb8;
	[tilespmem:$0x1E400] =	vst v63  }
0x3b: {  	_ =	swait.ge [sflag:s12], $0x4000  }
0x3c: {  	[sflag:s12] =	ssyncset.done $0x0  }
0x3d: {  	[sflag:s12] =	ssyncadd.s32 $0xFFFFC000  }
0x3e: {  	_ =	swait.ge [sflag:s18], $0x4000  }
0x3f: {  	[sflag:s18] =	ssyncset.done $0x0  }
0x40: {  	s24 =	sadd.s32 $0x180, s23;
	[sflag:s18] =	ssyncadd.s32 $0xFFFFC000  }
0x41: {  	[tilespmem:s16], [sflag:$0x2] =	stream.indirect.gather [hbm4b:s4+s14], $0x80, s24, s14, $0xb8;
	[tilespmem:$0x1E400] =	vst v63  }
.Ltmp0:
0x42: {  	_ = 	snop;
	(pc) =	sbr.rel @p0 .LBB2_2-.Ltmp0, $4  }
0x43: {  	s23 =	sadd.s32 $0x1480, s23  }
0x44: {  	[spmem:s2] =	stream.indirect.scatter.add.f32 [tilespmem:s16], [sflag:$0x3], $0x80, s23, s14, $0xb8;
	[tilespmem:$0x1E400] =	vst v63  }
0x45: {  	_ =	swait.ge [sflag:s12], $0x4000  }
0x46: {  	[sflag:s12] =	ssyncset.done $0x0  }
0x47: {  	[sflag:s12] =	ssyncadd.s32 $0xFFFFC000  }
0x48: {  	_ =	swait.ge [sflag:s17], $0x4000  }
0x49: {  	[sflag:s17] =	ssyncset.done $0x0  }
0x4a: {  	[sflag:s17] =	ssyncadd.s32 $0xFFFFC000  }
0x4b: {  	[spmem:s2] =	stream.indirect.scatter.add.f32 [tilespmem:s15], [sflag:$0x3], $0x80, s19, s14, $0xb8;
	[tilespmem:$0x1E400] =	vst v63  }
0x4c: {  	_ =	swait.ge [sflag:s12], $0x4000  }
0x4d: {  	[sflag:s12] =	ssyncset.done $0x0  }
0x4e: {  	[sflag:s12] =	ssyncadd.s32 $0xFFFFC000  }
0x4f: {  	_ =	swait.ge [sflag:s18], $0x4000  }
0x50: {  	[sflag:s18] =	ssyncset.done $0x0  }
0x51: {  	[sflag:s18] =	ssyncadd.s32 $0xFFFFC000  }
0x52: {  	[spmem:s2] =	stream.indirect.scatter.add.f32 [tilespmem:s16], [sflag:$0x3], $0x80, s20, s14, $0xb8;
	[tilespmem:$0x1E400] =	vst v63  }
0x53: {  	_ =	swait.ge [sflag:s12], $0x4000  }
0x54: {  	s21 =	sadd.s32 $0x1, s21;
	[sflag:s12] =	ssyncset.done $0x0  }
0x55: {  	p0 =	sne.s32 s21, s10;
	[sflag:s12] =	ssyncadd.s32 $0xFFFFC000  }
.Ltmp1:
0x56: {  	[bflag:$0x0] =	sbarrier.arrive $0xFFFF;
	(pc) =	sbr.rel @p0 .LBB2_1-.Ltmp1, $4  }
0x57: {  	[hbm:s9], [sflag:s6] =	dma.local [spmem:s11], $0x2780  }
0x58: {  	_ =	swait.ge [sflag:s12], $0x2780  }
0x59: {  	[sflag:s12] =	ssyncset.done $0x0  }
0x5a: {  	[sflag:s12] =	ssyncadd.s32 $0xFFFFD880  }
0x5b: {  	_ =	sfence.sel $0x180000  }
0x5c: {  	[bflag:$0x0] =	sbarrier.arrive $0xFFFF  }
0x5d: {  	p0 =	sne.s32 s1, $0x0;
	_ =	strace $0x9000004A  }
0x5e: {  	s0 =	sadd.s32 @!p0 $0x100000, s0;
	[bflag:$0x2] =	sbarrier.arrive $0xFFFF  }
0x5f: {  	[sflag:s0] =	ssyncadd.tile.s32 @!p0 $0x1;
	_ =	shalt  }
.Lfunc_end2:
_tile_overlayer_lowered:
.L_overlay_start_2:
0x60: {  	(tag) =	ssettag $0x2  }
0x61: {  	s0 =	rddreg [dreg:$0x0];
	s2 =	stileid.u32  }
0x62: {  	s1 =	rddreg [dreg:$0x1];
	p0 =	sne.s32 s2, $0x0  }
0x63: {  	s3 =	rddreg [dreg:$0x2];
	[bflag:$0x3] =	sbarrier.arrive $0xFFFF;
	s2 =	simm.s32 @!p0 $0x1C03  }
0x64: {  	[timem:s3], [sflag:s2] =	dma.local @!p0 [hbm:s0], s1  }
0x65: {  	s0 =	simm.s32 @!p0 $0x3  }
0x66: {  	_ =	swait.ge @!p0 [sflag:s0], s1  }
0x67: {  	s1 =	ssub.s32 @!p0 $0x0, s1;
	[sflag:s0] =	ssyncset.done @!p0 $0x0  }
0x68: {  	[sflag:s0] =	ssyncadd.s32 @!p0 s1  }
0x69: {  	[bflag:$0x3] =	sbarrier.arrive $0xFFFF  }
0x6a: {  	_ =	shalt  }

// kernel: kernel.18.cloned.1.call-start
scs
__scs_entry_jumppad:
0x0: {  	(pc) =	sbr.rel $0x88, $3  }
0x1: {  	(tag) =	ssettag $0x0;
	lr =	simm.s32 $0x1  }
0x2: {  	[smem:$0x3F93] =	sst lr;
	_ =	strace $0xD0000000  }
0x3: {  	_ = 	snop  }
0x4: {  	_ = 	snop  }
0x5: {  	_ = 	snop  }
0x6: {  	_ = 	snop  }
0x7: {  	_ = 	snop  }
__scs_overlays_trampoline_lowered:
0x8: {  	[smem:$0x3FA2] =	sst s0  }
0x9: {  	[smem:$0x3FA3] =	sst s1  }
0xa: {  	[smem:$0x3FA4] =	sst s2  }
0xb: {  	[smem:$0x3FA5] =	sst s3  }
0xc: {  	[smem:$0x3FA6] =	sst s4  }
0xd: {  	[smem:$0x3FA7] =	sst s5  }
0xe: {  	[smem:$0x3FA8] =	sst s6  }
0xf: {  	[smem:$0x3FA9] =	sst s7  }
0x10: {  	[smem:$0x3FAA] =	sst s8  }
0x11: {  	[smem:$0x3FAB] =	sst s9;
	s0 =	simm.s32 @!p0 $0x0  }
0x12: {  	s1 =	sld [smem:$0x3F91];
	s0 =	simm.s32 @p0 $0x1  }
0x13: {  	[smem:$0x3FAC] =	sst s0;
	s0 =	simm.s32 @!p1 $0x0  }
0x14: {  	s2 =	sld [smem:$0x3F90];
	s0 =	simm.s32 @p1 $0x1  }
0x15: {  	[smem:$0x3FAD] =	sst s0;
	s0 =	simm.s32 @!p2 $0x0  }
0x16: {  	s3 =	sld [smem:$0x3FDB];
	s0 =	simm.s32 @p2 $0x1  }
0x17: {  	s4 =	simm.s32 $0x1BF5;
	[smem:$0x3FAF] =	sst s0  }
0x18: {  	s0 =	sld [smem:$0x3F92];
	_ =	swait.ge [sflag:s4], $0x0  }
0x19: {  	s7 =	sld [smem:$0x3F93]  }
0x1a: {  	s8 =	sadd.s32 $0xFFFFE003, lr  }
0x1b: {  	s9 =	sadd.s32 $0xFFFFFEF7, lr;
	s5 =	simm.s32 $0xFFFFFFFF;
	p2 =	slt.u32 s8, $0xFFFFF086  }
0x1c: {  	p1 =	slt.u32 s9, $0xF7A;
	s5 =	simm.s32 @!p2 $0x0  }
0x1d: {  	s5 =	simm.s32 @p1 $0x1;
	p0 =	seq.s32 s7, s2  }
0x1e: {  	s7 =	smul.u32 @!p0 $0xF7A, s2;
	p2 =	seq.s32 @!p0 s5, $0x0  }
0x1f: {  	s9 =	smul.u32 $0xF7A, s1;
	s8 =	simm.s32 @!p0 $0x1BF5;
	p2 =	por !p2, p0  }
0x20: {  	[sflag:s8] =	ssyncset.s32 @!p0 $0xFFFFF086;
	s6 =	sadd.s32 @!p0 s3, s7;
	s7 =	simm.s32 @!p0 $0x108  }
0x21: {  	s3 =	sadd.s32 s3, s9;
	s6 =	sadd.s32 @!p0 $0x88, s6;
	s7 =	simm.s32 @p2 $0x1082  }
0x22: {  	[simem:s7], [sflag:s8] =	dma.local @!p0 [hbm:s6], $0xF7A  }
0x23: {  	s9 =	sor.u32 $0xD0000000, s2;
	s6 =	simm.s32 $0x108;
	_ =	swait.ge @!p0 [sflag:s8], $0x0  }
0x24: {  	s3 =	sadd.s32 $0x88, s3;
	s6 =	simm.s32 @!p1 $0x1082;
	[sflag:s4] =	ssyncset.s32 $0xFFFFF086  }
0x25: {  	[simem:s6], [sflag:s4] =	dma.local [hbm:s3], $0xF7A  }
0x26: {  	[smem:$0x3F93] =	sst s1;
	(tag) =	ssettag s2;
	_ =	strace s9  }
0x27: {  	s1 =	sld [smem:$0x3FA3]  }
0x28: {  	s2 =	sld [smem:$0x3FA4]  }
0x29: {  	s4 =	sld [smem:$0x3FA6]  }
0x2a: {  	p0 =	seq.s32 s5, $0x0;
	s5 =	sld [smem:$0x3FA7]  }
0x2b: {  	s6 =	sld [smem:$0x3FA8]  }
0x2c: {  	s7 =	sld [smem:$0x3FA9]  }
0x2d: {  	s3 =	simm.s32 $0x108;
	s8 =	sld [smem:$0x3FAA]  }
0x2e: {  	s3 =	simm.s32 @!p0 $0x1082;
	s9 =	sld [smem:$0x3FAB]  }
0x2f: {  	lr =	sadd.s32 s0, s3;
	s0 =	sld [smem:$0x3FA2]  }
0x30: {  	s3 =	sld [smem:$0x3FA5]  }
0x31: {  	[smem:$0x3FAE] =	sst s10  }
0x32: {  	s10 =	sld [smem:$0x3FAC];
	_ =	sdelay $0x3  }
0x33: {  	p0 =	seq.s32 s10, $0x1;
	s10 =	sld [smem:$0x3FAE];
	_ =	sdelay $0x3  }
0x34: {  	[smem:$0x3FAE] =	sst s10  }
0x35: {  	s10 =	sld [smem:$0x3FAD];
	_ =	sdelay $0x3  }
0x36: {  	p1 =	seq.s32 s10, $0x1;
	s10 =	sld [smem:$0x3FAE];
	_ =	sdelay $0x3  }
0x37: {  	[smem:$0x3FAE] =	sst s10  }
0x38: {  	s10 =	sld [smem:$0x3FAF]  }
0x39: {  	_ = 	snop;
	(pc) =	sbr.ind lr, $3  }
0x3a: {  	_ = 	snop  }
0x3b: {  	_ = 	snop  }
0x3c: {  	p2 =	seq.s32 s10, $0x1;
	s10 =	sld [smem:$0x3FAE]  }
0x3d: {  	_ =	shalt  }
0x3e: {  	_ =	shalt  }
0x3f: {  	_ =	shalt  }
0x40: {  	_ =	shalt  }
0x41: {  	_ =	shalt  }
0x42: {  	_ =	shalt  }
0x43: {  	_ =	shalt  }
0x44: {  	_ =	shalt  }
0x45: {  	_ =	shalt  }
0x46: {  	_ =	shalt  }
0x47: {  	_ =	shalt  }
0x48: {  	_ =	shalt  }
0x49: {  	_ =	shalt  }
0x4a: {  	_ =	shalt  }
0x4b: {  	_ =	shalt  }
0x4c: {  	_ =	shalt  }
0x4d: {  	_ =	shalt  }
0x4e: {  	_ =	shalt  }
0x4f: {  	_ =	shalt  }
0x50: {  	_ =	shalt  }
0x51: {  	_ =	shalt  }
0x52: {  	_ =	shalt  }
0x53: {  	_ =	shalt  }
0x54: {  	_ =	shalt  }
0x55: {  	_ =	shalt  }
0x56: {  	_ =	shalt  }
0x57: {  	_ =	shalt  }
0x58: {  	_ =	shalt  }
0x59: {  	_ =	shalt  }
0x5a: {  	_ =	shalt  }
0x5b: {  	_ =	shalt  }
0x5c: {  	_ =	shalt  }
0x5d: {  	_ =	shalt  }
0x5e: {  	_ =	shalt  }
0x5f: {  	_ =	shalt  }
0x60: {  	_ =	shalt  }
0x61: {  	_ =	shalt  }
0x62: {  	_ =	shalt  }
0x63: {  	_ =	shalt  }
0x64: {  	_ =	shalt  }
0x65: {  	_ =	shalt  }
0x66: {  	_ =	shalt  }
0x67: {  	_ =	shalt  }
0x68: {  	_ =	shalt  }
0x69: {  	_ =	shalt  }
0x6a: {  	_ =	shalt  }
0x6b: {  	_ =	shalt  }
0x6c: {  	_ =	shalt  }
0x6d: {  	_ =	shalt  }
0x6e: {  	_ =	shalt  }
0x6f: {  	_ =	shalt  }
0x70: {  	_ =	shalt  }
0x71: {  	_ =	shalt  }
0x72: {  	_ =	shalt  }
0x73: {  	_ =	shalt  }
0x74: {  	_ =	shalt  }
0x75: {  	_ =	shalt  }
0x76: {  	_ =	shalt  }
0x77: {  	_ =	shalt  }
0x78: {  	_ =	shalt  }
0x79: {  	_ =	shalt  }
0x7a: {  	_ =	shalt  }
0x7b: {  	_ =	shalt  }
0x7c: {  	_ =	shalt  }
0x7d: {  	_ =	shalt  }
0x7e: {  	_ =	shalt  }
0x7f: {  	_ =	shalt  }
0x80: {  	_ =	shalt  }
0x81: {  	_ =	shalt  }
0x82: {  	_ =	shalt  }
0x83: {  	_ =	shalt  }
0x84: {  	_ =	shalt  }
0x85: {  	_ =	shalt  }
0x86: {  	_ =	shalt  }
0x87: {  	_ =	shalt  }
.Lfunc_end0:
.L_simem_size_0:
called_computation.2_lowered:
.L_overlay_start_0:
0x88: {  	s2 =	sld [smem:$0x3FD9]  }
0x89: {  	s3 =	sld [smem:$0x3FFE];
	_ =	sdelay $0x1  }
0x8a: {  	s1 =	srdreg.scid  }
0x8b: {  	s0 =	sand.u32 $0x1, s1  }
0x8c: {  	s17 =	sshll.u32 s0, $0xA;
	s2 =	sadd.s32 s3, s2  }
0x8d: {  	s2 =	sadd.s32 s2, s17  }
0x8e: {  	[smem:$0x3FBA] =	sst s2  }
0x8f: {  	_ = 	snop  }
0x90: {  	s2 =	sld [smem:$0x3FD0];
	(tm) =	ssettm $0x1  }
0x91: {  	s18 =	sld [smem:$0x3FFB];
	_ =	sdelay $0x3  }
0x92: {  	_ =	strace s18  }
0x93: {  	s3 =	sld [smem:$0x3FFC];
	_ =	sdelay $0x3  }
0x94: {  	_ =	strace s3  }
0x95: {  	s3 =	sld [smem:$0x3FFD];
	_ =	sdelay $0x3  }
0x96: {  	_ =	strace s3  }
0x97: {  	_ =	strace $0x8FFFFFFF  }
0x98: {  	s19 =	sld [smem:$0x3FDB];
	_ =	sdelay $0x1  }
0x99: {  	s4 =	simm.s32 $_scs_section_size  }
0x9a: {  	s5 =	simm.s32 $_size__tile_overlayer_lowered;
	s6 =	simm.s32 $_tile_overlayer_lowered  }
0x9b: {  	s22 =	simm.s32 $0x1BFF;
	s21 =	sshll.u32 s6, $0x1;
	s3 =	sadd.s32 s4, s19  }
0x9c: {  	s7 =	simm.s32 $0x0;
	s20 =	sshll.u32 s5, $0x1;
	s5 =	sadd.s32 s21, s3  }
0x9d: {  	[timem:s7], [sflag:s22] =	dma.local [hbm:s5], s20  }
0x9e: {  	_ =	swait.ge [sflag:s22], s20  }
0x9f: {  	s4 =	ssub.s32 $0x0, s20;
	[sflag:s22] =	ssyncset.done $0x0  }
0xa0: {  	[sflag:s22] =	ssyncadd.s32 s4;
	_ =	sdelay $0x1  }
0xa1: {  	s23 =	simm.s32 $0x1B8B  }
0xa2: {  	_ =	swait.ge [sflag:s23], $0x1  }
0xa3: {  	[sflag:s23] =	ssyncset.done $0x0  }
0xa4: {  	s25 =	simm.s32 $0x1B8E;
	s24 =	sld [smem:$0x3FFE];
	[sflag:s23] =	ssyncadd.s32 $0xFFFFFFFF  }
0xa5: {  	s26 =	simm.s32 $execute0_lowered;
	[smem:$0x3FD2] =	sst s25  }
0xa6: {  	s5 =	sshll.u32 s26, $0x1;
	_ =	strace $0x8000004C;
	[dreg:$0x1] =	wrdreg $0xFFFFFFFF  }
0xa7: {  	s28 =	simm.s32 $_size_execute0_lowered;
	s3 =	sadd.s32 s3, s5;
	[dreg:$0x0] =	wrdreg $0x0  }
0xa8: {  	s5 =	sshll.u32 s28, $0x1;
	[dreg:$0x2] =	wrdreg s3  }
0xa9: {  	[dreg:$0x3] =	wrdreg s5  }
0xaa: {  	[dreg:$0x4] =	wrdreg $0xC0  }
0xab: {  	_ =	task [dreg:s7], $0x5FFFF  }
0xac: {  	[dreg:$0x1] =	wrdreg $0xFFFFFFFF  }
0xad: {  	[dreg:$0x0] =	wrdreg $0x60  }
0xae: {  	[dreg:$0x2] =	wrdreg s24  }
0xaf: {  	[dreg:$0x3] =	wrdreg s2  }
0xb0: {  	[dreg:$0x4] =	wrdreg $0xA8000  }
0xb1: {  	[dreg:$0x5] =	wrdreg $0x9  }
0xb2: {  	_ =	task.clear_ibuf [dreg:s7], $0x6FFFF;
	_ =	strace $0x9000004C  }
0xb3: {  	s29 =	simm.s32 $0x9;
	_ =	strace $0x8000004E  }
0xb4: {  	_ =	swait.ge [sflag:s29], $0x1  }
0xb5: {  	[sflag:s29] =	ssyncadd.s32 $0xFFFFFFFF  }
0xb6: {  	_ =	strace $0x9000004E  }
0xb7: {  	_ =	sfence  }
0xb8: {  	s30 =	sld [smem:$0x0];
	_ =	sdelay $0x2  }
0xb9: {  	s31 =	sshll.u32 s1, $0xD;
	s1 =	sshrl.u32 s1, $0x2  }
0xba: {  	s3 =	sand.u32 $0x4000, s31;
	s1 =	sadd.s32 s1, s30  }
0xbb: {  	s0 =	sor.u32 s3, s0;
	s1 =	sshll.u32 s1, $0x11  }
0xbc: {  	s0 =	sor.u32 s1, s0  }
0xbd: {  	s0 =	sadd.s32 $0x8F2B, s0  }
0xbe: {  	[sflag:s0] =	ssyncadd.remote.s32 $0x1  }
0xbf: {  	_ =	sfence.sel $0xFFFF  }
0xc0: {  	[dreg:$0x0] =	wrdreg $0xFFFFFFFF;
	(pc) =	sbr.abs _section_cstart, $3  }
0xc1: {  	[dreg:$0x1] =	wrdreg $0xFFFFFFFF  }
0xc2: {  	_ =	task.clear_ibuf [dreg:s7], $0x2FFFF;
	_ =	strace $0x9FFFFFFF  }
0xc3: {  	(tm) =	ssettm $0x7FFFFFFF  }
tec
execute0_lowered:
.L_overlay_start_1:
0x0: {  	(tag) =	ssettag $0x1  }
0x1: {  	s6 =	rddreg [dreg:$0x0]  }
0x2: {  	s7 =	rddreg [dreg:$0x1];
	s0 =	srdreg.scid  }
0x3: {  	s2 =	rddreg [dreg:$0x2];
	s1 =	stileid.u32  }
0x4: {  	s3 =	simm.s32 $0x0;
	s15 =	simm.s32 $0x2800;
	s16 =	simm.s32 $0x6800  }
0x5: {  	s17 =	simm.s32 $0x1;
	s18 =	simm.s32 $0x2;
	s19 =	simm.s32 $0x2700  }
0x6: {  	s20 =	simm.s32 $0x2780;
	s21 =	simm.s32 $0x0;
	s8 =	sand.u32 $0x1, s0  }
0x7: {  	s0 =	rddreg [dreg:$0x3];
	s4 =	sshll.u32 s1, $0x1;
	s9 =	smul.u32 $0x13C00, s1  }
0x8: {  	[smem:$0x7FF] =	sst s3;
	s12 =	smul.u32 $0x4F000, s1;
	s13 =	sshll.u32 s1, $0x6  }
0x9: {  	s5 =	smul.u32 $0x13C000, s8;
	s4 =	sor.u32 s8, s4;
	_ =	strace $0x8000004D  }
0xa: {  	s31 =	ssub.s32 $0x2, s8;
	s10 =	smul.u32 $0x280, s4;
	s4 =	sadd.s32 $0xE400, s6  }
0xb: {  	s8 =	sshrl.u32 s31, $0x1;
	s12 =	sshrl.u32 s12, $0x2;
	s5 =	sadd.s32 s9, s5  }
0xc: {  	s14 =	ssub.s32 s31, s8;
	s12 =	sadd.s32 s12, s2;
	s30 =	sadd.s32 s10, s6  }
0xd: {  	s11 =	sshrl.u32 s5, $0x3;
	s5 =	sadd.s32 $0xBC00, s6;
	s7 =	sadd.s32 s7, s10  }
0xe: {  	s10 =	smax.u32 s14, $0x1;
	s14 =	simm.s32 $0x80;
	s11 =	sadd.s32 s11, s6  }
0xf: {  	s6 =	sor.u32 $0x1C03, s13;
	s8 =	sadd.s32 $0x6C00, s30;
	s13 =	simm.s32 $0x1400  }
0x10: {  	s9 =	sadd.s32 $0x35C00, s11;
	s11 =	sshrl.u32 s12, $0x3;
	s12 =	simm.s32 $0x3  }
.LBB2_1:
0x11: {  	[spmem:s11], [sflag:s6] =	dma.local [hbm:s5], $0x2780  }
0x12: {  	_ =	swait.ge [sflag:s12], $0x2780  }
0x13: {  	[sflag:s12] =	ssyncset.done $0x0  }
0x14: {  	[sflag:s12] =	ssyncadd.s32 $0xFFFFD880  }
0x15: {  	[bflag:$0x0] =	sbarrier.arrive $0xFFFF  }
0x16: {  	[tilespmem:s3], [sflag:$0x3] =	stream.linear.gather [hbm4b:s7+s3], $0x1400, $0x38;
	[tilespmem:$0x1E400] =	vst v63  }
0x17: {  	_ =	swait.ge [sflag:s12], $0x1400  }
0x18: {  	[sflag:s12] =	ssyncset.done $0x0  }
0x19: {  	[sflag:s12] =	ssyncadd.s32 $0xFFFFEC00  }
0x1a: {  	[tilespmem:s13], [sflag:$0x3] =	stream.linear.gather [hbm4b:s8+s3], $0x1400, $0x38;
	[tilespmem:$0x1E400] =	vst v63  }
0x1b: {  	_ =	swait.ge [sflag:s12], $0x1400  }
0x1c: {  	[sflag:s12] =	ssyncset.done $0x0  }
0x1d: {  	[sflag:s12] =	ssyncadd.s32 $0xFFFFEC00  }
0x1e: {  	[tilespmem:s15], [sflag:$0x1] =	stream.indirect.gather [hbm4b:s4+s14], $0x80, s3, s14, $0xb8;
	[tilespmem:$0x1E400] =	vst v63  }
0x1f: {  	_ = 	snop  }
0x20: {  	[tilespmem:s16], [sflag:$0x2] =	stream.indirect.gather [hbm4b:s4+s14], $0x80, s14, s14, $0xb8;
	[tilespmem:$0x1E400] =	vst v63  }
0x21: {  	_ =	swait.ge [sflag:s17], $0x4000  }
0x22: {  	[sflag:s17] =	ssyncset.done $0x0  }
0x23: {  	s22 =	simm.s32 $0x100;
	[sflag:s17] =	ssyncadd.s32 $0xFFFFC000  }
0x24: {  	[tilespmem:s15], [sflag:$0x1] =	stream.indirect.gather [hbm4b:s4+s14], $0x80, s22, s14, $0xb8;
	[tilespmem:$0x1E400] =	vst v63  }
0x25: {  	s29 =	simm.s32 $0x1400  }
0x26: {  	[spmem:s2] =	stream.indirect.scatter.add.f32 [tilespmem:s15], [sflag:$0x3], $0x80, s29, s14, $0xb8;
	[tilespmem:$0x1E400] =	vst v63  }
0x27: {  	_ =	swait.ge [sflag:s12], $0x4000  }
0x28: {  	[sflag:s12] =	ssyncset.done $0x0  }
0x29: {  	[sflag:s12] =	ssyncadd.s32 $0xFFFFC000  }
0x2a: {  	_ =	swait.ge [sflag:s18], $0x4000  }
0x2b: {  	[sflag:s18] =	ssyncset.done $0x0  }
0x2c: {  	s30 =	simm.s32 $0x180;
	[sflag:s18] =	ssyncadd.s32 $0xFFFFC000  }
0x2d: {  	[tilespmem:s16], [sflag:$0x2] =	stream.indirect.gather [hbm4b:s4+s14], $0x80, s30, s14, $0xb8;
	[tilespmem:$0x1E400] =	vst v63  }
0x2e: {  	s31 =	simm.s32 $0x1480  }
0x2f: {  	[spmem:s2] =	stream.indirect.scatter.add.f32 [tilespmem:s16], [sflag:$0x3], $0x80, s31, s14, $0xb8;
	[tilespmem:$0x1E400] =	vst v63  }
0x30: {  	_ =	swait.ge [sflag:s12], $0x4000  }
0x31: {  	s22 =	simm.s32 $0x400;
	[sflag:s12] =	ssyncset.done $0x0  }
.LBB2_2:
0x32: {  	p0 =	sne.s32 s22, $0x4800  }
0x33: {  	[sflag:s12] =	ssyncadd.s32 $0xFFFFC000;
	s23 =	smov.u32 s22;
	s22 =	sadd.s32 $0x400, s22  }
0x34: {  	_ = 	snop  }
0x35: {  	_ =	swait.ge [sflag:s17], $0x4000  }
0x36: {  	s23 =	sshra.s32 s23, $0x2;
	[sflag:s17] =	ssyncset.done $0x0  }
0x37: {  	s24 =	sadd.s32 $0x100, s23;
	[sflag:s17] =	ssyncadd.s32 $0xFFFFC000  }
0x38: {  	[tilespmem:s15], [sflag:$0x1] =	stream.indirect.gather [hbm4b:s4+s14], $0x80, s24, s14, $0xb8;
	[tilespmem:$0x1E400] =	vst v63  }
0x39: {  	s24 =	sadd.s32 $0x1400, s23  }
0x3a: {  	[spmem:s2] =	stream.indirect.scatter.add.f32 [tilespmem:s15], [sflag:$0x3], $0x80, s24, s14, $0xb8;
	[tilespmem:$0x1E400] =	vst v63  }
0x3b: {  	_ =	swait.ge [sflag:s12], $0x4000  }
0x3c: {  	[sflag:s12] =	ssyncset.done $0x0  }
0x3d: {  	[sflag:s12] =	ssyncadd.s32 $0xFFFFC000  }
0x3e: {  	_ =	swait.ge [sflag:s18], $0x4000  }
0x3f: {  	[sflag:s18] =	ssyncset.done $0x0  }
0x40: {  	s24 =	sadd.s32 $0x180, s23;
	[sflag:s18] =	ssyncadd.s32 $0xFFFFC000  }
0x41: {  	[tilespmem:s16], [sflag:$0x2] =	stream.indirect.gather [hbm4b:s4+s14], $0x80, s24, s14, $0xb8;
	[tilespmem:$0x1E400] =	vst v63  }
.Ltmp0:
0x42: {  	_ = 	snop;
	(pc) =	sbr.rel @p0 .LBB2_2-.Ltmp0, $4  }
0x43: {  	s23 =	sadd.s32 $0x1480, s23  }
0x44: {  	[spmem:s2] =	stream.indirect.scatter.add.f32 [tilespmem:s16], [sflag:$0x3], $0x80, s23, s14, $0xb8;
	[tilespmem:$0x1E400] =	vst v63  }
0x45: {  	_ =	swait.ge [sflag:s12], $0x4000  }
0x46: {  	[sflag:s12] =	ssyncset.done $0x0  }
0x47: {  	[sflag:s12] =	ssyncadd.s32 $0xFFFFC000  }
0x48: {  	_ =	swait.ge [sflag:s17], $0x4000  }
0x49: {  	[sflag:s17] =	ssyncset.done $0x0  }
0x4a: {  	[sflag:s17] =	ssyncadd.s32 $0xFFFFC000  }
0x4b: {  	[spmem:s2] =	stream.indirect.scatter.add.f32 [tilespmem:s15], [sflag:$0x3], $0x80, s19, s14, $0xb8;
	[tilespmem:$0x1E400] =	vst v63  }
0x4c: {  	_ =	swait.ge [sflag:s12], $0x4000  }
0x4d: {  	[sflag:s12] =	ssyncset.done $0x0  }
0x4e: {  	[sflag:s12] =	ssyncadd.s32 $0xFFFFC000  }
0x4f: {  	_ =	swait.ge [sflag:s18], $0x4000  }
0x50: {  	[sflag:s18] =	ssyncset.done $0x0  }
0x51: {  	[sflag:s18] =	ssyncadd.s32 $0xFFFFC000  }
0x52: {  	[spmem:s2] =	stream.indirect.scatter.add.f32 [tilespmem:s16], [sflag:$0x3], $0x80, s20, s14, $0xb8;
	[tilespmem:$0x1E400] =	vst v63  }
0x53: {  	_ =	swait.ge [sflag:s12], $0x4000  }
0x54: {  	s21 =	sadd.s32 $0x1, s21;
	[sflag:s12] =	ssyncset.done $0x0  }
0x55: {  	p0 =	sne.s32 s21, s10;
	[sflag:s12] =	ssyncadd.s32 $0xFFFFC000  }
.Ltmp1:
0x56: {  	[bflag:$0x0] =	sbarrier.arrive $0xFFFF;
	(pc) =	sbr.rel @p0 .LBB2_1-.Ltmp1, $4  }
0x57: {  	[hbm:s9], [sflag:s6] =	dma.local [spmem:s11], $0x2780  }
0x58: {  	_ =	swait.ge [sflag:s12], $0x2780  }
0x59: {  	[sflag:s12] =	ssyncset.done $0x0  }
0x5a: {  	[sflag:s12] =	ssyncadd.s32 $0xFFFFD880  }
0x5b: {  	_ =	sfence.sel $0x180000  }
0x5c: {  	[bflag:$0x0] =	sbarrier.arrive $0xFFFF  }
0x5d: {  	p0 =	sne.s32 s1, $0x0;
	_ =	strace $0x9000004D  }
0x5e: {  	s0 =	sadd.s32 @!p0 $0x100000, s0;
	[bflag:$0x2] =	sbarrier.arrive $0xFFFF  }
0x5f: {  	[sflag:s0] =	ssyncadd.tile.s32 @!p0 $0x1;
	_ =	shalt  }
.Lfunc_end2:
_tile_overlayer_lowered:
.L_overlay_start_2:
0x60: {  	(tag) =	ssettag $0x2  }
0x61: {  	s0 =	rddreg [dreg:$0x0];
	s2 =	stileid.u32  }
0x62: {  	s1 =	rddreg [dreg:$0x1];
	p0 =	sne.s32 s2, $0x0  }
0x63: {  	s3 =	rddreg [dreg:$0x2];
	[bflag:$0x3] =	sbarrier.arrive $0xFFFF;
	s2 =	simm.s32 @!p0 $0x1C03  }
0x64: {  	[timem:s3], [sflag:s2] =	dma.local @!p0 [hbm:s0], s1  }
0x65: {  	s0 =	simm.s32 @!p0 $0x3  }
0x66: {  	_ =	swait.ge @!p0 [sflag:s0], s1  }
0x67: {  	s1 =	ssub.s32 @!p0 $0x0, s1;
	[sflag:s0] =	ssyncset.done @!p0 $0x0  }
0x68: {  	[sflag:s0] =	ssyncadd.s32 @!p0 s1  }
0x69: {  	[bflag:$0x3] =	sbarrier.arrive $0xFFFF  }
0x6a: {  	_ =	shalt  }

// kernel: kernel.21.cloned.1.call-start
scs
__scs_entry_jumppad:
0x0: {  	(pc) =	sbr.rel $0x88, $3  }
0x1: {  	(tag) =	ssettag $0x0;
	lr =	simm.s32 $0x1  }
0x2: {  	[smem:$0x3F93] =	sst lr;
	_ =	strace $0xD0000000  }
0x3: {  	_ = 	snop  }
0x4: {  	_ = 	snop  }
0x5: {  	_ = 	snop  }
0x6: {  	_ = 	snop  }
0x7: {  	_ = 	snop  }
__scs_overlays_trampoline_lowered:
0x8: {  	[smem:$0x3FA2] =	sst s0  }
0x9: {  	[smem:$0x3FA3] =	sst s1  }
0xa: {  	[smem:$0x3FA4] =	sst s2  }
0xb: {  	[smem:$0x3FA5] =	sst s3  }
0xc: {  	[smem:$0x3FA6] =	sst s4  }
0xd: {  	[smem:$0x3FA7] =	sst s5  }
0xe: {  	[smem:$0x3FA8] =	sst s6  }
0xf: {  	[smem:$0x3FA9] =	sst s7  }
0x10: {  	[smem:$0x3FAA] =	sst s8  }
0x11: {  	[smem:$0x3FAB] =	sst s9;
	s0 =	simm.s32 @!p0 $0x0  }
0x12: {  	s1 =	sld [smem:$0x3F91];
	s0 =	simm.s32 @p0 $0x1  }
0x13: {  	[smem:$0x3FAC] =	sst s0;
	s0 =	simm.s32 @!p1 $0x0  }
0x14: {  	s2 =	sld [smem:$0x3F90];
	s0 =	simm.s32 @p1 $0x1  }
0x15: {  	[smem:$0x3FAD] =	sst s0;
	s0 =	simm.s32 @!p2 $0x0  }
0x16: {  	s3 =	sld [smem:$0x3FDB];
	s0 =	simm.s32 @p2 $0x1  }
0x17: {  	s4 =	simm.s32 $0x1BF5;
	[smem:$0x3FAF] =	sst s0  }
0x18: {  	s0 =	sld [smem:$0x3F92];
	_ =	swait.ge [sflag:s4], $0x0  }
0x19: {  	s7 =	sld [smem:$0x3F93]  }
0x1a: {  	s8 =	sadd.s32 $0xFFFFE003, lr  }
0x1b: {  	s9 =	sadd.s32 $0xFFFFFEF7, lr;
	s5 =	simm.s32 $0xFFFFFFFF;
	p2 =	slt.u32 s8, $0xFFFFF086  }
0x1c: {  	p1 =	slt.u32 s9, $0xF7A;
	s5 =	simm.s32 @!p2 $0x0  }
0x1d: {  	s5 =	simm.s32 @p1 $0x1;
	p0 =	seq.s32 s7, s2  }
0x1e: {  	s7 =	smul.u32 @!p0 $0xF7A, s2;
	p2 =	seq.s32 @!p0 s5, $0x0  }
0x1f: {  	s9 =	smul.u32 $0xF7A, s1;
	s8 =	simm.s32 @!p0 $0x1BF5;
	p2 =	por !p2, p0  }
0x20: {  	[sflag:s8] =	ssyncset.s32 @!p0 $0xFFFFF086;
	s6 =	sadd.s32 @!p0 s3, s7;
	s7 =	simm.s32 @!p0 $0x108  }
0x21: {  	s3 =	sadd.s32 s3, s9;
	s6 =	sadd.s32 @!p0 $0x88, s6;
	s7 =	simm.s32 @p2 $0x1082  }
0x22: {  	[simem:s7], [sflag:s8] =	dma.local @!p0 [hbm:s6], $0xF7A  }
0x23: {  	s9 =	sor.u32 $0xD0000000, s2;
	s6 =	simm.s32 $0x108;
	_ =	swait.ge @!p0 [sflag:s8], $0x0  }
0x24: {  	s3 =	sadd.s32 $0x88, s3;
	s6 =	simm.s32 @!p1 $0x1082;
	[sflag:s4] =	ssyncset.s32 $0xFFFFF086  }
0x25: {  	[simem:s6], [sflag:s4] =	dma.local [hbm:s3], $0xF7A  }
0x26: {  	[smem:$0x3F93] =	sst s1;
	(tag) =	ssettag s2;
	_ =	strace s9  }
0x27: {  	s1 =	sld [smem:$0x3FA3]  }
0x28: {  	s2 =	sld [smem:$0x3FA4]  }
0x29: {  	s4 =	sld [smem:$0x3FA6]  }
0x2a: {  	p0 =	seq.s32 s5, $0x0;
	s5 =	sld [smem:$0x3FA7]  }
0x2b: {  	s6 =	sld [smem:$0x3FA8]  }
0x2c: {  	s7 =	sld [smem:$0x3FA9]  }
0x2d: {  	s3 =	simm.s32 $0x108;
	s8 =	sld [smem:$0x3FAA]  }
0x2e: {  	s3 =	simm.s32 @!p0 $0x1082;
	s9 =	sld [smem:$0x3FAB]  }
0x2f: {  	lr =	sadd.s32 s0, s3;
	s0 =	sld [smem:$0x3FA2]  }
0x30: {  	s3 =	sld [smem:$0x3FA5]  }
0x31: {  	[smem:$0x3FAE] =	sst s10  }
0x32: {  	s10 =	sld [smem:$0x3FAC];
	_ =	sdelay $0x3  }
0x33: {  	p0 =	seq.s32 s10, $0x1;
	s10 =	sld [smem:$0x3FAE];
	_ =	sdelay $0x3  }
0x34: {  	[smem:$0x3FAE] =	sst s10  }
0x35: {  	s10 =	sld [smem:$0x3FAD];
	_ =	sdelay $0x3  }
0x36: {  	p1 =	seq.s32 s10, $0x1;
	s10 =	sld [smem:$0x3FAE];
	_ =	sdelay $0x3  }
0x37: {  	[smem:$0x3FAE] =	sst s10  }
0x38: {  	s10 =	sld [smem:$0x3FAF]  }
0x39: {  	_ = 	snop;
	(pc) =	sbr.ind lr, $3  }
0x3a: {  	_ = 	snop  }
0x3b: {  	_ = 	snop  }
0x3c: {  	p2 =	seq.s32 s10, $0x1;
	s10 =	sld [smem:$0x3FAE]  }
0x3d: {  	_ =	shalt  }
0x3e: {  	_ =	shalt  }
0x3f: {  	_ =	shalt  }
0x40: {  	_ =	shalt  }
0x41: {  	_ =	shalt  }
0x42: {  	_ =	shalt  }
0x43: {  	_ =	shalt  }
0x44: {  	_ =	shalt  }
0x45: {  	_ =	shalt  }
0x46: {  	_ =	shalt  }
0x47: {  	_ =	shalt  }
0x48: {  	_ =	shalt  }
0x49: {  	_ =	shalt  }
0x4a: {  	_ =	shalt  }
0x4b: {  	_ =	shalt  }
0x4c: {  	_ =	shalt  }
0x4d: {  	_ =	shalt  }
0x4e: {  	_ =	shalt  }
0x4f: {  	_ =	shalt  }
0x50: {  	_ =	shalt  }
0x51: {  	_ =	shalt  }
0x52: {  	_ =	shalt  }
0x53: {  	_ =	shalt  }
0x54: {  	_ =	shalt  }
0x55: {  	_ =	shalt  }
0x56: {  	_ =	shalt  }
0x57: {  	_ =	shalt  }
0x58: {  	_ =	shalt  }
0x59: {  	_ =	shalt  }
0x5a: {  	_ =	shalt  }
0x5b: {  	_ =	shalt  }
0x5c: {  	_ =	shalt  }
0x5d: {  	_ =	shalt  }
0x5e: {  	_ =	shalt  }
0x5f: {  	_ =	shalt  }
0x60: {  	_ =	shalt  }
0x61: {  	_ =	shalt  }
0x62: {  	_ =	shalt  }
0x63: {  	_ =	shalt  }
0x64: {  	_ =	shalt  }
0x65: {  	_ =	shalt  }
0x66: {  	_ =	shalt  }
0x67: {  	_ =	shalt  }
0x68: {  	_ =	shalt  }
0x69: {  	_ =	shalt  }
0x6a: {  	_ =	shalt  }
0x6b: {  	_ =	shalt  }
0x6c: {  	_ =	shalt  }
0x6d: {  	_ =	shalt  }
0x6e: {  	_ =	shalt  }
0x6f: {  	_ =	shalt  }
0x70: {  	_ =	shalt  }
0x71: {  	_ =	shalt  }
0x72: {  	_ =	shalt  }
0x73: {  	_ =	shalt  }
0x74: {  	_ =	shalt  }
0x75: {  	_ =	shalt  }
0x76: {  	_ =	shalt  }
0x77: {  	_ =	shalt  }
0x78: {  	_ =	shalt  }
0x79: {  	_ =	shalt  }
0x7a: {  	_ =	shalt  }
0x7b: {  	_ =	shalt  }
0x7c: {  	_ =	shalt  }
0x7d: {  	_ =	shalt  }
0x7e: {  	_ =	shalt  }
0x7f: {  	_ =	shalt  }
0x80: {  	_ =	shalt  }
0x81: {  	_ =	shalt  }
0x82: {  	_ =	shalt  }
0x83: {  	_ =	shalt  }
0x84: {  	_ =	shalt  }
0x85: {  	_ =	shalt  }
0x86: {  	_ =	shalt  }
0x87: {  	_ =	shalt  }
.Lfunc_end0:
.L_simem_size_0:
called_computation.3_lowered:
.L_overlay_start_0:
0x88: {  	s2 =	sld [smem:$0x3FD9]  }
0x89: {  	s3 =	sld [smem:$0x3FFE];
	_ =	sdelay $0x1  }
0x8a: {  	s1 =	srdreg.scid  }
0x8b: {  	s0 =	sand.u32 $0x1, s1  }
0x8c: {  	s17 =	sshll.u32 s0, $0xA;
	s2 =	sadd.s32 s3, s2  }
0x8d: {  	s2 =	sadd.s32 s2, s17  }
0x8e: {  	[smem:$0x3FBA] =	sst s2  }
0x8f: {  	_ = 	snop  }
0x90: {  	s2 =	sld [smem:$0x3FD0];
	(tm) =	ssettm $0x1  }
0x91: {  	s18 =	sld [smem:$0x3FFB];
	_ =	sdelay $0x3  }
0x92: {  	_ =	strace s18  }
0x93: {  	s3 =	sld [smem:$0x3FFC];
	_ =	sdelay $0x3  }
0x94: {  	_ =	strace s3  }
0x95: {  	s3 =	sld [smem:$0x3FFD];
	_ =	sdelay $0x3  }
0x96: {  	_ =	strace s3  }
0x97: {  	_ =	strace $0x8FFFFFFF  }
0x98: {  	s19 =	sld [smem:$0x3FDB];
	_ =	sdelay $0x1  }
0x99: {  	s4 =	simm.s32 $_scs_section_size  }
0x9a: {  	s5 =	simm.s32 $_size__tile_overlayer_lowered;
	s6 =	simm.s32 $_tile_overlayer_lowered  }
0x9b: {  	s22 =	simm.s32 $0x1BFF;
	s21 =	sshll.u32 s6, $0x1;
	s3 =	sadd.s32 s4, s19  }
0x9c: {  	s7 =	simm.s32 $0x0;
	s20 =	sshll.u32 s5, $0x1;
	s5 =	sadd.s32 s21, s3  }
0x9d: {  	[timem:s7], [sflag:s22] =	dma.local [hbm:s5], s20  }
0x9e: {  	_ =	swait.ge [sflag:s22], s20  }
0x9f: {  	s4 =	ssub.s32 $0x0, s20;
	[sflag:s22] =	ssyncset.done $0x0  }
0xa0: {  	[sflag:s22] =	ssyncadd.s32 s4;
	_ =	sdelay $0x1  }
0xa1: {  	s23 =	simm.s32 $0x1B8B  }
0xa2: {  	_ =	swait.ge [sflag:s23], $0x1  }
0xa3: {  	[sflag:s23] =	ssyncset.done $0x0  }
0xa4: {  	s25 =	simm.s32 $0x1B8E;
	s24 =	sld [smem:$0x3FFE];
	[sflag:s23] =	ssyncadd.s32 $0xFFFFFFFF  }
0xa5: {  	s26 =	simm.s32 $execute0_lowered;
	[smem:$0x3FD2] =	sst s25  }
0xa6: {  	s5 =	sshll.u32 s26, $0x1;
	_ =	strace $0x8000004F;
	[dreg:$0x1] =	wrdreg $0xFFFFFFFF  }
0xa7: {  	s28 =	simm.s32 $_size_execute0_lowered;
	s3 =	sadd.s32 s3, s5;
	[dreg:$0x0] =	wrdreg $0x0  }
0xa8: {  	s5 =	sshll.u32 s28, $0x1;
	[dreg:$0x2] =	wrdreg s3  }
0xa9: {  	[dreg:$0x3] =	wrdreg s5  }
0xaa: {  	[dreg:$0x4] =	wrdreg $0xC0  }
0xab: {  	_ =	task [dreg:s7], $0x5FFFF  }
0xac: {  	[dreg:$0x1] =	wrdreg $0xFFFFFFFF  }
0xad: {  	[dreg:$0x0] =	wrdreg $0x60  }
0xae: {  	[dreg:$0x2] =	wrdreg s24  }
0xaf: {  	[dreg:$0x3] =	wrdreg s2  }
0xb0: {  	[dreg:$0x4] =	wrdreg $0xA8000  }
0xb1: {  	[dreg:$0x5] =	wrdreg $0x9  }
0xb2: {  	_ =	task.clear_ibuf [dreg:s7], $0x6FFFF;
	_ =	strace $0x9000004F  }
0xb3: {  	s29 =	simm.s32 $0x9;
	_ =	strace $0x80000051  }
0xb4: {  	_ =	swait.ge [sflag:s29], $0x1  }
0xb5: {  	[sflag:s29] =	ssyncadd.s32 $0xFFFFFFFF  }
0xb6: {  	_ =	strace $0x90000051  }
0xb7: {  	_ =	sfence  }
0xb8: {  	s30 =	sld [smem:$0x0];
	_ =	sdelay $0x2  }
0xb9: {  	s31 =	sshll.u32 s1, $0xD;
	s1 =	sshrl.u32 s1, $0x2  }
0xba: {  	s3 =	sand.u32 $0x4000, s31;
	s1 =	sadd.s32 s1, s30  }
0xbb: {  	s0 =	sor.u32 s3, s0;
	s1 =	sshll.u32 s1, $0x11  }
0xbc: {  	s0 =	sor.u32 s1, s0  }
0xbd: {  	s0 =	sadd.s32 $0x8F2B, s0  }
0xbe: {  	[sflag:s0] =	ssyncadd.remote.s32 $0x1  }
0xbf: {  	_ =	sfence.sel $0xFFFF  }
0xc0: {  	[dreg:$0x0] =	wrdreg $0xFFFFFFFF;
	(pc) =	sbr.abs _section_cstart, $3  }
0xc1: {  	[dreg:$0x1] =	wrdreg $0xFFFFFFFF  }
0xc2: {  	_ =	task.clear_ibuf [dreg:s7], $0x2FFFF;
	_ =	strace $0x9FFFFFFF  }
0xc3: {  	(tm) =	ssettm $0x7FFFFFFF  }
tec
execute0_lowered:
.L_overlay_start_1:
0x0: {  	(tag) =	ssettag $0x1  }
0x1: {  	s6 =	rddreg [dreg:$0x0]  }
0x2: {  	s7 =	rddreg [dreg:$0x1];
	s0 =	srdreg.scid  }
0x3: {  	s2 =	rddreg [dreg:$0x2];
	s1 =	stileid.u32  }
0x4: {  	s3 =	simm.s32 $0x0;
	s15 =	simm.s32 $0x2800;
	s16 =	simm.s32 $0x6800  }
0x5: {  	s17 =	simm.s32 $0x1;
	s18 =	simm.s32 $0x2;
	s19 =	simm.s32 $0x2700  }
0x6: {  	s20 =	simm.s32 $0x2780;
	s21 =	simm.s32 $0x0;
	s8 =	sand.u32 $0x1, s0  }
0x7: {  	s0 =	rddreg [dreg:$0x3];
	s4 =	sshll.u32 s1, $0x1;
	s9 =	smul.u32 $0x13C00, s1  }
0x8: {  	[smem:$0x7FF] =	sst s3;
	s12 =	smul.u32 $0x4F000, s1;
	s13 =	sshll.u32 s1, $0x6  }
0x9: {  	s5 =	smul.u32 $0x13C000, s8;
	s4 =	sor.u32 s8, s4;
	_ =	strace $0x80000050  }
0xa: {  	s31 =	ssub.s32 $0x2, s8;
	s10 =	smul.u32 $0x280, s4;
	s4 =	sadd.s32 $0xE400, s6  }
0xb: {  	s8 =	sshrl.u32 s31, $0x1;
	s12 =	sshrl.u32 s12, $0x2;
	s5 =	sadd.s32 s9, s5  }
0xc: {  	s14 =	ssub.s32 s31, s8;
	s12 =	sadd.s32 s12, s2;
	s30 =	sadd.s32 s10, s6  }
0xd: {  	s11 =	sshrl.u32 s5, $0x3;
	s5 =	sadd.s32 $0xBC00, s6;
	s7 =	sadd.s32 s7, s10  }
0xe: {  	s10 =	smax.u32 s14, $0x1;
	s14 =	simm.s32 $0x80;
	s11 =	sadd.s32 s11, s6  }
0xf: {  	s6 =	sor.u32 $0x1C03, s13;
	s8 =	sadd.s32 $0x6C00, s30;
	s13 =	simm.s32 $0x1400  }
0x10: {  	s9 =	sadd.s32 $0x35C00, s11;
	s11 =	sshrl.u32 s12, $0x3;
	s12 =	simm.s32 $0x3  }
.LBB2_1:
0x11: {  	[spmem:s11], [sflag:s6] =	dma.local [hbm:s5], $0x2780  }
0x12: {  	_ =	swait.ge [sflag:s12], $0x2780  }
0x13: {  	[sflag:s12] =	ssyncset.done $0x0  }
0x14: {  	[sflag:s12] =	ssyncadd.s32 $0xFFFFD880  }
0x15: {  	[bflag:$0x0] =	sbarrier.arrive $0xFFFF  }
0x16: {  	[tilespmem:s3], [sflag:$0x3] =	stream.linear.gather [hbm4b:s7+s3], $0x1400, $0x38;
	[tilespmem:$0x1E400] =	vst v63  }
0x17: {  	_ =	swait.ge [sflag:s12], $0x1400  }
0x18: {  	[sflag:s12] =	ssyncset.done $0x0  }
0x19: {  	[sflag:s12] =	ssyncadd.s32 $0xFFFFEC00  }
0x1a: {  	[tilespmem:s13], [sflag:$0x3] =	stream.linear.gather [hbm4b:s8+s3], $0x1400, $0x38;
	[tilespmem:$0x1E400] =	vst v63  }
0x1b: {  	_ =	swait.ge [sflag:s12], $0x1400  }
0x1c: {  	[sflag:s12] =	ssyncset.done $0x0  }
0x1d: {  	[sflag:s12] =	ssyncadd.s32 $0xFFFFEC00  }
0x1e: {  	[tilespmem:s15], [sflag:$0x1] =	stream.indirect.gather [hbm4b:s4+s14], $0x80, s3, s14, $0xb8;
	[tilespmem:$0x1E400] =	vst v63  }
0x1f: {  	_ = 	snop  }
0x20: {  	[tilespmem:s16], [sflag:$0x2] =	stream.indirect.gather [hbm4b:s4+s14], $0x80, s14, s14, $0xb8;
	[tilespmem:$0x1E400] =	vst v63  }
0x21: {  	_ =	swait.ge [sflag:s17], $0x4000  }
0x22: {  	[sflag:s17] =	ssyncset.done $0x0  }
0x23: {  	s22 =	simm.s32 $0x100;
	[sflag:s17] =	ssyncadd.s32 $0xFFFFC000  }
0x24: {  	[tilespmem:s15], [sflag:$0x1] =	stream.indirect.gather [hbm4b:s4+s14], $0x80, s22, s14, $0xb8;
	[tilespmem:$0x1E400] =	vst v63  }
0x25: {  	s29 =	simm.s32 $0x1400  }
0x26: {  	[spmem:s2] =	stream.indirect.scatter.add.f32 [tilespmem:s15], [sflag:$0x3], $0x80, s29, s14, $0xb8;
	[tilespmem:$0x1E400] =	vst v63  }
0x27: {  	_ =	swait.ge [sflag:s12], $0x4000  }
0x28: {  	[sflag:s12] =	ssyncset.done $0x0  }
0x29: {  	[sflag:s12] =	ssyncadd.s32 $0xFFFFC000  }
0x2a: {  	_ =	swait.ge [sflag:s18], $0x4000  }
0x2b: {  	[sflag:s18] =	ssyncset.done $0x0  }
0x2c: {  	s30 =	simm.s32 $0x180;
	[sflag:s18] =	ssyncadd.s32 $0xFFFFC000  }
0x2d: {  	[tilespmem:s16], [sflag:$0x2] =	stream.indirect.gather [hbm4b:s4+s14], $0x80, s30, s14, $0xb8;
	[tilespmem:$0x1E400] =	vst v63  }
0x2e: {  	s31 =	simm.s32 $0x1480  }
0x2f: {  	[spmem:s2] =	stream.indirect.scatter.add.f32 [tilespmem:s16], [sflag:$0x3], $0x80, s31, s14, $0xb8;
	[tilespmem:$0x1E400] =	vst v63  }
0x30: {  	_ =	swait.ge [sflag:s12], $0x4000  }
0x31: {  	s22 =	simm.s32 $0x400;
	[sflag:s12] =	ssyncset.done $0x0  }
.LBB2_2:
0x32: {  	p0 =	sne.s32 s22, $0x4800  }
0x33: {  	[sflag:s12] =	ssyncadd.s32 $0xFFFFC000;
	s23 =	smov.u32 s22;
	s22 =	sadd.s32 $0x400, s22  }
0x34: {  	_ = 	snop  }
0x35: {  	_ =	swait.ge [sflag:s17], $0x4000  }
0x36: {  	s23 =	sshra.s32 s23, $0x2;
	[sflag:s17] =	ssyncset.done $0x0  }
0x37: {  	s24 =	sadd.s32 $0x100, s23;
	[sflag:s17] =	ssyncadd.s32 $0xFFFFC000  }
0x38: {  	[tilespmem:s15], [sflag:$0x1] =	stream.indirect.gather [hbm4b:s4+s14], $0x80, s24, s14, $0xb8;
	[tilespmem:$0x1E400] =	vst v63  }
0x39: {  	s24 =	sadd.s32 $0x1400, s23  }
0x3a: {  	[spmem:s2] =	stream.indirect.scatter.add.f32 [tilespmem:s15], [sflag:$0x3], $0x80, s24, s14, $0xb8;
	[tilespmem:$0x1E400] =	vst v63  }
0x3b: {  	_ =	swait.ge [sflag:s12], $0x4000  }
0x3c: {  	[sflag:s12] =	ssyncset.done $0x0  }
0x3d: {  	[sflag:s12] =	ssyncadd.s32 $0xFFFFC000  }
0x3e: {  	_ =	swait.ge [sflag:s18], $0x4000  }
0x3f: {  	[sflag:s18] =	ssyncset.done $0x0  }
0x40: {  	s24 =	sadd.s32 $0x180, s23;
	[sflag:s18] =	ssyncadd.s32 $0xFFFFC000  }
0x41: {  	[tilespmem:s16], [sflag:$0x2] =	stream.indirect.gather [hbm4b:s4+s14], $0x80, s24, s14, $0xb8;
	[tilespmem:$0x1E400] =	vst v63  }
.Ltmp0:
0x42: {  	_ = 	snop;
	(pc) =	sbr.rel @p0 .LBB2_2-.Ltmp0, $4  }
0x43: {  	s23 =	sadd.s32 $0x1480, s23  }
0x44: {  	[spmem:s2] =	stream.indirect.scatter.add.f32 [tilespmem:s16], [sflag:$0x3], $0x80, s23, s14, $0xb8;
	[tilespmem:$0x1E400] =	vst v63  }
0x45: {  	_ =	swait.ge [sflag:s12], $0x4000  }
0x46: {  	[sflag:s12] =	ssyncset.done $0x0  }
0x47: {  	[sflag:s12] =	ssyncadd.s32 $0xFFFFC000  }
0x48: {  	_ =	swait.ge [sflag:s17], $0x4000  }
0x49: {  	[sflag:s17] =	ssyncset.done $0x0  }
0x4a: {  	[sflag:s17] =	ssyncadd.s32 $0xFFFFC000  }
0x4b: {  	[spmem:s2] =	stream.indirect.scatter.add.f32 [tilespmem:s15], [sflag:$0x3], $0x80, s19, s14, $0xb8;
	[tilespmem:$0x1E400] =	vst v63  }
0x4c: {  	_ =	swait.ge [sflag:s12], $0x4000  }
0x4d: {  	[sflag:s12] =	ssyncset.done $0x0  }
0x4e: {  	[sflag:s12] =	ssyncadd.s32 $0xFFFFC000  }
0x4f: {  	_ =	swait.ge [sflag:s18], $0x4000  }
0x50: {  	[sflag:s18] =	ssyncset.done $0x0  }
0x51: {  	[sflag:s18] =	ssyncadd.s32 $0xFFFFC000  }
0x52: {  	[spmem:s2] =	stream.indirect.scatter.add.f32 [tilespmem:s16], [sflag:$0x3], $0x80, s20, s14, $0xb8;
	[tilespmem:$0x1E400] =	vst v63  }
0x53: {  	_ =	swait.ge [sflag:s12], $0x4000  }
0x54: {  	s21 =	sadd.s32 $0x1, s21;
	[sflag:s12] =	ssyncset.done $0x0  }
0x55: {  	p0 =	sne.s32 s21, s10;
	[sflag:s12] =	ssyncadd.s32 $0xFFFFC000  }
.Ltmp1:
0x56: {  	[bflag:$0x0] =	sbarrier.arrive $0xFFFF;
	(pc) =	sbr.rel @p0 .LBB2_1-.Ltmp1, $4  }
0x57: {  	[hbm:s9], [sflag:s6] =	dma.local [spmem:s11], $0x2780  }
0x58: {  	_ =	swait.ge [sflag:s12], $0x2780  }
0x59: {  	[sflag:s12] =	ssyncset.done $0x0  }
0x5a: {  	[sflag:s12] =	ssyncadd.s32 $0xFFFFD880  }
0x5b: {  	_ =	sfence.sel $0x180000  }
0x5c: {  	[bflag:$0x0] =	sbarrier.arrive $0xFFFF  }
0x5d: {  	p0 =	sne.s32 s1, $0x0;
	_ =	strace $0x90000050  }
0x5e: {  	s0 =	sadd.s32 @!p0 $0x100000, s0;
	[bflag:$0x2] =	sbarrier.arrive $0xFFFF  }
0x5f: {  	[sflag:s0] =	ssyncadd.tile.s32 @!p0 $0x1;
	_ =	shalt  }
.Lfunc_end2:
_tile_overlayer_lowered:
.L_overlay_start_2:
0x60: {  	(tag) =	ssettag $0x2  }
0x61: {  	s0 =	rddreg [dreg:$0x0];
	s2 =	stileid.u32  }
0x62: {  	s1 =	rddreg [dreg:$0x1];
	p0 =	sne.s32 s2, $0x0  }
0x63: {  	s3 =	rddreg [dreg:$0x2];
	[bflag:$0x3] =	sbarrier.arrive $0xFFFF;
	s2 =	simm.s32 @!p0 $0x1C03  }
0x64: {  	[timem:s3], [sflag:s2] =	dma.local @!p0 [hbm:s0], s1  }
0x65: {  	s0 =	simm.s32 @!p0 $0x3  }
0x66: {  	_ =	swait.ge @!p0 [sflag:s0], s1  }
0x67: {  	s1 =	ssub.s32 @!p0 $0x0, s1;
	[sflag:s0] =	ssyncset.done @!p0 $0x0  }
0x68: {  	[sflag:s0] =	ssyncadd.s32 @!p0 s1  }
0x69: {  	[bflag:$0x3] =	sbarrier.arrive $0xFFFF  }
0x6a: {  	_ =	shalt  }

// kernel: kernel.24.cloned.1.call-start
scs
__scs_entry_jumppad:
0x0: {  	(pc) =	sbr.rel $0x88, $3  }
0x1: {  	(tag) =	ssettag $0x0;
	lr =	simm.s32 $0x1  }
0x2: {  	[smem:$0x3F93] =	sst lr;
	_ =	strace $0xD0000000  }
0x3: {  	_ = 	snop  }
0x4: {  	_ = 	snop  }
0x5: {  	_ = 	snop  }
0x6: {  	_ = 	snop  }
0x7: {  	_ = 	snop  }
__scs_overlays_trampoline_lowered:
0x8: {  	[smem:$0x3FA2] =	sst s0  }
0x9: {  	[smem:$0x3FA3] =	sst s1  }
0xa: {  	[smem:$0x3FA4] =	sst s2  }
0xb: {  	[smem:$0x3FA5] =	sst s3  }
0xc: {  	[smem:$0x3FA6] =	sst s4  }
0xd: {  	[smem:$0x3FA7] =	sst s5  }
0xe: {  	[smem:$0x3FA8] =	sst s6  }
0xf: {  	[smem:$0x3FA9] =	sst s7  }
0x10: {  	[smem:$0x3FAA] =	sst s8  }
0x11: {  	[smem:$0x3FAB] =	sst s9;
	s0 =	simm.s32 @!p0 $0x0  }
0x12: {  	s1 =	sld [smem:$0x3F91];
	s0 =	simm.s32 @p0 $0x1  }
0x13: {  	[smem:$0x3FAC] =	sst s0;
	s0 =	simm.s32 @!p1 $0x0  }
0x14: {  	s2 =	sld [smem:$0x3F90];
	s0 =	simm.s32 @p1 $0x1  }
0x15: {  	[smem:$0x3FAD] =	sst s0;
	s0 =	simm.s32 @!p2 $0x0  }
0x16: {  	s3 =	sld [smem:$0x3FDB];
	s0 =	simm.s32 @p2 $0x1  }
0x17: {  	s4 =	simm.s32 $0x1BF5;
	[smem:$0x3FAF] =	sst s0  }
0x18: {  	s0 =	sld [smem:$0x3F92];
	_ =	swait.ge [sflag:s4], $0x0  }
0x19: {  	s7 =	sld [smem:$0x3F93]  }
0x1a: {  	s8 =	sadd.s32 $0xFFFFE003, lr  }
0x1b: {  	s9 =	sadd.s32 $0xFFFFFEF7, lr;
	s5 =	simm.s32 $0xFFFFFFFF;
	p2 =	slt.u32 s8, $0xFFFFF086  }
0x1c: {  	p1 =	slt.u32 s9, $0xF7A;
	s5 =	simm.s32 @!p2 $0x0  }
0x1d: {  	s5 =	simm.s32 @p1 $0x1;
	p0 =	seq.s32 s7, s2  }
0x1e: {  	s7 =	smul.u32 @!p0 $0xF7A, s2;
	p2 =	seq.s32 @!p0 s5, $0x0  }
0x1f: {  	s9 =	smul.u32 $0xF7A, s1;
	s8 =	simm.s32 @!p0 $0x1BF5;
	p2 =	por !p2, p0  }
0x20: {  	[sflag:s8] =	ssyncset.s32 @!p0 $0xFFFFF086;
	s6 =	sadd.s32 @!p0 s3, s7;
	s7 =	simm.s32 @!p0 $0x108  }
0x21: {  	s3 =	sadd.s32 s3, s9;
	s6 =	sadd.s32 @!p0 $0x88, s6;
	s7 =	simm.s32 @p2 $0x1082  }
0x22: {  	[simem:s7], [sflag:s8] =	dma.local @!p0 [hbm:s6], $0xF7A  }
0x23: {  	s9 =	sor.u32 $0xD0000000, s2;
	s6 =	simm.s32 $0x108;
	_ =	swait.ge @!p0 [sflag:s8], $0x0  }
0x24: {  	s3 =	sadd.s32 $0x88, s3;
	s6 =	simm.s32 @!p1 $0x1082;
	[sflag:s4] =	ssyncset.s32 $0xFFFFF086  }
0x25: {  	[simem:s6], [sflag:s4] =	dma.local [hbm:s3], $0xF7A  }
0x26: {  	[smem:$0x3F93] =	sst s1;
	(tag) =	ssettag s2;
	_ =	strace s9  }
0x27: {  	s1 =	sld [smem:$0x3FA3]  }
0x28: {  	s2 =	sld [smem:$0x3FA4]  }
0x29: {  	s4 =	sld [smem:$0x3FA6]  }
0x2a: {  	p0 =	seq.s32 s5, $0x0;
	s5 =	sld [smem:$0x3FA7]  }
0x2b: {  	s6 =	sld [smem:$0x3FA8]  }
0x2c: {  	s7 =	sld [smem:$0x3FA9]  }
0x2d: {  	s3 =	simm.s32 $0x108;
	s8 =	sld [smem:$0x3FAA]  }
0x2e: {  	s3 =	simm.s32 @!p0 $0x1082;
	s9 =	sld [smem:$0x3FAB]  }
0x2f: {  	lr =	sadd.s32 s0, s3;
	s0 =	sld [smem:$0x3FA2]  }
0x30: {  	s3 =	sld [smem:$0x3FA5]  }
0x31: {  	[smem:$0x3FAE] =	sst s10  }
0x32: {  	s10 =	sld [smem:$0x3FAC];
	_ =	sdelay $0x3  }
0x33: {  	p0 =	seq.s32 s10, $0x1;
	s10 =	sld [smem:$0x3FAE];
	_ =	sdelay $0x3  }
0x34: {  	[smem:$0x3FAE] =	sst s10  }
0x35: {  	s10 =	sld [smem:$0x3FAD];
	_ =	sdelay $0x3  }
0x36: {  	p1 =	seq.s32 s10, $0x1;
	s10 =	sld [smem:$0x3FAE];
	_ =	sdelay $0x3  }
0x37: {  	[smem:$0x3FAE] =	sst s10  }
0x38: {  	s10 =	sld [smem:$0x3FAF]  }
0x39: {  	_ = 	snop;
	(pc) =	sbr.ind lr, $3  }
0x3a: {  	_ = 	snop  }
0x3b: {  	_ = 	snop  }
0x3c: {  	p2 =	seq.s32 s10, $0x1;
	s10 =	sld [smem:$0x3FAE]  }
0x3d: {  	_ =	shalt  }
0x3e: {  	_ =	shalt  }
0x3f: {  	_ =	shalt  }
0x40: {  	_ =	shalt  }
0x41: {  	_ =	shalt  }
0x42: {  	_ =	shalt  }
0x43: {  	_ =	shalt  }
0x44: {  	_ =	shalt  }
0x45: {  	_ =	shalt  }
0x46: {  	_ =	shalt  }
0x47: {  	_ =	shalt  }
0x48: {  	_ =	shalt  }
0x49: {  	_ =	shalt  }
0x4a: {  	_ =	shalt  }
0x4b: {  	_ =	shalt  }
0x4c: {  	_ =	shalt  }
0x4d: {  	_ =	shalt  }
0x4e: {  	_ =	shalt  }
0x4f: {  	_ =	shalt  }
0x50: {  	_ =	shalt  }
0x51: {  	_ =	shalt  }
0x52: {  	_ =	shalt  }
0x53: {  	_ =	shalt  }
0x54: {  	_ =	shalt  }
0x55: {  	_ =	shalt  }
0x56: {  	_ =	shalt  }
0x57: {  	_ =	shalt  }
0x58: {  	_ =	shalt  }
0x59: {  	_ =	shalt  }
0x5a: {  	_ =	shalt  }
0x5b: {  	_ =	shalt  }
0x5c: {  	_ =	shalt  }
0x5d: {  	_ =	shalt  }
0x5e: {  	_ =	shalt  }
0x5f: {  	_ =	shalt  }
0x60: {  	_ =	shalt  }
0x61: {  	_ =	shalt  }
0x62: {  	_ =	shalt  }
0x63: {  	_ =	shalt  }
0x64: {  	_ =	shalt  }
0x65: {  	_ =	shalt  }
0x66: {  	_ =	shalt  }
0x67: {  	_ =	shalt  }
0x68: {  	_ =	shalt  }
0x69: {  	_ =	shalt  }
0x6a: {  	_ =	shalt  }
0x6b: {  	_ =	shalt  }
0x6c: {  	_ =	shalt  }
0x6d: {  	_ =	shalt  }
0x6e: {  	_ =	shalt  }
0x6f: {  	_ =	shalt  }
0x70: {  	_ =	shalt  }
0x71: {  	_ =	shalt  }
0x72: {  	_ =	shalt  }
0x73: {  	_ =	shalt  }
0x74: {  	_ =	shalt  }
0x75: {  	_ =	shalt  }
0x76: {  	_ =	shalt  }
0x77: {  	_ =	shalt  }
0x78: {  	_ =	shalt  }
0x79: {  	_ =	shalt  }
0x7a: {  	_ =	shalt  }
0x7b: {  	_ =	shalt  }
0x7c: {  	_ =	shalt  }
0x7d: {  	_ =	shalt  }
0x7e: {  	_ =	shalt  }
0x7f: {  	_ =	shalt  }
0x80: {  	_ =	shalt  }
0x81: {  	_ =	shalt  }
0x82: {  	_ =	shalt  }
0x83: {  	_ =	shalt  }
0x84: {  	_ =	shalt  }
0x85: {  	_ =	shalt  }
0x86: {  	_ =	shalt  }
0x87: {  	_ =	shalt  }
.Lfunc_end0:
.L_simem_size_0:
called_computation.4_lowered:
.L_overlay_start_0:
0x88: {  	s2 =	sld [smem:$0x3FD9]  }
0x89: {  	s3 =	sld [smem:$0x3FFE];
	_ =	sdelay $0x1  }
0x8a: {  	s1 =	srdreg.scid  }
0x8b: {  	s0 =	sand.u32 $0x1, s1  }
0x8c: {  	s17 =	sshll.u32 s0, $0xA;
	s2 =	sadd.s32 s3, s2  }
0x8d: {  	s2 =	sadd.s32 s2, s17  }
0x8e: {  	[smem:$0x3FBA] =	sst s2  }
0x8f: {  	_ = 	snop  }
0x90: {  	s2 =	sld [smem:$0x3FD0];
	(tm) =	ssettm $0x1  }
0x91: {  	s18 =	sld [smem:$0x3FFB];
	_ =	sdelay $0x3  }
0x92: {  	_ =	strace s18  }
0x93: {  	s3 =	sld [smem:$0x3FFC];
	_ =	sdelay $0x3  }
0x94: {  	_ =	strace s3  }
0x95: {  	s3 =	sld [smem:$0x3FFD];
	_ =	sdelay $0x3  }
0x96: {  	_ =	strace s3  }
0x97: {  	_ =	strace $0x8FFFFFFF  }
0x98: {  	s19 =	sld [smem:$0x3FDB];
	_ =	sdelay $0x1  }
0x99: {  	s4 =	simm.s32 $_scs_section_size  }
0x9a: {  	s5 =	simm.s32 $_size__tile_overlayer_lowered;
	s6 =	simm.s32 $_tile_overlayer_lowered  }
0x9b: {  	s22 =	simm.s32 $0x1BFF;
	s21 =	sshll.u32 s6, $0x1;
	s3 =	sadd.s32 s4, s19  }
0x9c: {  	s7 =	simm.s32 $0x0;
	s20 =	sshll.u32 s5, $0x1;
	s5 =	sadd.s32 s21, s3  }
0x9d: {  	[timem:s7], [sflag:s22] =	dma.local [hbm:s5], s20  }
0x9e: {  	_ =	swait.ge [sflag:s22], s20  }
0x9f: {  	s4 =	ssub.s32 $0x0, s20;
	[sflag:s22] =	ssyncset.done $0x0  }
0xa0: {  	[sflag:s22] =	ssyncadd.s32 s4;
	_ =	sdelay $0x1  }
0xa1: {  	s23 =	simm.s32 $0x1B8B  }
0xa2: {  	_ =	swait.ge [sflag:s23], $0x1  }
0xa3: {  	[sflag:s23] =	ssyncset.done $0x0  }
0xa4: {  	s25 =	simm.s32 $0x1B8E;
	s24 =	sld [smem:$0x3FFE];
	[sflag:s23] =	ssyncadd.s32 $0xFFFFFFFF  }
0xa5: {  	s26 =	simm.s32 $execute0_lowered;
	[smem:$0x3FD2] =	sst s25  }
0xa6: {  	s5 =	sshll.u32 s26, $0x1;
	_ =	strace $0x80000052;
	[dreg:$0x1] =	wrdreg $0xFFFFFFFF  }
0xa7: {  	s28 =	simm.s32 $_size_execute0_lowered;
	s3 =	sadd.s32 s3, s5;
	[dreg:$0x0] =	wrdreg $0x0  }
0xa8: {  	s5 =	sshll.u32 s28, $0x1;
	[dreg:$0x2] =	wrdreg s3  }
0xa9: {  	[dreg:$0x3] =	wrdreg s5  }
0xaa: {  	[dreg:$0x4] =	wrdreg $0xC0  }
0xab: {  	_ =	task [dreg:s7], $0x5FFFF  }
0xac: {  	[dreg:$0x1] =	wrdreg $0xFFFFFFFF  }
0xad: {  	[dreg:$0x0] =	wrdreg $0x60  }
0xae: {  	[dreg:$0x2] =	wrdreg s2  }
0xaf: {  	[dreg:$0x3] =	wrdreg s24  }
0xb0: {  	[dreg:$0x4] =	wrdreg $0x9  }
0xb1: {  	_ =	task.clear_ibuf [dreg:s7], $0x5FFFF;
	_ =	strace $0x90000052  }
0xb2: {  	s29 =	simm.s32 $0x9;
	_ =	strace $0x80000054  }
0xb3: {  	_ =	swait.ge [sflag:s29], $0x1  }
0xb4: {  	[sflag:s29] =	ssyncadd.s32 $0xFFFFFFFF  }
0xb5: {  	_ =	strace $0x90000054  }
0xb6: {  	_ =	sfence  }
0xb7: {  	s30 =	sld [smem:$0x0];
	_ =	sdelay $0x2  }
0xb8: {  	s31 =	sshll.u32 s1, $0xD;
	s1 =	sshrl.u32 s1, $0x2  }
0xb9: {  	s3 =	sand.u32 $0x4000, s31;
	s1 =	sadd.s32 s1, s30  }
0xba: {  	s0 =	sor.u32 s3, s0;
	s1 =	sshll.u32 s1, $0x11  }
0xbb: {  	s0 =	sor.u32 s1, s0  }
0xbc: {  	s0 =	sadd.s32 $0x8F2B, s0  }
0xbd: {  	[sflag:s0] =	ssyncadd.remote.s32 $0x1  }
0xbe: {  	_ =	sfence.sel $0xFFFF  }
0xbf: {  	[dreg:$0x0] =	wrdreg $0xFFFFFFFF;
	(pc) =	sbr.abs _section_cstart, $3  }
0xc0: {  	[dreg:$0x1] =	wrdreg $0xFFFFFFFF  }
0xc1: {  	_ =	task.clear_ibuf [dreg:s7], $0x2FFFF;
	_ =	strace $0x9FFFFFFF  }
0xc2: {  	(tm) =	ssettm $0x7FFFFFFF  }
0xc3: {  	_ =	shalt  }
tec
execute0_lowered:
.L_overlay_start_1:
0x0: {  	(tag) =	ssettag $0x1  }
0x1: {  	s1 =	srdreg.scid;
	s0 =	stileid.u32  }
0x2: {  	s2 =	rddreg [dreg:$0x0];
	s29 =	sand.u32 $0x1, s1;
	s31 =	sshll.u32 s0, $0x1  }
0x3: {  	s10 =	rddreg [dreg:$0x1];
	s11 =	sor.u32 s29, s31  }
0x4: {  	s3 =	simm.s32 $0x0;
	s1 =	rddreg [dreg:$0x2];
	s4 =	sshll.u32 s11, $0x8  }
0x5: {  	[smem:$0x7FF] =	sst s3;
	s4 =	sadd.s32 s4, s10  }
0x6: {  	_ =	strace $0x80000053;
	s5 =	sadd.s32 $0x1C00, s4;
	s4 =	simm.s32 $0x3  }
0x7: {  	[tilespmem:s3], [sflag:$0x3] =	stream.linear.gather [hbm4b:s5+s3], $0x500, $0x38;
	[tilespmem:$0x8800] =	vst v63  }
0x8: {  	_ =	swait.ge [sflag:s4], $0x500  }
0x9: {  	[sflag:s4] =	ssyncset.done $0x0  }
0xa: {  	s6 =	simm.s32 $0x80;
	s7 =	simm.s32 $0x800;
	[sflag:s4] =	ssyncadd.s32 $0xFFFFFB00  }
0xb: {  	[tilespmem:s7], [sflag:$0x1] =	stream.indirect.gather [hbm4b:s2+s6], $0x80, s3, s6, $0xb8;
	[tilespmem:$0x8800] =	vst v63  }
0xc: {  	s8 =	simm.s32 $0x4800;
	s9 =	simm.s32 $0x1  }
0xd: {  	[tilespmem:s8], [sflag:$0x2] =	stream.indirect.gather [hbm4b:s2+s6], $0x80, s6, s6, $0xb8;
	[tilespmem:$0x8800] =	vst v63  }
0xe: {  	s11 =	smul.u32 $0x5000, s11;
	_ =	swait.ge [sflag:s9], $0x4000  }
0xf: {  	[sflag:s9] =	ssyncset.done $0x0  }
0x10: {  	s30 =	sadd.s32 s11, s10;
	s10 =	simm.s32 $0x100;
	[sflag:s9] =	ssyncadd.s32 $0xFFFFC000  }
0x11: {  	[tilespmem:s7], [sflag:$0x1] =	stream.indirect.gather [hbm4b:s2+s6], $0x80, s10, s6, $0xb8;
	[tilespmem:$0x8800] =	vst v63  }
0x12: {  	s11 =	sadd.s32 $0x3C00, s30  }
0x13: {  	[hbm4b:s11+s3] =	stream.linear.scatter [tilespmem:s7], [sflag:$0x3], $0x4000, $0x38;
	[tilespmem:$0x8800] =	vst v63  }
0x14: {  	_ =	swait.ge [sflag:s4], $0x4000  }
0x15: {  	[sflag:s4] =	ssyncset.done $0x0  }
0x16: {  	s12 =	simm.s32 $0x2;
	[sflag:s4] =	ssyncadd.s32 $0xFFFFC000  }
0x17: {  	_ =	swait.ge [sflag:s12], $0x4000  }
0x18: {  	[sflag:s12] =	ssyncset.done $0x0  }
0x19: {  	s13 =	simm.s32 $0x180;
	[sflag:s12] =	ssyncadd.s32 $0xFFFFC000  }
0x1a: {  	[tilespmem:s8], [sflag:$0x2] =	stream.indirect.gather [hbm4b:s2+s6], $0x80, s13, s6, $0xb8;
	[tilespmem:$0x8800] =	vst v63  }
0x1b: {  	s14 =	sadd.s32 $0x4400, s30  }
0x1c: {  	[hbm4b:s14+s3] =	stream.linear.scatter [tilespmem:s8], [sflag:$0x3], $0x4000, $0x38;
	[tilespmem:$0x8800] =	vst v63  }
0x1d: {  	_ =	swait.ge [sflag:s4], $0x4000  }
0x1e: {  	[sflag:s4] =	ssyncset.done $0x0  }
0x1f: {  	[sflag:s4] =	ssyncadd.s32 $0xFFFFC000  }
0x20: {  	_ =	swait.ge [sflag:s9], $0x4000  }
0x21: {  	[sflag:s9] =	ssyncset.done $0x0  }
0x22: {  	s15 =	simm.s32 $0x200;
	[sflag:s9] =	ssyncadd.s32 $0xFFFFC000  }
0x23: {  	[tilespmem:s7], [sflag:$0x1] =	stream.indirect.gather [hbm4b:s2+s6], $0x80, s15, s6, $0xb8;
	[tilespmem:$0x8800] =	vst v63  }
0x24: {  	s16 =	sadd.s32 $0x4C00, s30  }
0x25: {  	[hbm4b:s16+s3] =	stream.linear.scatter [tilespmem:s7], [sflag:$0x3], $0x4000, $0x38;
	[tilespmem:$0x8800] =	vst v63  }
0x26: {  	_ =	swait.ge [sflag:s4], $0x4000  }
0x27: {  	[sflag:s4] =	ssyncset.done $0x0  }
0x28: {  	[sflag:s4] =	ssyncadd.s32 $0xFFFFC000  }
0x29: {  	_ =	swait.ge [sflag:s12], $0x4000  }
0x2a: {  	[sflag:s12] =	ssyncset.done $0x0  }
0x2b: {  	s17 =	simm.s32 $0x280;
	[sflag:s12] =	ssyncadd.s32 $0xFFFFC000  }
0x2c: {  	[tilespmem:s8], [sflag:$0x2] =	stream.indirect.gather [hbm4b:s2+s6], $0x80, s17, s6, $0xb8;
	[tilespmem:$0x8800] =	vst v63  }
0x2d: {  	s18 =	sadd.s32 $0x5400, s30  }
0x2e: {  	[hbm4b:s18+s3] =	stream.linear.scatter [tilespmem:s8], [sflag:$0x3], $0x4000, $0x38;
	[tilespmem:$0x8800] =	vst v63  }
0x2f: {  	_ =	swait.ge [sflag:s4], $0x4000  }
0x30: {  	[sflag:s4] =	ssyncset.done $0x0  }
0x31: {  	[sflag:s4] =	ssyncadd.s32 $0xFFFFC000  }
0x32: {  	_ =	swait.ge [sflag:s9], $0x4000  }
0x33: {  	[sflag:s9] =	ssyncset.done $0x0  }
0x34: {  	s19 =	simm.s32 $0x300;
	[sflag:s9] =	ssyncadd.s32 $0xFFFFC000  }
0x35: {  	[tilespmem:s7], [sflag:$0x1] =	stream.indirect.gather [hbm4b:s2+s6], $0x80, s19, s6, $0xb8;
	[tilespmem:$0x8800] =	vst v63  }
0x36: {  	s20 =	sadd.s32 $0x5C00, s30  }
0x37: {  	[hbm4b:s20+s3] =	stream.linear.scatter [tilespmem:s7], [sflag:$0x3], $0x4000, $0x38;
	[tilespmem:$0x8800] =	vst v63  }
0x38: {  	_ =	swait.ge [sflag:s4], $0x4000  }
0x39: {  	[sflag:s4] =	ssyncset.done $0x0  }
0x3a: {  	[sflag:s4] =	ssyncadd.s32 $0xFFFFC000  }
0x3b: {  	_ =	swait.ge [sflag:s12], $0x4000  }
0x3c: {  	[sflag:s12] =	ssyncset.done $0x0  }
0x3d: {  	s21 =	simm.s32 $0x380;
	[sflag:s12] =	ssyncadd.s32 $0xFFFFC000  }
0x3e: {  	[tilespmem:s8], [sflag:$0x2] =	stream.indirect.gather [hbm4b:s2+s6], $0x80, s21, s6, $0xb8;
	[tilespmem:$0x8800] =	vst v63  }
0x3f: {  	s22 =	sadd.s32 $0x6400, s30  }
0x40: {  	[hbm4b:s22+s3] =	stream.linear.scatter [tilespmem:s8], [sflag:$0x3], $0x4000, $0x38;
	[tilespmem:$0x8800] =	vst v63  }
0x41: {  	_ =	swait.ge [sflag:s4], $0x4000  }
0x42: {  	[sflag:s4] =	ssyncset.done $0x0  }
0x43: {  	[sflag:s4] =	ssyncadd.s32 $0xFFFFC000  }
0x44: {  	_ =	swait.ge [sflag:s9], $0x4000  }
0x45: {  	[sflag:s9] =	ssyncset.done $0x0  }
0x46: {  	s23 =	simm.s32 $0x400;
	[sflag:s9] =	ssyncadd.s32 $0xFFFFC000  }
0x47: {  	[tilespmem:s7], [sflag:$0x1] =	stream.indirect.gather [hbm4b:s2+s6], $0x80, s23, s6, $0xb8;
	[tilespmem:$0x8800] =	vst v63  }
0x48: {  	s24 =	sadd.s32 $0x6C00, s30  }
0x49: {  	[hbm4b:s24+s3] =	stream.linear.scatter [tilespmem:s7], [sflag:$0x3], $0x4000, $0x38;
	[tilespmem:$0x8800] =	vst v63  }
0x4a: {  	_ =	swait.ge [sflag:s4], $0x4000  }
0x4b: {  	[sflag:s4] =	ssyncset.done $0x0  }
0x4c: {  	[sflag:s4] =	ssyncadd.s32 $0xFFFFC000  }
0x4d: {  	_ =	swait.ge [sflag:s12], $0x4000  }
0x4e: {  	[sflag:s12] =	ssyncset.done $0x0  }
0x4f: {  	s25 =	simm.s32 $0x480;
	[sflag:s12] =	ssyncadd.s32 $0xFFFFC000  }
0x50: {  	[tilespmem:s8], [sflag:$0x2] =	stream.indirect.gather [hbm4b:s2+s6], $0x80, s25, s6, $0xb8;
	[tilespmem:$0x8800] =	vst v63  }
0x51: {  	s26 =	sadd.s32 $0x7400, s30  }
0x52: {  	[hbm4b:s26+s3] =	stream.linear.scatter [tilespmem:s8], [sflag:$0x3], $0x4000, $0x38;
	[tilespmem:$0x8800] =	vst v63  }
0x53: {  	_ =	swait.ge [sflag:s4], $0x4000  }
0x54: {  	[sflag:s4] =	ssyncset.done $0x0  }
0x55: {  	[sflag:s4] =	ssyncadd.s32 $0xFFFFC000  }
0x56: {  	_ =	swait.ge [sflag:s9], $0x4000  }
0x57: {  	[sflag:s9] =	ssyncset.done $0x0  }
0x58: {  	s29 =	ssub.s32 $0x2, s29;
	s28 =	sadd.s32 $0x7C00, s30;
	[sflag:s9] =	ssyncadd.s32 $0xFFFFC000  }
0x59: {  	[hbm4b:s28+s3] =	stream.linear.scatter [tilespmem:s7], [sflag:$0x3], $0x4000, $0x38;
	[tilespmem:$0x8800] =	vst v63  }
0x5a: {  	s31 =	sshrl.u32 s29, $0x1;
	_ =	swait.ge [sflag:s4], $0x4000  }
0x5b: {  	s29 =	ssub.s32 s29, s31;
	[sflag:s4] =	ssyncset.done $0x0  }
0x5c: {  	s31 =	smax.u32 s29, $0x1;
	[sflag:s4] =	ssyncadd.s32 $0xFFFFC000  }
0x5d: {  	p0 =	sne.s32 s31, $0x1;
	_ =	swait.ge [sflag:s12], $0x4000  }
.Ltmp0:
0x5e: {  	[sflag:s12] =	ssyncset.done $0x0;
	(pc) =	sbr.rel @!p0 .LBB2_2-.Ltmp0, $4  }
0x5f: {  	s29 =	sadd.s32 $0x8400, s30;
	[sflag:s12] =	ssyncadd.s32 $0xFFFFC000  }
0x60: {  	[hbm4b:s29+s3] =	stream.linear.scatter [tilespmem:s8], [sflag:$0x3], $0x4000, $0x38;
	[tilespmem:$0x8800] =	vst v63  }
0x61: {  	_ =	swait.ge [sflag:s4], $0x4000  }
0x62: {  	s30 =	sadd.s32 $0xFFFFFFFF, s31;
	[sflag:s4] =	ssyncset.done $0x0  }
.LBB2_1:
0x63: {  	p0 =	sne.s32 s30, $0x1;
	s30 =	sadd.s32 $0xFFFFFFFF, s30;
	[sflag:s4] =	ssyncadd.s32 $0xFFFFC000  }
0x64: {  	[tilespmem:s3], [sflag:$0x3] =	stream.linear.gather [hbm4b:s5+s3], $0x500, $0x38;
	[tilespmem:$0x8800] =	vst v63  }
0x65: {  	_ =	swait.ge [sflag:s4], $0x500  }
0x66: {  	[sflag:s4] =	ssyncset.done $0x0  }
0x67: {  	[sflag:s4] =	ssyncadd.s32 $0xFFFFFB00  }
0x68: {  	[tilespmem:s7], [sflag:$0x1] =	stream.indirect.gather [hbm4b:s2+s6], $0x80, s3, s6, $0xb8;
	[tilespmem:$0x8800] =	vst v63  }
0x69: {  	_ = 	snop  }
0x6a: {  	[tilespmem:s8], [sflag:$0x2] =	stream.indirect.gather [hbm4b:s2+s6], $0x80, s6, s6, $0xb8;
	[tilespmem:$0x8800] =	vst v63  }
0x6b: {  	_ =	swait.ge [sflag:s9], $0x4000  }
0x6c: {  	[sflag:s9] =	ssyncset.done $0x0  }
0x6d: {  	[sflag:s9] =	ssyncadd.s32 $0xFFFFC000  }
0x6e: {  	[tilespmem:s7], [sflag:$0x1] =	stream.indirect.gather [hbm4b:s2+s6], $0x80, s10, s6, $0xb8;
	[tilespmem:$0x8800] =	vst v63  }
0x6f: {  	_ = 	snop  }
0x70: {  	[hbm4b:s11+s3] =	stream.linear.scatter [tilespmem:s7], [sflag:$0x3], $0x4000, $0x38;
	[tilespmem:$0x8800] =	vst v63  }
0x71: {  	_ =	swait.ge [sflag:s4], $0x4000  }
0x72: {  	[sflag:s4] =	ssyncset.done $0x0  }
0x73: {  	[sflag:s4] =	ssyncadd.s32 $0xFFFFC000  }
0x74: {  	_ =	swait.ge [sflag:s12], $0x4000  }
0x75: {  	[sflag:s12] =	ssyncset.done $0x0  }
0x76: {  	[sflag:s12] =	ssyncadd.s32 $0xFFFFC000  }
0x77: {  	[tilespmem:s8], [sflag:$0x2] =	stream.indirect.gather [hbm4b:s2+s6], $0x80, s13, s6, $0xb8;
	[tilespmem:$0x8800] =	vst v63  }
0x78: {  	_ = 	snop  }
0x79: {  	[hbm4b:s14+s3] =	stream.linear.scatter [tilespmem:s8], [sflag:$0x3], $0x4000, $0x38;
	[tilespmem:$0x8800] =	vst v63  }
0x7a: {  	_ =	swait.ge [sflag:s4], $0x4000  }
0x7b: {  	[sflag:s4] =	ssyncset.done $0x0  }
0x7c: {  	[sflag:s4] =	ssyncadd.s32 $0xFFFFC000  }
0x7d: {  	_ =	swait.ge [sflag:s9], $0x4000  }
0x7e: {  	[sflag:s9] =	ssyncset.done $0x0  }
0x7f: {  	[sflag:s9] =	ssyncadd.s32 $0xFFFFC000  }
0x80: {  	[tilespmem:s7], [sflag:$0x1] =	stream.indirect.gather [hbm4b:s2+s6], $0x80, s15, s6, $0xb8;
	[tilespmem:$0x8800] =	vst v63  }
0x81: {  	_ = 	snop  }
0x82: {  	[hbm4b:s16+s3] =	stream.linear.scatter [tilespmem:s7], [sflag:$0x3], $0x4000, $0x38;
	[tilespmem:$0x8800] =	vst v63  }
0x83: {  	_ =	swait.ge [sflag:s4], $0x4000  }
0x84: {  	[sflag:s4] =	ssyncset.done $0x0  }
0x85: {  	[sflag:s4] =	ssyncadd.s32 $0xFFFFC000  }
0x86: {  	_ =	swait.ge [sflag:s12], $0x4000  }
0x87: {  	[sflag:s12] =	ssyncset.done $0x0  }
0x88: {  	[sflag:s12] =	ssyncadd.s32 $0xFFFFC000  }
0x89: {  	[tilespmem:s8], [sflag:$0x2] =	stream.indirect.gather [hbm4b:s2+s6], $0x80, s17, s6, $0xb8;
	[tilespmem:$0x8800] =	vst v63  }
0x8a: {  	_ = 	snop  }
0x8b: {  	[hbm4b:s18+s3] =	stream.linear.scatter [tilespmem:s8], [sflag:$0x3], $0x4000, $0x38;
	[tilespmem:$0x8800] =	vst v63  }
0x8c: {  	_ =	swait.ge [sflag:s4], $0x4000  }
0x8d: {  	[sflag:s4] =	ssyncset.done $0x0  }
0x8e: {  	[sflag:s4] =	ssyncadd.s32 $0xFFFFC000  }
0x8f: {  	_ =	swait.ge [sflag:s9], $0x4000  }
0x90: {  	[sflag:s9] =	ssyncset.done $0x0  }
0x91: {  	[sflag:s9] =	ssyncadd.s32 $0xFFFFC000  }
0x92: {  	[tilespmem:s7], [sflag:$0x1] =	stream.indirect.gather [hbm4b:s2+s6], $0x80, s19, s6, $0xb8;
	[tilespmem:$0x8800] =	vst v63  }
0x93: {  	_ = 	snop  }
0x94: {  	[hbm4b:s20+s3] =	stream.linear.scatter [tilespmem:s7], [sflag:$0x3], $0x4000, $0x38;
	[tilespmem:$0x8800] =	vst v63  }
0x95: {  	_ =	swait.ge [sflag:s4], $0x4000  }
0x96: {  	[sflag:s4] =	ssyncset.done $0x0  }
0x97: {  	[sflag:s4] =	ssyncadd.s32 $0xFFFFC000  }
0x98: {  	_ =	swait.ge [sflag:s12], $0x4000  }
0x99: {  	[sflag:s12] =	ssyncset.done $0x0  }
0x9a: {  	[sflag:s12] =	ssyncadd.s32 $0xFFFFC000  }
0x9b: {  	[tilespmem:s8], [sflag:$0x2] =	stream.indirect.gather [hbm4b:s2+s6], $0x80, s21, s6, $0xb8;
	[tilespmem:$0x8800] =	vst v63  }
0x9c: {  	_ = 	snop  }
0x9d: {  	[hbm4b:s22+s3] =	stream.linear.scatter [tilespmem:s8], [sflag:$0x3], $0x4000, $0x38;
	[tilespmem:$0x8800] =	vst v63  }
0x9e: {  	_ =	swait.ge [sflag:s4], $0x4000  }
0x9f: {  	[sflag:s4] =	ssyncset.done $0x0  }
0xa0: {  	[sflag:s4] =	ssyncadd.s32 $0xFFFFC000  }
0xa1: {  	_ =	swait.ge [sflag:s9], $0x4000  }
0xa2: {  	[sflag:s9] =	ssyncset.done $0x0  }
0xa3: {  	[sflag:s9] =	ssyncadd.s32 $0xFFFFC000  }
0xa4: {  	[tilespmem:s7], [sflag:$0x1] =	stream.indirect.gather [hbm4b:s2+s6], $0x80, s23, s6, $0xb8;
	[tilespmem:$0x8800] =	vst v63  }
0xa5: {  	_ = 	snop  }
0xa6: {  	[hbm4b:s24+s3] =	stream.linear.scatter [tilespmem:s7], [sflag:$0x3], $0x4000, $0x38;
	[tilespmem:$0x8800] =	vst v63  }
0xa7: {  	_ =	swait.ge [sflag:s4], $0x4000  }
0xa8: {  	[sflag:s4] =	ssyncset.done $0x0  }
0xa9: {  	[sflag:s4] =	ssyncadd.s32 $0xFFFFC000  }
0xaa: {  	_ =	swait.ge [sflag:s12], $0x4000  }
0xab: {  	[sflag:s12] =	ssyncset.done $0x0  }
0xac: {  	[sflag:s12] =	ssyncadd.s32 $0xFFFFC000  }
0xad: {  	[tilespmem:s8], [sflag:$0x2] =	stream.indirect.gather [hbm4b:s2+s6], $0x80, s25, s6, $0xb8;
	[tilespmem:$0x8800] =	vst v63  }
0xae: {  	_ = 	snop  }
0xaf: {  	[hbm4b:s26+s3] =	stream.linear.scatter [tilespmem:s8], [sflag:$0x3], $0x4000, $0x38;
	[tilespmem:$0x8800] =	vst v63  }
0xb0: {  	_ =	swait.ge [sflag:s4], $0x4000  }
0xb1: {  	[sflag:s4] =	ssyncset.done $0x0  }
0xb2: {  	[sflag:s4] =	ssyncadd.s32 $0xFFFFC000  }
0xb3: {  	_ =	swait.ge [sflag:s9], $0x4000  }
0xb4: {  	[sflag:s9] =	ssyncset.done $0x0  }
0xb5: {  	[sflag:s9] =	ssyncadd.s32 $0xFFFFC000  }
0xb6: {  	[hbm4b:s28+s3] =	stream.linear.scatter [tilespmem:s7], [sflag:$0x3], $0x4000, $0x38;
	[tilespmem:$0x8800] =	vst v63  }
0xb7: {  	_ =	swait.ge [sflag:s4], $0x4000  }
0xb8: {  	[sflag:s4] =	ssyncset.done $0x0  }
0xb9: {  	[sflag:s4] =	ssyncadd.s32 $0xFFFFC000  }
0xba: {  	_ =	swait.ge [sflag:s12], $0x4000  }
.Ltmp1:
0xbb: {  	[sflag:s12] =	ssyncset.done $0x0;
	(pc) =	sbr.rel @p0 .LBB2_1-.Ltmp1, $4  }
0xbc: {  	[sflag:s12] =	ssyncadd.s32 $0xFFFFC000  }
0xbd: {  	[hbm4b:s29+s3] =	stream.linear.scatter [tilespmem:s8], [sflag:$0x3], $0x4000, $0x38;
	[tilespmem:$0x8800] =	vst v63  }
0xbe: {  	_ =	swait.ge [sflag:s4], $0x4000  }
0xbf: {  	[sflag:s4] =	ssyncset.done $0x0  }
.LBB2_2:
0xc0: {  	[sflag:s4] =	ssyncadd.s32 $0xFFFFC000  }
0xc1: {  	_ =	sfence.sel $0x180000  }
0xc2: {  	[bflag:$0x0] =	sbarrier.arrive $0xFFFF  }
0xc3: {  	p0 =	sne.s32 s0, $0x0;
	_ =	strace $0x90000053  }
0xc4: {  	s0 =	sadd.s32 @!p0 $0x100000, s1;
	[bflag:$0x2] =	sbarrier.arrive $0xFFFF  }
0xc5: {  	[sflag:s0] =	ssyncadd.tile.s32 @!p0 $0x1;
	_ =	shalt  }
.Lfunc_end2:
_tile_overlayer_lowered:
.L_overlay_start_2:
0xc6: {  	(tag) =	ssettag $0x2  }
0xc7: {  	s0 =	rddreg [dreg:$0x0];
	s2 =	stileid.u32  }
0xc8: {  	s1 =	rddreg [dreg:$0x1];
	p0 =	sne.s32 s2, $0x0  }
0xc9: {  	s3 =	rddreg [dreg:$0x2];
	[bflag:$0x3] =	sbarrier.arrive $0xFFFF;
	s2 =	simm.s32 @!p0 $0x1C03  }
0xca: {  	[timem:s3], [sflag:s2] =	dma.local @!p0 [hbm:s0], s1  }
0xcb: {  	s0 =	simm.s32 @!p0 $0x3  }
0xcc: {  	_ =	swait.ge @!p0 [sflag:s0], s1  }
0xcd: {  	s1 =	ssub.s32 @!p0 $0x0, s1;
	[sflag:s0] =	ssyncset.done @!p0 $0x0  }
0xce: {  	[sflag:s0] =	ssyncadd.s32 @!p0 s1  }
0xcf: {  	[bflag:$0x3] =	sbarrier.arrive $0xFFFF  }
0xd0: {  	_ =	shalt  }

</sc_bundles>
